<compile_context>
chip_gen: v7x
topology: tpu7x:2x2x1
jax: 0.10.2.dev20260603
libtpu: 0.0.44.dev20260713+nightly
codegen_flags: <defaults>
</compile_context>

<pallas_src>
import functools
import jax
import jax.numpy as jnp
from jax import lax
from jax.experimental import pallas as pl
from jax.experimental.pallas import tpu as pltpu
from jax.experimental.pallas import tpu_sc as plsc

N = 10000
E = 320000
F_IN = 128
F = 256
H = 128
Q = 2
W64 = H // Q
NC, NS = 2, 16
C = 80
NBUF = 5
EPT = E // NS
NCH = EPT // C
EPW = E // (NC * NS)
NCH_D = EPW // C
RPT = 624
RB = 1000

_mesh = plsc.VectorSubcoreMesh(core_axis_name="c", subcore_axis_name="s",
                               num_cores=NC, num_subcores=NS)


def _zero_vmem(buf, rows, width):
    z = jnp.zeros((16,), jnp.float32)

    def zr(r, _):
        def zc(k, _):
            buf[r, pl.ds(k * 16, 16)] = z
            return 0
        lax.fori_loop(0, width // 16, zc, 0)
        return 0
    lax.fori_loop(0, rows, zr, 0)


def _zero_stripe(acc, zbuf, base, rows, chunk, sem):
    nfull = rows // chunk
    rem = rows % chunk
    ds = []
    for t in range(nfull):
        ds.append(pltpu.async_copy(
            zbuf, acc.at[pl.ds(base + t * chunk, chunk)], sem))
    if rem:
        ds.append(pltpu.async_copy(
            zbuf.at[pl.ds(0, rem)],
            acc.at[pl.ds(base + nfull * chunk, rem)], sem))
    for d in ds:
        d.wait()


@functools.partial(
    pl.kernel,
    out_type=jax.ShapeDtypeStruct((NC, N, 16), jnp.float32),
    mesh=_mesh,
    scratch_types=[
        pltpu.VMEM((NCH_D, C), jnp.int32),
        pltpu.VMEM((C, 16), jnp.float32),
        pltpu.VMEM((C, 16), jnp.float32),
        pltpu.VMEM_SHARED((N, 16), jnp.float32),
        pltpu.SemaphoreType.DMA,
    ],
    compiler_params=pltpu.CompilerParams(use_tc_tiling_on_sc=False),
)
def _deg_kernel(dst_hbm, out_hbm, dstbuf, onesbuf, zbuf, acc, zsem):
    c = lax.axis_index("c")
    s = lax.axis_index("s")
    w = s * NC + c
    e0 = jnp.where(lax.iota(jnp.int32, 16) == 0, 1.0, 0.0).astype(jnp.float32)
    z = jnp.zeros((16,), jnp.float32)

    def fill(r, _):
        onesbuf[r] = e0
        zbuf[r] = z
        return 0
    lax.fori_loop(0, C, fill, 0)

    base = pl.multiple_of(s * RPT, 8)
    _zero_stripe(acc, zbuf, base, RPT, C, zsem)

    @pl.when(s == NS - 1)
    def _():
        _zero_stripe(acc, zbuf, N - 16, 16, C, zsem)

    plsc.subcore_barrier()

    pltpu.sync_copy(dst_hbm.at[w], dstbuf)

    def body(j, _):
        pltpu.async_copy(onesbuf, acc.at[dstbuf.at[j]], zsem, add=True)
        return 0
    lax.fori_loop(0, NCH_D, body, 0)

    def drain(j, _):
        pltpu.make_async_copy(onesbuf, acc.at[dstbuf.at[0]], zsem).wait()
        return 0
    lax.fori_loop(0, NCH_D, drain, 0)

    plsc.subcore_barrier()
    pltpu.sync_copy(acc.at[pl.ds(base, RPT)],
                    out_hbm.at[c].at[pl.ds(base, RPT)])

    @pl.when(s == NS - 1)
    def _():
        pltpu.sync_copy(acc.at[pl.ds(N - 16, 16)],
                        out_hbm.at[c].at[pl.ds(N - 16, 16)])


@functools.partial(
    pl.kernel,
    out_type=jax.ShapeDtypeStruct((N, F), jnp.float32),
    mesh=_mesh,
    scratch_types=[
        pltpu.VMEM((NCH, C), jnp.int32),
        pltpu.VMEM((NCH, C), jnp.int32),
        [pltpu.VMEM((C, W64), jnp.float32) for _ in range(NBUF)],
        pltpu.VMEM((C, W64), jnp.float32),
        pltpu.VMEM_SHARED((N, W64), jnp.float32),
        [pltpu.SemaphoreType.DMA for _ in range(NBUF)],
        [pltpu.SemaphoreType.DMA for _ in range(NBUF)],
        pltpu.SemaphoreType.DMA,
    ],
    compiler_params=pltpu.CompilerParams(use_tc_tiling_on_sc=False),
)
def _prop_kernel(h4_hbm, src_hbm, dst_hbm, out_hbm,
                 srcbuf, dstbuf, gbufs, zbuf, acc, gsems, ssems, zsem):
    c = lax.axis_index("c")
    s = lax.axis_index("s")

    _zero_vmem(zbuf, C, W64)
    base = pl.multiple_of(s * RPT, 8)

    pltpu.sync_copy(src_hbm.at[s], srcbuf)
    pltpu.sync_copy(dst_hbm.at[s], dstbuf)

    for q in range(Q):
        _zero_stripe(acc, zbuf, base, RPT, C, zsem)

        @pl.when(s == NS - 1)
        def _():
            _zero_stripe(acc, zbuf, N - 16, 16, C, zsem)

        plsc.subcore_barrier()

        tab = h4_hbm.at[c].at[q]

        for b in range(NBUF):
            pltpu.async_copy(tab.at[srcbuf.at[b]], gbufs[b], gsems[b])

        def body(i, _):
            sds = []
            for b in range(NBUF):
                j = i * NBUF + b
                pltpu.make_async_copy(tab.at[srcbuf.at[0]],
                                      gbufs[b], gsems[b]).wait()
                sds.append(pltpu.async_copy(gbufs[b], acc.at[dstbuf.at[j]],
                                            ssems[b], add=True))
            for b in range(NBUF):
                j = i * NBUF + b + NBUF
                sds[b].wait()

                @pl.when(j < NCH)
                def _():
                    pltpu.async_copy(tab.at[srcbuf.at[j]], gbufs[b], gsems[b])
            return 0
        lax.fori_loop(0, NCH // NBUF, body, 0)

        plsc.subcore_barrier()

        outq = out_hbm.at[:, pl.ds(c * H + q * W64, W64)]
        pltpu.sync_copy(acc.at[pl.ds(base, RPT)], outq.at[pl.ds(base, RPT)])

        @pl.when(s == NS - 1)
        def _():
            pltpu.sync_copy(acc.at[pl.ds(N - 16, 16)],
                            outq.at[pl.ds(N - 16, 16)])

        plsc.subcore_barrier()


def _dis_from_degp(degp_blk):
    deg = jnp.sum(degp_blk, axis=(0, 2)) + 1.0
    return lax.rsqrt(deg)


def _hp0_body(x_ref, degp_ref, o_ref):
    deg = jnp.sum(degp_ref[...], axis=(0, 2)) + 1.0
    rdis = jnp.sqrt(deg).reshape(RB, 1)
    o_ref[:, :F_IN] = x_ref[...] * rdis
    o_ref[:, F_IN:] = jnp.zeros((RB, F - F_IN), jnp.float32)


def _mm_body(s_ref, hp_ref, degp_ref, w_ref, flag_ref, o_ref, oq_ref):
    dis = _dis_from_degp(degp_ref[...]).reshape(RB, 1)
    v = s_ref[...] + hp_ref[...]
    is_first = flag_ref[0, 0] > 0.0
    act = dis * jnp.where(is_first, v, jax.nn.relu(v))
    h = lax.dot_general(act, w_ref[...], (((1,), (1,)), ((), ())),
                        preferred_element_type=jnp.float32)
    hp = dis * h
    o_ref[...] = hp
    for ci in range(NC):
        for qi in range(Q):
            lo = ci * H + qi * W64
            oq_ref[ci, qi] = hp[:, lo:lo + W64]


def _final_body(s_ref, hp_ref, degp_ref, o_ref):
    dis = _dis_from_degp(degp_ref[...]).reshape(RB, 1)
    o_ref[...] = dis * (s_ref[...] + hp_ref[...])


def _hp0(x, degp):
    return pl.pallas_call(
        _hp0_body,
        out_shape=jax.ShapeDtypeStruct((N, F), jnp.float32),
        grid=(N // RB,),
        in_specs=[
            pl.BlockSpec((RB, F_IN), lambda r: (r, 0)),
            pl.BlockSpec((NC, RB, 16), lambda r: (0, r, 0)),
        ],
        out_specs=pl.BlockSpec((RB, F), lambda r: (r, 0)),
    )(x, degp)


def _mm(s, hp, degp, wr, flag):
    return pl.pallas_call(
        _mm_body,
        out_shape=[jax.ShapeDtypeStruct((N, F), jnp.float32),
                   jax.ShapeDtypeStruct((NC, Q, N, W64), jnp.float32)],
        grid=(N // RB,),
        in_specs=[
            pl.BlockSpec((RB, F), lambda r: (r, 0)),
            pl.BlockSpec((RB, F), lambda r: (r, 0)),
            pl.BlockSpec((NC, RB, 16), lambda r: (0, r, 0)),
            pl.BlockSpec((F, F), lambda r: (0, 0)),
            pl.BlockSpec((1, 1), lambda r: (0, 0)),
        ],
        out_specs=[pl.BlockSpec((RB, F), lambda r: (r, 0)),
                   pl.BlockSpec((NC, Q, RB, W64), lambda r: (0, 0, r, 0))],
    )(s, hp, degp, wr, flag)


def _final(s, hp, degp):
    return pl.pallas_call(
        _final_body,
        out_shape=jax.ShapeDtypeStruct((N, F), jnp.float32),
        grid=(N // RB,),
        in_specs=[
            pl.BlockSpec((RB, F), lambda r: (r, 0)),
            pl.BlockSpec((RB, F), lambda r: (r, 0)),
            pl.BlockSpec((NC, RB, 16), lambda r: (0, r, 0)),
        ],
        out_specs=pl.BlockSpec((RB, F), lambda r: (r, 0)),
    )(s, hp, degp)


def kernel(x, edge_index, W1, W2, W3):
    ei = edge_index.astype(jnp.int32)
    src3 = ei[0].reshape(NS, NCH, C)
    dst3 = ei[1].reshape(NS, NCH, C)
    dst4 = ei[1].reshape(NC * NS, NCH_D, C)

    degp = _deg_kernel(dst4)

    w1p = jnp.pad(W1, ((0, 0), (0, F - F_IN)))
    wstack = jnp.stack([w1p, W2, W3])
    flags = jnp.array([1.0, 0.0, 0.0], jnp.float32).reshape(3, 1, 1)

    hp0 = _hp0(x, degp)
    s0 = jnp.zeros((N, F), jnp.float32)

    def step(carry, xs):
        s_prev, hp_prev = carry
        wl, flag = xs
        hp, hp_q = _mm(s_prev, hp_prev, degp, wl, flag)
        s = _prop_kernel(hp_q, src3, dst3)
        return (s, hp), None

    (s3, hp3), _ = lax.scan(step, (s0, hp0), (wstack, flags))
    return _final(s3, hp3, degp)

# --- scband reference (transcript-rebuilt; emitter-appended) ---
"""Pipeline reference for scband-gnn-4569845203242 (READ-ONLY COPY).

The authoritative reference and input builder live on the scoring server;
editing this copy changes nothing except your own understanding.
"""

import jax, jax.numpy as jnp
import numpy as np

N_NODES = 10000
N_EDGES = 320000


def gcn_conv(x, edge_index, W):
    # Faithful GCNConv (PyG defaults): add self-loops, symmetric normalization,
    # linear transform (no bias), scatter-add aggregation src -> dst.
    N = x.shape[0]
    src = edge_index[0]
    dst = edge_index[1]
    loop = jnp.arange(N, dtype=edge_index.dtype)
    src = jnp.concatenate([src, loop])
    dst = jnp.concatenate([dst, loop])
    ones = jnp.ones(src.shape[0], dtype=x.dtype)
    deg = jax.ops.segment_sum(ones, dst, num_segments=N)
    deg_inv_sqrt = jnp.where(deg > 0, deg ** -0.5, 0.0)
    norm = deg_inv_sqrt[src] * deg_inv_sqrt[dst]
    h = x @ W.T  # PyG Linear: weight shape [out, in]
    msg = h[src] * norm[:, None]
    out = jax.ops.segment_sum(msg, dst, num_segments=N)
    return out


def setup_inputs(seed: int = 0) -> dict:
    key = jax.random.key(seed)
    k1, k2, k3, k4, k5 = jax.random.split(key, 5)
    x = jax.random.normal(k1, (N_NODES, 128), dtype=jnp.float32)
    edge_index = jax.random.randint(k2, (2, N_EDGES), 0, N_NODES, dtype=jnp.int64)
    # Glorot-like init for the three GCN layers (bias=False)
    W1 = jax.random.normal(k3, (256, 128), dtype=jnp.float32) * (2.0 / (128 + 256)) ** 0.5
    W2 = jax.random.normal(k4, (256, 256), dtype=jnp.float32) * (2.0 / (256 + 256)) ** 0.5
    W3 = jax.random.normal(k5, (256, 256), dtype=jnp.float32) * (2.0 / (256 + 256)) ** 0.5
    return {"x": x, "edge_index": edge_index, "W1": W1, "W2": W2, "W3": W3}


def reference(x, edge_index, W1, W2, W3):
    h = gcn_conv(x, edge_index, W1)
    h = jax.nn.relu(h)
    h = gcn_conv(h, edge_index, W2)
    h = jax.nn.relu(h)
    h = gcn_conv(h, edge_index, W3)
    return h

if __name__ == "__main__":
    import jax
    _d = setup_inputs()
    print(jax.jit(kernel)(*tuple(_d.values())))

</pallas_src>

<mosaic_0001>
#map = affine_map<(d0, d1) -> (0, 0, 0, 0)>
#map1 = affine_map<(d0, d1) -> (0, 0, 0)>
#map2 = affine_map<(d0, d1) -> (0, 0)>
module attributes {stable_mosaic.version = 14 : i64} {
  func.func @_prop_kernel(%arg0: i32, %arg1: i32, %arg2: memref<2x2x10000x64xf32, #tpu.memory_space<hbm>>, %arg3: memref<16x250x80xi32, #tpu.memory_space<hbm>>, %arg4: memref<16x250x80xi32, #tpu.memory_space<hbm>>, %arg5: memref<10000x256xf32, #tpu.memory_space<hbm>>, %arg6: memref<250x80xi32, #tpu.memory_space<vmem>>, %arg7: memref<250x80xi32, #tpu.memory_space<vmem>>, %arg8: memref<80x64xf32, #tpu.memory_space<vmem>>, %arg9: memref<80x64xf32, #tpu.memory_space<vmem>>, %arg10: memref<80x64xf32, #tpu.memory_space<vmem>>, %arg11: memref<80x64xf32, #tpu.memory_space<vmem>>, %arg12: memref<80x64xf32, #tpu.memory_space<vmem>>, %arg13: memref<80x64xf32, #tpu.memory_space<vmem>>, %arg14: memref<10000x64xf32, #tpu.memory_space<vmem_shared>>, %arg15: memref<!tpu.dma_semaphore, #tpu.memory_space<semaphore_mem>>, %arg16: memref<!tpu.dma_semaphore, #tpu.memory_space<semaphore_mem>>, %arg17: memref<!tpu.dma_semaphore, #tpu.memory_space<semaphore_mem>>, %arg18: memref<!tpu.dma_semaphore, #tpu.memory_space<semaphore_mem>>, %arg19: memref<!tpu.dma_semaphore, #tpu.memory_space<semaphore_mem>>, %arg20: memref<!tpu.dma_semaphore, #tpu.memory_space<semaphore_mem>>, %arg21: memref<!tpu.dma_semaphore, #tpu.memory_space<semaphore_mem>>, %arg22: memref<!tpu.dma_semaphore, #tpu.memory_space<semaphore_mem>>, %arg23: memref<!tpu.dma_semaphore, #tpu.memory_space<semaphore_mem>>, %arg24: memref<!tpu.dma_semaphore, #tpu.memory_space<semaphore_mem>>, %arg25: memref<!tpu.dma_semaphore, #tpu.memory_space<semaphore_mem>>) attributes {dimension_semantics = [#tpu.dimension_semantics<core_parallel>, #tpu.dimension_semantics<subcore_parallel>], iteration_bounds = array<i64: 2, 16>, scalar_prefetch = 0 : i64, scratch_operands = 20 : i64, tpu.core_type = #tpu.core_type<sc_vector_subcore>, window_params = [{transform_indices = #map}, {transform_indices = #map1}, {transform_indices = #map1}, {transform_indices = #map2}]} {
    %broadcast_in_dim3A = arith.constant 0.000000e+00 : f32
    %broadcast_in_dim3A_0 = vector.broadcast %broadcast_in_dim3A : f32 to vector<16xf32>
    %scan3A = arith.constant 0 : i32
    %scan3A_1 = arith.constant 0 : i32
    %scan3A_2 = arith.constant 80 : i32
    %scan3A_3 = arith.addi %scan3A_1, %scan3A_2 : i32
    %scan3A_4 = arith.constant 1 : i32
    %scan3A_5 = scf.for %scan3A_405 = %scan3A_1 to %scan3A_3 step %scan3A_4 iter_args(%scan3A_406 = %scan3A) -> (i32)  : i32 {
      %scan3A_407 = arith.constant 0 : i32
      %scan3A_408 = arith.constant 0 : i32
      %scan3A_409 = arith.constant 4 : i32
      %scan3A_410 = arith.addi %scan3A_408, %scan3A_409 : i32
      %scan3A_411 = arith.constant 1 : i32
      %scan3A_412 = scf.for %scan3A_415 = %scan3A_408 to %scan3A_410 step %scan3A_411 iter_args(%scan3A_416 = %scan3A_407) -> (i32)  : i32 {
        %mul3A_417 = arith.constant 16 : i32
        %mul3A_418 = arith.muli %scan3A_415, %mul3A_417 : i32
        %swap3A = arith.index_cast %scan3A_405 : i32 to index
        %swap3A_419 = arith.index_cast %mul3A_418 : i32 to index
        %swap3A_420 = tpu.vector_load %arg13[%swap3A, %swap3A_419] {strides = array<i32>} : memref<80x64xf32, #tpu.memory_space<vmem>>, vector<1x16xf32>,
        %swap3A_421 = vector.shape_cast %swap3A_420 : vector<1x16xf32> to vector<16xf32>
        %swap3A_422 = vector.shape_cast %broadcast_in_dim3A_0 : vector<16xf32> to vector<1x16xf32>
        tpu.vector_store %arg13[%swap3A, %swap3A_419], %swap3A_422 {strides = array<i32>} : memref<80x64xf32, #tpu.memory_space<vmem>>, vector<1x16xf32>,
        %scan3A_423 = arith.constant 0 : i32
        scf.yield %scan3A_423 : i32
      }
      %scan3A_413 = arith.constant 4 : i32
      %scan3A_414 = arith.constant 0 : i32
      scf.yield %scan3A_414 : i32
    }
    %scan3A_6 = arith.constant 80 : i32
    %mul3A = arith.constant 624 : i32
    %mul3A_7 = arith.muli %arg1, %mul3A : i32
    %multiple_of3A = tpu.assume_multiple %mul3A_7, 8 : i32
    "tpu.region"() ({
      %run_scoped3A = tpu.sem_alloc : memref<!tpu.dma_semaphore, #tpu.memory_space<semaphore_mem>>
      %dma_start3A_405 = arith.constant 0 : i32
      %dma_start3A_406 = arith.constant 0 : i32
      %dma_start3A_407 = tpu.memref_slice %arg3[%arg1, %dma_start3A_405, %dma_start3A_406] : memref<16x250x80xi32, #tpu.memory_space<hbm>> -> memref<1x250x80xi32, #tpu.memory_space<hbm>>
      %dma_start3A_408 = tpu.memref_squeeze %dma_start3A_407 : memref<1x250x80xi32, #tpu.memory_space<hbm>> -> memref<250x80xi32, #tpu.memory_space<hbm>>
      %dma_start3A_409 = arith.constant 0 : i32
      %dma_start3A_410 = arith.constant 0 : i32
      %dma_start3A_411 = tpu.memref_slice %arg3[%arg1, %dma_start3A_409, %dma_start3A_410] : memref<16x250x80xi32, #tpu.memory_space<hbm>> -> memref<1x250x80xi32, #tpu.memory_space<hbm>>
      %dma_start3A_412 = tpu.memref_squeeze %dma_start3A_411 : memref<1x250x80xi32, #tpu.memory_space<hbm>> -> memref<250x80xi32, #tpu.memory_space<hbm>>
      tpu.enqueue_dma source(%dma_start3A_412 : memref<250x80xi32, #tpu.memory_space<hbm>>) target(%arg6 : memref<250x80xi32, #tpu.memory_space<vmem>>) target_semaphore(%run_scoped3A : memref<!tpu.dma_semaphore, #tpu.memory_space<semaphore_mem>>)
      %dma_wait3A_413 = arith.constant 0 : i32
      %dma_wait3A_414 = arith.constant 0 : i32
      %dma_wait3A_415 = tpu.memref_slice %arg3[%arg1, %dma_wait3A_413, %dma_wait3A_414] : memref<16x250x80xi32, #tpu.memory_space<hbm>> -> memref<1x250x80xi32, #tpu.memory_space<hbm>>
      %dma_wait3A_416 = tpu.memref_squeeze %dma_wait3A_415 : memref<1x250x80xi32, #tpu.memory_space<hbm>> -> memref<250x80xi32, #tpu.memory_space<hbm>>
      %dma_wait3A_417 = arith.constant 0 : i32
      %dma_wait3A_418 = arith.constant 0 : i32
      %dma_wait3A_419 = tpu.memref_slice %arg3[%arg1, %dma_wait3A_417, %dma_wait3A_418] : memref<16x250x80xi32, #tpu.memory_space<hbm>> -> memref<1x250x80xi32, #tpu.memory_space<hbm>>
      %dma_wait3A_420 = tpu.memref_squeeze %dma_wait3A_419 : memref<1x250x80xi32, #tpu.memory_space<hbm>> -> memref<250x80xi32, #tpu.memory_space<hbm>>
      tpu.wait_dma2 semaphore(%run_scoped3A : memref<!tpu.dma_semaphore, #tpu.memory_space<semaphore_mem>>) src(%dma_wait3A_420 : memref<250x80xi32, #tpu.memory_space<hbm>>) dst(%arg6 : memref<250x80xi32, #tpu.memory_space<vmem>>)
      tpu.yield
    }) : () -> ()
    "tpu.region"() ({
      %run_scoped3A = tpu.sem_alloc : memref<!tpu.dma_semaphore, #tpu.memory_space<semaphore_mem>>
      %dma_start3A_405 = arith.constant 0 : i32
      %dma_start3A_406 = arith.constant 0 : i32
      %dma_start3A_407 = tpu.memref_slice %arg4[%arg1, %dma_start3A_405, %dma_start3A_406] : memref<16x250x80xi32, #tpu.memory_space<hbm>> -> memref<1x250x80xi32, #tpu.memory_space<hbm>>
      %dma_start3A_408 = tpu.memref_squeeze %dma_start3A_407 : memref<1x250x80xi32, #tpu.memory_space<hbm>> -> memref<250x80xi32, #tpu.memory_space<hbm>>
      %dma_start3A_409 = arith.constant 0 : i32
      %dma_start3A_410 = arith.constant 0 : i32
      %dma_start3A_411 = tpu.memref_slice %arg4[%arg1, %dma_start3A_409, %dma_start3A_410] : memref<16x250x80xi32, #tpu.memory_space<hbm>> -> memref<1x250x80xi32, #tpu.memory_space<hbm>>
      %dma_start3A_412 = tpu.memref_squeeze %dma_start3A_411 : memref<1x250x80xi32, #tpu.memory_space<hbm>> -> memref<250x80xi32, #tpu.memory_space<hbm>>
      tpu.enqueue_dma source(%dma_start3A_412 : memref<250x80xi32, #tpu.memory_space<hbm>>) target(%arg7 : memref<250x80xi32, #tpu.memory_space<vmem>>) target_semaphore(%run_scoped3A : memref<!tpu.dma_semaphore, #tpu.memory_space<semaphore_mem>>)
      %dma_wait3A_413 = arith.constant 0 : i32
      %dma_wait3A_414 = arith.constant 0 : i32
      %dma_wait3A_415 = tpu.memref_slice %arg4[%arg1, %dma_wait3A_413, %dma_wait3A_414] : memref<16x250x80xi32, #tpu.memory_space<hbm>> -> memref<1x250x80xi32, #tpu.memory_space<hbm>>
      %dma_wait3A_416 = tpu.memref_squeeze %dma_wait3A_415 : memref<1x250x80xi32, #tpu.memory_space<hbm>> -> memref<250x80xi32, #tpu.memory_space<hbm>>
      %dma_wait3A_417 = arith.constant 0 : i32
      %dma_wait3A_418 = arith.constant 0 : i32
      %dma_wait3A_419 = tpu.memref_slice %arg4[%arg1, %dma_wait3A_417, %dma_wait3A_418] : memref<16x250x80xi32, #tpu.memory_space<hbm>> -> memref<1x250x80xi32, #tpu.memory_space<hbm>>
      %dma_wait3A_420 = tpu.memref_squeeze %dma_wait3A_419 : memref<1x250x80xi32, #tpu.memory_space<hbm>> -> memref<250x80xi32, #tpu.memory_space<hbm>>
      tpu.wait_dma2 semaphore(%run_scoped3A : memref<!tpu.dma_semaphore, #tpu.memory_space<semaphore_mem>>) src(%dma_wait3A_420 : memref<250x80xi32, #tpu.memory_space<hbm>>) dst(%arg7 : memref<250x80xi32, #tpu.memory_space<vmem>>)
      tpu.yield
    }) : () -> ()
    %add3A = arith.constant 0 : i32
    %add3A_8 = arith.addi %multiple_of3A, %add3A : i32
    %dma_start3A = arith.constant 0 : i32
    %dma_start3A_9 = tpu.memref_slice %arg14[%add3A_8, %dma_start3A] : memref<10000x64xf32, #tpu.memory_space<vmem_shared>> -> memref<80x64xf32, #tpu.memory_space<vmem_shared>>
    %dma_start3A_10 = arith.constant 0 : i32
    %dma_start3A_11 = tpu.memref_slice %arg14[%add3A_8, %dma_start3A_10] : memref<10000x64xf32, #tpu.memory_space<vmem_shared>> -> memref<80x64xf32, #tpu.memory_space<vmem_shared>>
    tpu.enqueue_dma source(%arg13 : memref<80x64xf32, #tpu.memory_space<vmem>>) target(%dma_start3A_11 : memref<80x64xf32, #tpu.memory_space<vmem_shared>>) target_semaphore(%arg25 : memref<!tpu.dma_semaphore, #tpu.memory_space<semaphore_mem>>)
    %add3A_12 = arith.constant 80 : i32
    %add3A_13 = arith.addi %multiple_of3A, %add3A_12 : i32
    %dma_start3A_14 = arith.constant 0 : i32
    %dma_start3A_15 = tpu.memref_slice %arg14[%add3A_13, %dma_start3A_14] : memref<10000x64xf32, #tpu.memory_space<vmem_shared>> -> memref<80x64xf32, #tpu.memory_space<vmem_shared>>
    %dma_start3A_16 = arith.constant 0 : i32
    %dma_start3A_17 = tpu.memref_slice %arg14[%add3A_13, %dma_start3A_16] : memref<10000x64xf32, #tpu.memory_space<vmem_shared>> -> memref<80x64xf32, #tpu.memory_space<vmem_shared>>
    tpu.enqueue_dma source(%arg13 : memref<80x64xf32, #tpu.memory_space<vmem>>) target(%dma_start3A_17 : memref<80x64xf32, #tpu.memory_space<vmem_shared>>) target_semaphore(%arg25 : memref<!tpu.dma_semaphore, #tpu.memory_space<semaphore_mem>>)
    %add3A_18 = arith.constant 160 : i32
    %add3A_19 = arith.addi %multiple_of3A, %add3A_18 : i32
    %dma_start3A_20 = arith.constant 0 : i32
    %dma_start3A_21 = tpu.memref_slice %arg14[%add3A_19, %dma_start3A_20] : memref<10000x64xf32, #tpu.memory_space<vmem_shared>> -> memref<80x64xf32, #tpu.memory_space<vmem_shared>>
    %dma_start3A_22 = arith.constant 0 : i32
    %dma_start3A_23 = tpu.memref_slice %arg14[%add3A_19, %dma_start3A_22] : memref<10000x64xf32, #tpu.memory_space<vmem_shared>> -> memref<80x64xf32, #tpu.memory_space<vmem_shared>>
    tpu.enqueue_dma source(%arg13 : memref<80x64xf32, #tpu.memory_space<vmem>>) target(%dma_start3A_23 : memref<80x64xf32, #tpu.memory_space<vmem_shared>>) target_semaphore(%arg25 : memref<!tpu.dma_semaphore, #tpu.memory_space<semaphore_mem>>)
    %add3A_24 = arith.constant 240 : i32
    %add3A_25 = arith.addi %multiple_of3A, %add3A_24 : i32
    %dma_start3A_26 = arith.constant 0 : i32
    %dma_start3A_27 = tpu.memref_slice %arg14[%add3A_25, %dma_start3A_26] : memref<10000x64xf32, #tpu.memory_space<vmem_shared>> -> memref<80x64xf32, #tpu.memory_space<vmem_shared>>
    %dma_start3A_28 = arith.constant 0 : i32
    %dma_start3A_29 = tpu.memref_slice %arg14[%add3A_25, %dma_start3A_28] : memref<10000x64xf32, #tpu.memory_space<vmem_shared>> -> memref<80x64xf32, #tpu.memory_space<vmem_shared>>
    tpu.enqueue_dma source(%arg13 : memref<80x64xf32, #tpu.memory_space<vmem>>) target(%dma_start3A_29 : memref<80x64xf32, #tpu.memory_space<vmem_shared>>) target_semaphore(%arg25 : memref<!tpu.dma_semaphore, #tpu.memory_space<semaphore_mem>>)
    %add3A_30 = arith.constant 320 : i32
    %add3A_31 = arith.addi %multiple_of3A, %add3A_30 : i32
    %dma_start3A_32 = arith.constant 0 : i32
    %dma_start3A_33 = tpu.memref_slice %arg14[%add3A_31, %dma_start3A_32] : memref<10000x64xf32, #tpu.memory_space<vmem_shared>> -> memref<80x64xf32, #tpu.memory_space<vmem_shared>>
    %dma_start3A_34 = arith.constant 0 : i32
    %dma_start3A_35 = tpu.memref_slice %arg14[%add3A_31, %dma_start3A_34] : memref<10000x64xf32, #tpu.memory_space<vmem_shared>> -> memref<80x64xf32, #tpu.memory_space<vmem_shared>>
    tpu.enqueue_dma source(%arg13 : memref<80x64xf32, #tpu.memory_space<vmem>>) target(%dma_start3A_35 : memref<80x64xf32, #tpu.memory_space<vmem_shared>>) target_semaphore(%arg25 : memref<!tpu.dma_semaphore, #tpu.memory_space<semaphore_mem>>)
    %add3A_36 = arith.constant 400 : i32
    %add3A_37 = arith.addi %multiple_of3A, %add3A_36 : i32
    %dma_start3A_38 = arith.constant 0 : i32
    %dma_start3A_39 = tpu.memref_slice %arg14[%add3A_37, %dma_start3A_38] : memref<10000x64xf32, #tpu.memory_space<vmem_shared>> -> memref<80x64xf32, #tpu.memory_space<vmem_shared>>
    %dma_start3A_40 = arith.constant 0 : i32
    %dma_start3A_41 = tpu.memref_slice %arg14[%add3A_37, %dma_start3A_40] : memref<10000x64xf32, #tpu.memory_space<vmem_shared>> -> memref<80x64xf32, #tpu.memory_space<vmem_shared>>
    tpu.enqueue_dma source(%arg13 : memref<80x64xf32, #tpu.memory_space<vmem>>) target(%dma_start3A_41 : memref<80x64xf32, #tpu.memory_space<vmem_shared>>) target_semaphore(%arg25 : memref<!tpu.dma_semaphore, #tpu.memory_space<semaphore_mem>>)
    %add3A_42 = arith.constant 480 : i32
    %add3A_43 = arith.addi %multiple_of3A, %add3A_42 : i32
    %dma_start3A_44 = arith.constant 0 : i32
    %dma_start3A_45 = tpu.memref_slice %arg14[%add3A_43, %dma_start3A_44] : memref<10000x64xf32, #tpu.memory_space<vmem_shared>> -> memref<80x64xf32, #tpu.memory_space<vmem_shared>>
    %dma_start3A_46 = arith.constant 0 : i32
    %dma_start3A_47 = tpu.memref_slice %arg14[%add3A_43, %dma_start3A_46] : memref<10000x64xf32, #tpu.memory_space<vmem_shared>> -> memref<80x64xf32, #tpu.memory_space<vmem_shared>>
    tpu.enqueue_dma source(%arg13 : memref<80x64xf32, #tpu.memory_space<vmem>>) target(%dma_start3A_47 : memref<80x64xf32, #tpu.memory_space<vmem_shared>>) target_semaphore(%arg25 : memref<!tpu.dma_semaphore, #tpu.memory_space<semaphore_mem>>)
    %add3A_48 = arith.constant 560 : i32
    %add3A_49 = arith.addi %multiple_of3A, %add3A_48 : i32
    %dma_start3A_50 = arith.constant 0 : i32
    %dma_start3A_51 = arith.constant 0 : i32
    %dma_start3A_52 = tpu.memref_slice %arg13[%dma_start3A_50, %dma_start3A_51] : memref<80x64xf32, #tpu.memory_space<vmem>> -> memref<64x64xf32, #tpu.memory_space<vmem>>
    %dma_start3A_53 = arith.constant 0 : i32
    %dma_start3A_54 = tpu.memref_slice %arg14[%add3A_49, %dma_start3A_53] : memref<10000x64xf32, #tpu.memory_space<vmem_shared>> -> memref<64x64xf32, #tpu.memory_space<vmem_shared>>
    %dma_start3A_55 = arith.constant 0 : i32
    %dma_start3A_56 = tpu.memref_slice %arg14[%add3A_49, %dma_start3A_55] : memref<10000x64xf32, #tpu.memory_space<vmem_shared>> -> memref<64x64xf32, #tpu.memory_space<vmem_shared>>
    %dma_start3A_57 = arith.constant 0 : i32
    %dma_start3A_58 = arith.constant 0 : i32
    %dma_start3A_59 = tpu.memref_slice %arg13[%dma_start3A_57, %dma_start3A_58] : memref<80x64xf32, #tpu.memory_space<vmem>> -> memref<64x64xf32, #tpu.memory_space<vmem>>
    tpu.enqueue_dma source(%dma_start3A_59 : memref<64x64xf32, #tpu.memory_space<vmem>>) target(%dma_start3A_56 : memref<64x64xf32, #tpu.memory_space<vmem_shared>>) target_semaphore(%arg25 : memref<!tpu.dma_semaphore, #tpu.memory_space<semaphore_mem>>)
    %dma_wait3A = arith.constant 0 : i32
    %dma_wait3A_60 = tpu.memref_slice %arg14[%add3A_8, %dma_wait3A] : memref<10000x64xf32, #tpu.memory_space<vmem_shared>> -> memref<80x64xf32, #tpu.memory_space<vmem_shared>>
    %dma_wait3A_61 = arith.constant 0 : i32
    %dma_wait3A_62 = tpu.memref_slice %arg14[%add3A_8, %dma_wait3A_61] : memref<10000x64xf32, #tpu.memory_space<vmem_shared>> -> memref<80x64xf32, #tpu.memory_space<vmem_shared>>
    tpu.wait_dma2 semaphore(%arg25 : memref<!tpu.dma_semaphore, #tpu.memory_space<semaphore_mem>>) src(%arg13 : memref<80x64xf32, #tpu.memory_space<vmem>>) dst(%dma_wait3A_62 : memref<80x64xf32, #tpu.memory_space<vmem_shared>>)
    %dma_wait3A_63 = arith.constant 0 : i32
    %dma_wait3A_64 = tpu.memref_slice %arg14[%add3A_13, %dma_wait3A_63] : memref<10000x64xf32, #tpu.memory_space<vmem_shared>> -> memref<80x64xf32, #tpu.memory_space<vmem_shared>>
    %dma_wait3A_65 = arith.constant 0 : i32
    %dma_wait3A_66 = tpu.memref_slice %arg14[%add3A_13, %dma_wait3A_65] : memref<10000x64xf32, #tpu.memory_space<vmem_shared>> -> memref<80x64xf32, #tpu.memory_space<vmem_shared>>
    tpu.wait_dma2 semaphore(%arg25 : memref<!tpu.dma_semaphore, #tpu.memory_space<semaphore_mem>>) src(%arg13 : memref<80x64xf32, #tpu.memory_space<vmem>>) dst(%dma_wait3A_66 : memref<80x64xf32, #tpu.memory_space<vmem_shared>>)
    %dma_wait3A_67 = arith.constant 0 : i32
    %dma_wait3A_68 = tpu.memref_slice %arg14[%add3A_19, %dma_wait3A_67] : memref<10000x64xf32, #tpu.memory_space<vmem_shared>> -> memref<80x64xf32, #tpu.memory_space<vmem_shared>>
    %dma_wait3A_69 = arith.constant 0 : i32
    %dma_wait3A_70 = tpu.memref_slice %arg14[%add3A_19, %dma_wait3A_69] : memref<10000x64xf32, #tpu.memory_space<vmem_shared>> -> memref<80x64xf32, #tpu.memory_space<vmem_shared>>
    tpu.wait_dma2 semaphore(%arg25 : memref<!tpu.dma_semaphore, #tpu.memory_space<semaphore_mem>>) src(%arg13 : memref<80x64xf32, #tpu.memory_space<vmem>>) dst(%dma_wait3A_70 : memref<80x64xf32, #tpu.memory_space<vmem_shared>>)
    %dma_wait3A_71 = arith.constant 0 : i32
    %dma_wait3A_72 = tpu.memref_slice %arg14[%add3A_25, %dma_wait3A_71] : memref<10000x64xf32, #tpu.memory_space<vmem_shared>> -> memref<80x64xf32, #tpu.memory_space<vmem_shared>>
    %dma_wait3A_73 = arith.constant 0 : i32
    %dma_wait3A_74 = tpu.memref_slice %arg14[%add3A_25, %dma_wait3A_73] : memref<10000x64xf32, #tpu.memory_space<vmem_shared>> -> memref<80x64xf32, #tpu.memory_space<vmem_shared>>
    tpu.wait_dma2 semaphore(%arg25 : memref<!tpu.dma_semaphore, #tpu.memory_space<semaphore_mem>>) src(%arg13 : memref<80x64xf32, #tpu.memory_space<vmem>>) dst(%dma_wait3A_74 : memref<80x64xf32, #tpu.memory_space<vmem_shared>>)
    %dma_wait3A_75 = arith.constant 0 : i32
    %dma_wait3A_76 = tpu.memref_slice %arg14[%add3A_31, %dma_wait3A_75] : memref<10000x64xf32, #tpu.memory_space<vmem_shared>> -> memref<80x64xf32, #tpu.memory_space<vmem_shared>>
    %dma_wait3A_77 = arith.constant 0 : i32
    %dma_wait3A_78 = tpu.memref_slice %arg14[%add3A_31, %dma_wait3A_77] : memref<10000x64xf32, #tpu.memory_space<vmem_shared>> -> memref<80x64xf32, #tpu.memory_space<vmem_shared>>
    tpu.wait_dma2 semaphore(%arg25 : memref<!tpu.dma_semaphore, #tpu.memory_space<semaphore_mem>>) src(%arg13 : memref<80x64xf32, #tpu.memory_space<vmem>>) dst(%dma_wait3A_78 : memref<80x64xf32, #tpu.memory_space<vmem_shared>>)
    %dma_wait3A_79 = arith.constant 0 : i32
    %dma_wait3A_80 = tpu.memref_slice %arg14[%add3A_37, %dma_wait3A_79] : memref<10000x64xf32, #tpu.memory_space<vmem_shared>> -> memref<80x64xf32, #tpu.memory_space<vmem_shared>>
    %dma_wait3A_81 = arith.constant 0 : i32
    %dma_wait3A_82 = tpu.memref_slice %arg14[%add3A_37, %dma_wait3A_81] : memref<10000x64xf32, #tpu.memory_space<vmem_shared>> -> memref<80x64xf32, #tpu.memory_space<vmem_shared>>
    tpu.wait_dma2 semaphore(%arg25 : memref<!tpu.dma_semaphore, #tpu.memory_space<semaphore_mem>>) src(%arg13 : memref<80x64xf32, #tpu.memory_space<vmem>>) dst(%dma_wait3A_82 : memref<80x64xf32, #tpu.memory_space<vmem_shared>>)
    %dma_wait3A_83 = arith.constant 0 : i32
    %dma_wait3A_84 = tpu.memref_slice %arg14[%add3A_43, %dma_wait3A_83] : memref<10000x64xf32, #tpu.memory_space<vmem_shared>> -> memref<80x64xf32, #tpu.memory_space<vmem_shared>>
    %dma_wait3A_85 = arith.constant 0 : i32
    %dma_wait3A_86 = tpu.memref_slice %arg14[%add3A_43, %dma_wait3A_85] : memref<10000x64xf32, #tpu.memory_space<vmem_shared>> -> memref<80x64xf32, #tpu.memory_space<vmem_shared>>
    tpu.wait_dma2 semaphore(%arg25 : memref<!tpu.dma_semaphore, #tpu.memory_space<semaphore_mem>>) src(%arg13 : memref<80x64xf32, #tpu.memory_space<vmem>>) dst(%dma_wait3A_86 : memref<80x64xf32, #tpu.memory_space<vmem_shared>>)
    %dma_wait3A_87 = arith.constant 0 : i32
    %dma_wait3A_88 = arith.constant 0 : i32
    %dma_wait3A_89 = tpu.memref_slice %arg13[%dma_wait3A_87, %dma_wait3A_88] : memref<80x64xf32, #tpu.memory_space<vmem>> -> memref<64x64xf32, #tpu.memory_space<vmem>>
    %dma_wait3A_90 = arith.constant 0 : i32
    %dma_wait3A_91 = tpu.memref_slice %arg14[%add3A_49, %dma_wait3A_90] : memref<10000x64xf32, #tpu.memory_space<vmem_shared>> -> memref<64x64xf32, #tpu.memory_space<vmem_shared>>
    %dma_wait3A_92 = arith.constant 0 : i32
    %dma_wait3A_93 = tpu.memref_slice %arg14[%add3A_49, %dma_wait3A_92] : memref<10000x64xf32, #tpu.memory_space<vmem_shared>> -> memref<64x64xf32, #tpu.memory_space<vmem_shared>>
    %dma_wait3A_94 = arith.constant 0 : i32
    %dma_wait3A_95 = arith.constant 0 : i32
    %dma_wait3A_96 = tpu.memref_slice %arg13[%dma_wait3A_94, %dma_wait3A_95] : memref<80x64xf32, #tpu.memory_space<vmem>> -> memref<64x64xf32, #tpu.memory_space<vmem>>
    tpu.wait_dma2 semaphore(%arg25 : memref<!tpu.dma_semaphore, #tpu.memory_space<semaphore_mem>>) src(%dma_wait3A_96 : memref<64x64xf32, #tpu.memory_space<vmem>>) dst(%dma_wait3A_93 : memref<64x64xf32, #tpu.memory_space<vmem_shared>>)
    %eq3A = arith.constant 15 : i32
    %eq3A_97 = arith.cmpi eq, %arg1, %eq3A : i32
    %convert_element_type3A = arith.extui %eq3A_97 : i1 to i32
    %cond3A = arith.constant 0 : i32
    %cond3A_98 = arith.cmpi ne, %convert_element_type3A, %cond3A : i32
    scf.if %cond3A_98 {
      %dma_start3A_405 = arith.constant 0 : i32
      %dma_start3A_406 = arith.constant 0 : i32
      %dma_start3A_407 = tpu.memref_slice %arg13[%dma_start3A_405, %dma_start3A_406] : memref<80x64xf32, #tpu.memory_space<vmem>> -> memref<16x64xf32, #tpu.memory_space<vmem>>
      %dma_start3A_408 = arith.constant 9984 : i32
      %dma_start3A_409 = arith.constant 0 : i32
      %dma_start3A_410 = tpu.memref_slice %arg14[%dma_start3A_408, %dma_start3A_409] : memref<10000x64xf32, #tpu.memory_space<vmem_shared>> -> memref<16x64xf32, #tpu.memory_space<vmem_shared>>
      %dma_start3A_411 = arith.constant 9984 : i32
      %dma_start3A_412 = arith.constant 0 : i32
      %dma_start3A_413 = tpu.memref_slice %arg14[%dma_start3A_411, %dma_start3A_412] : memref<10000x64xf32, #tpu.memory_space<vmem_shared>> -> memref<16x64xf32, #tpu.memory_space<vmem_shared>>
      %dma_start3A_414 = arith.constant 0 : i32
      %dma_start3A_415 = arith.constant 0 : i32
      %dma_start3A_416 = tpu.memref_slice %arg13[%dma_start3A_414, %dma_start3A_415] : memref<80x64xf32, #tpu.memory_space<vmem>> -> memref<16x64xf32, #tpu.memory_space<vmem>>
      tpu.enqueue_dma source(%dma_start3A_416 : memref<16x64xf32, #tpu.memory_space<vmem>>) target(%dma_start3A_413 : memref<16x64xf32, #tpu.memory_space<vmem_shared>>) target_semaphore(%arg25 : memref<!tpu.dma_semaphore, #tpu.memory_space<semaphore_mem>>)
      %dma_wait3A_417 = arith.constant 0 : i32
      %dma_wait3A_418 = arith.constant 0 : i32
      %dma_wait3A_419 = tpu.memref_slice %arg13[%dma_wait3A_417, %dma_wait3A_418] : memref<80x64xf32, #tpu.memory_space<vmem>> -> memref<16x64xf32, #tpu.memory_space<vmem>>
      %dma_wait3A_420 = arith.constant 9984 : i32
      %dma_wait3A_421 = arith.constant 0 : i32
      %dma_wait3A_422 = tpu.memref_slice %arg14[%dma_wait3A_420, %dma_wait3A_421] : memref<10000x64xf32, #tpu.memory_space<vmem_shared>> -> memref<16x64xf32, #tpu.memory_space<vmem_shared>>
      %dma_wait3A_423 = arith.constant 9984 : i32
      %dma_wait3A_424 = arith.constant 0 : i32
      %dma_wait3A_425 = tpu.memref_slice %arg14[%dma_wait3A_423, %dma_wait3A_424] : memref<10000x64xf32, #tpu.memory_space<vmem_shared>> -> memref<16x64xf32, #tpu.memory_space<vmem_shared>>
      %dma_wait3A_426 = arith.constant 0 : i32
      %dma_wait3A_427 = arith.constant 0 : i32
      %dma_wait3A_428 = tpu.memref_slice %arg13[%dma_wait3A_426, %dma_wait3A_427] : memref<80x64xf32, #tpu.memory_space<vmem>> -> memref<16x64xf32, #tpu.memory_space<vmem>>
      tpu.wait_dma2 semaphore(%arg25 : memref<!tpu.dma_semaphore, #tpu.memory_space<semaphore_mem>>) src(%dma_wait3A_428 : memref<16x64xf32, #tpu.memory_space<vmem>>) dst(%dma_wait3A_425 : memref<16x64xf32, #tpu.memory_space<vmem_shared>>)
    } else {
    }
    %barrier3A = arith.constant 0 : index
    tpu.barrier barrier_id(%barrier3A)
    %dma_start3A_99 = arith.constant 0 : i32
    %dma_start3A_100 = arith.constant 0 : i32
    %dma_start3A_101 = arith.constant 0 : i32
    %dma_start3A_102 = tpu.memref_slice %arg6[%dma_start3A_100, %dma_start3A_101] : memref<250x80xi32, #tpu.memory_space<vmem>> -> memref<1x80xi32, #tpu.memory_space<vmem>>
    %dma_start3A_103 = tpu.memref_squeeze %dma_start3A_102 : memref<1x80xi32, #tpu.memory_space<vmem>> -> memref<80xi32, #tpu.memory_space<vmem>>
    %dma_start3A_104 = arith.constant 0 : i32
    %dma_start3A_105 = arith.constant 0 : i32
    %dma_start3A_106 = arith.constant 0 : i32
    %dma_start3A_107 = tpu.memref_slice %arg2[%arg0, %dma_start3A_104, %dma_start3A_105, %dma_start3A_106] : memref<2x2x10000x64xf32, #tpu.memory_space<hbm>> -> memref<1x2x10000x64xf32, #tpu.memory_space<hbm>>
    %dma_start3A_108 = tpu.memref_squeeze %dma_start3A_107 : memref<1x2x10000x64xf32, #tpu.memory_space<hbm>> -> memref<2x10000x64xf32, #tpu.memory_space<hbm>>
    %dma_start3A_109 = arith.constant 0 : i32
    %dma_start3A_110 = arith.constant 0 : i32
    %dma_start3A_111 = tpu.memref_slice %dma_start3A_108[%dma_start3A_99, %dma_start3A_109, %dma_start3A_110] : memref<2x10000x64xf32, #tpu.memory_space<hbm>> -> memref<1x10000x64xf32, #tpu.memory_space<hbm>>
    %dma_start3A_112 = tpu.memref_squeeze %dma_start3A_111 : memref<1x10000x64xf32, #tpu.memory_space<hbm>> -> memref<10000x64xf32, #tpu.memory_space<hbm>>
    %dma_start3A_113 = arith.constant 0 : i32
    %dma_start3A_114 = arith.constant 0 : i32
    %dma_start3A_115 = tpu.memref_slice %dma_start3A_112[%dma_start3A_113, %dma_start3A_114] : memref<10000x64xf32, #tpu.memory_space<hbm>> -> memref<10000x64xf32, #tpu.memory_space<hbm>>
    tpu.enqueue_indirect_dma source(%dma_start3A_115 : memref<10000x64xf32, #tpu.memory_space<hbm>>) target(%arg8 : memref<80x64xf32, #tpu.memory_space<vmem>>) offsets(%dma_start3A_103 : memref<80xi32, #tpu.memory_space<vmem>>) semaphore(%arg15 : memref<!tpu.dma_semaphore, #tpu.memory_space<semaphore_mem>>)
    %dma_start3A_116 = arith.constant 0 : i32
    %dma_start3A_117 = arith.constant 1 : i32
    %dma_start3A_118 = arith.constant 0 : i32
    %dma_start3A_119 = tpu.memref_slice %arg6[%dma_start3A_117, %dma_start3A_118] : memref<250x80xi32, #tpu.memory_space<vmem>> -> memref<1x80xi32, #tpu.memory_space<vmem>>
    %dma_start3A_120 = tpu.memref_squeeze %dma_start3A_119 : memref<1x80xi32, #tpu.memory_space<vmem>> -> memref<80xi32, #tpu.memory_space<vmem>>
    %dma_start3A_121 = arith.constant 0 : i32
    %dma_start3A_122 = arith.constant 0 : i32
    %dma_start3A_123 = arith.constant 0 : i32
    %dma_start3A_124 = tpu.memref_slice %arg2[%arg0, %dma_start3A_121, %dma_start3A_122, %dma_start3A_123] : memref<2x2x10000x64xf32, #tpu.memory_space<hbm>> -> memref<1x2x10000x64xf32, #tpu.memory_space<hbm>>
    %dma_start3A_125 = tpu.memref_squeeze %dma_start3A_124 : memref<1x2x10000x64xf32, #tpu.memory_space<hbm>> -> memref<2x10000x64xf32, #tpu.memory_space<hbm>>
    %dma_start3A_126 = arith.constant 0 : i32
    %dma_start3A_127 = arith.constant 0 : i32
    %dma_start3A_128 = tpu.memref_slice %dma_start3A_125[%dma_start3A_116, %dma_start3A_126, %dma_start3A_127] : memref<2x10000x64xf32, #tpu.memory_space<hbm>> -> memref<1x10000x64xf32, #tpu.memory_space<hbm>>
    %dma_start3A_129 = tpu.memref_squeeze %dma_start3A_128 : memref<1x10000x64xf32, #tpu.memory_space<hbm>> -> memref<10000x64xf32, #tpu.memory_space<hbm>>
    %dma_start3A_130 = arith.constant 0 : i32
    %dma_start3A_131 = arith.constant 0 : i32
    %dma_start3A_132 = tpu.memref_slice %dma_start3A_129[%dma_start3A_130, %dma_start3A_131] : memref<10000x64xf32, #tpu.memory_space<hbm>> -> memref<10000x64xf32, #tpu.memory_space<hbm>>
    tpu.enqueue_indirect_dma source(%dma_start3A_132 : memref<10000x64xf32, #tpu.memory_space<hbm>>) target(%arg9 : memref<80x64xf32, #tpu.memory_space<vmem>>) offsets(%dma_start3A_120 : memref<80xi32, #tpu.memory_space<vmem>>) semaphore(%arg16 : memref<!tpu.dma_semaphore, #tpu.memory_space<semaphore_mem>>)
    %dma_start3A_133 = arith.constant 0 : i32
    %dma_start3A_134 = arith.constant 2 : i32
    %dma_start3A_135 = arith.constant 0 : i32
    %dma_start3A_136 = tpu.memref_slice %arg6[%dma_start3A_134, %dma_start3A_135] : memref<250x80xi32, #tpu.memory_space<vmem>> -> memref<1x80xi32, #tpu.memory_space<vmem>>
    %dma_start3A_137 = tpu.memref_squeeze %dma_start3A_136 : memref<1x80xi32, #tpu.memory_space<vmem>> -> memref<80xi32, #tpu.memory_space<vmem>>
    %dma_start3A_138 = arith.constant 0 : i32
    %dma_start3A_139 = arith.constant 0 : i32
    %dma_start3A_140 = arith.constant 0 : i32
    %dma_start3A_141 = tpu.memref_slice %arg2[%arg0, %dma_start3A_138, %dma_start3A_139, %dma_start3A_140] : memref<2x2x10000x64xf32, #tpu.memory_space<hbm>> -> memref<1x2x10000x64xf32, #tpu.memory_space<hbm>>
    %dma_start3A_142 = tpu.memref_squeeze %dma_start3A_141 : memref<1x2x10000x64xf32, #tpu.memory_space<hbm>> -> memref<2x10000x64xf32, #tpu.memory_space<hbm>>
    %dma_start3A_143 = arith.constant 0 : i32
    %dma_start3A_144 = arith.constant 0 : i32
    %dma_start3A_145 = tpu.memref_slice %dma_start3A_142[%dma_start3A_133, %dma_start3A_143, %dma_start3A_144] : memref<2x10000x64xf32, #tpu.memory_space<hbm>> -> memref<1x10000x64xf32, #tpu.memory_space<hbm>>
    %dma_start3A_146 = tpu.memref_squeeze %dma_start3A_145 : memref<1x10000x64xf32, #tpu.memory_space<hbm>> -> memref<10000x64xf32, #tpu.memory_space<hbm>>
    %dma_start3A_147 = arith.constant 0 : i32
    %dma_start3A_148 = arith.constant 0 : i32
    %dma_start3A_149 = tpu.memref_slice %dma_start3A_146[%dma_start3A_147, %dma_start3A_148] : memref<10000x64xf32, #tpu.memory_space<hbm>> -> memref<10000x64xf32, #tpu.memory_space<hbm>>
    tpu.enqueue_indirect_dma source(%dma_start3A_149 : memref<10000x64xf32, #tpu.memory_space<hbm>>) target(%arg10 : memref<80x64xf32, #tpu.memory_space<vmem>>) offsets(%dma_start3A_137 : memref<80xi32, #tpu.memory_space<vmem>>) semaphore(%arg17 : memref<!tpu.dma_semaphore, #tpu.memory_space<semaphore_mem>>)
    %dma_start3A_150 = arith.constant 0 : i32
    %dma_start3A_151 = arith.constant 3 : i32
    %dma_start3A_152 = arith.constant 0 : i32
    %dma_start3A_153 = tpu.memref_slice %arg6[%dma_start3A_151, %dma_start3A_152] : memref<250x80xi32, #tpu.memory_space<vmem>> -> memref<1x80xi32, #tpu.memory_space<vmem>>
    %dma_start3A_154 = tpu.memref_squeeze %dma_start3A_153 : memref<1x80xi32, #tpu.memory_space<vmem>> -> memref<80xi32, #tpu.memory_space<vmem>>
    %dma_start3A_155 = arith.constant 0 : i32
    %dma_start3A_156 = arith.constant 0 : i32
    %dma_start3A_157 = arith.constant 0 : i32
    %dma_start3A_158 = tpu.memref_slice %arg2[%arg0, %dma_start3A_155, %dma_start3A_156, %dma_start3A_157] : memref<2x2x10000x64xf32, #tpu.memory_space<hbm>> -> memref<1x2x10000x64xf32, #tpu.memory_space<hbm>>
    %dma_start3A_159 = tpu.memref_squeeze %dma_start3A_158 : memref<1x2x10000x64xf32, #tpu.memory_space<hbm>> -> memref<2x10000x64xf32, #tpu.memory_space<hbm>>
    %dma_start3A_160 = arith.constant 0 : i32
    %dma_start3A_161 = arith.constant 0 : i32
    %dma_start3A_162 = tpu.memref_slice %dma_start3A_159[%dma_start3A_150, %dma_start3A_160, %dma_start3A_161] : memref<2x10000x64xf32, #tpu.memory_space<hbm>> -> memref<1x10000x64xf32, #tpu.memory_space<hbm>>
    %dma_start3A_163 = tpu.memref_squeeze %dma_start3A_162 : memref<1x10000x64xf32, #tpu.memory_space<hbm>> -> memref<10000x64xf32, #tpu.memory_space<hbm>>
    %dma_start3A_164 = arith.constant 0 : i32
    %dma_start3A_165 = arith.constant 0 : i32
    %dma_start3A_166 = tpu.memref_slice %dma_start3A_163[%dma_start3A_164, %dma_start3A_165] : memref<10000x64xf32, #tpu.memory_space<hbm>> -> memref<10000x64xf32, #tpu.memory_space<hbm>>
    tpu.enqueue_indirect_dma source(%dma_start3A_166 : memref<10000x64xf32, #tpu.memory_space<hbm>>) target(%arg11 : memref<80x64xf32, #tpu.memory_space<vmem>>) offsets(%dma_start3A_154 : memref<80xi32, #tpu.memory_space<vmem>>) semaphore(%arg18 : memref<!tpu.dma_semaphore, #tpu.memory_space<semaphore_mem>>)
    %dma_start3A_167 = arith.constant 0 : i32
    %dma_start3A_168 = arith.constant 4 : i32
    %dma_start3A_169 = arith.constant 0 : i32
    %dma_start3A_170 = tpu.memref_slice %arg6[%dma_start3A_168, %dma_start3A_169] : memref<250x80xi32, #tpu.memory_space<vmem>> -> memref<1x80xi32, #tpu.memory_space<vmem>>
    %dma_start3A_171 = tpu.memref_squeeze %dma_start3A_170 : memref<1x80xi32, #tpu.memory_space<vmem>> -> memref<80xi32, #tpu.memory_space<vmem>>
    %dma_start3A_172 = arith.constant 0 : i32
    %dma_start3A_173 = arith.constant 0 : i32
    %dma_start3A_174 = arith.constant 0 : i32
    %dma_start3A_175 = tpu.memref_slice %arg2[%arg0, %dma_start3A_172, %dma_start3A_173, %dma_start3A_174] : memref<2x2x10000x64xf32, #tpu.memory_space<hbm>> -> memref<1x2x10000x64xf32, #tpu.memory_space<hbm>>
    %dma_start3A_176 = tpu.memref_squeeze %dma_start3A_175 : memref<1x2x10000x64xf32, #tpu.memory_space<hbm>> -> memref<2x10000x64xf32, #tpu.memory_space<hbm>>
    %dma_start3A_177 = arith.constant 0 : i32
    %dma_start3A_178 = arith.constant 0 : i32
    %dma_start3A_179 = tpu.memref_slice %dma_start3A_176[%dma_start3A_167, %dma_start3A_177, %dma_start3A_178] : memref<2x10000x64xf32, #tpu.memory_space<hbm>> -> memref<1x10000x64xf32, #tpu.memory_space<hbm>>
    %dma_start3A_180 = tpu.memref_squeeze %dma_start3A_179 : memref<1x10000x64xf32, #tpu.memory_space<hbm>> -> memref<10000x64xf32, #tpu.memory_space<hbm>>
    %dma_start3A_181 = arith.constant 0 : i32
    %dma_start3A_182 = arith.constant 0 : i32
    %dma_start3A_183 = tpu.memref_slice %dma_start3A_180[%dma_start3A_181, %dma_start3A_182] : memref<10000x64xf32, #tpu.memory_space<hbm>> -> memref<10000x64xf32, #tpu.memory_space<hbm>>
    tpu.enqueue_indirect_dma source(%dma_start3A_183 : memref<10000x64xf32, #tpu.memory_space<hbm>>) target(%arg12 : memref<80x64xf32, #tpu.memory_space<vmem>>) offsets(%dma_start3A_171 : memref<80xi32, #tpu.memory_space<vmem>>) semaphore(%arg19 : memref<!tpu.dma_semaphore, #tpu.memory_space<semaphore_mem>>)
    %scan3A_184 = arith.constant 0 : i32
    %scan3A_185 = arith.constant 0 : i32
    %scan3A_186 = arith.constant 0 : i32
    %scan3A_187 = arith.constant 50 : i32
    %scan3A_188 = arith.addi %scan3A_186, %scan3A_187 : i32
    %scan3A_189 = arith.constant 1 : i32
    %scan3A_190 = scf.for %scan3A_405 = %scan3A_186 to %scan3A_188 step %scan3A_189 iter_args(%scan3A_406 = %scan3A_185) -> (i32)  : i32 {
      %mul3A_407 = arith.constant 5 : i32
      %mul3A_408 = arith.muli %scan3A_405, %mul3A_407 : i32
      %add3A_409 = arith.constant 0 : i32
      %add3A_410 = arith.addi %mul3A_408, %add3A_409 : i32
      %dma_wait3A_411 = arith.constant 0 : i32
      %dma_wait3A_412 = arith.constant 0 : i32
      %dma_wait3A_413 = tpu.memref_slice %arg6[%dma_wait3A_411, %dma_wait3A_412] : memref<250x80xi32, #tpu.memory_space<vmem>> -> memref<1x80xi32, #tpu.memory_space<vmem>>
      %dma_wait3A_414 = tpu.memref_squeeze %dma_wait3A_413 : memref<1x80xi32, #tpu.memory_space<vmem>> -> memref<80xi32, #tpu.memory_space<vmem>>
      %dma_wait3A_415 = arith.constant 0 : i32
      %dma_wait3A_416 = arith.constant 0 : i32
      %dma_wait3A_417 = arith.constant 0 : i32
      %dma_wait3A_418 = tpu.memref_slice %arg2[%arg0, %dma_wait3A_415, %dma_wait3A_416, %dma_wait3A_417] : memref<2x2x10000x64xf32, #tpu.memory_space<hbm>> -> memref<1x2x10000x64xf32, #tpu.memory_space<hbm>>
      %dma_wait3A_419 = tpu.memref_squeeze %dma_wait3A_418 : memref<1x2x10000x64xf32, #tpu.memory_space<hbm>> -> memref<2x10000x64xf32, #tpu.memory_space<hbm>>
      %dma_wait3A_420 = arith.constant 0 : i32
      %dma_wait3A_421 = arith.constant 0 : i32
      %dma_wait3A_422 = tpu.memref_slice %dma_wait3A_419[%scan3A_184, %dma_wait3A_420, %dma_wait3A_421] : memref<2x10000x64xf32, #tpu.memory_space<hbm>> -> memref<1x10000x64xf32, #tpu.memory_space<hbm>>
      %dma_wait3A_423 = tpu.memref_squeeze %dma_wait3A_422 : memref<1x10000x64xf32, #tpu.memory_space<hbm>> -> memref<10000x64xf32, #tpu.memory_space<hbm>>
      %dma_wait3A_424 = arith.constant 0 : i32
      %dma_wait3A_425 = arith.constant 0 : i32
      %dma_wait3A_426 = tpu.memref_slice %dma_wait3A_423[%dma_wait3A_424, %dma_wait3A_425] : memref<10000x64xf32, #tpu.memory_space<hbm>> -> memref<10000x64xf32, #tpu.memory_space<hbm>>
      tpu.wait_indirect_dma semaphore(%arg15 : memref<!tpu.dma_semaphore, #tpu.memory_space<semaphore_mem>>) src(%dma_wait3A_426 : memref<10000x64xf32, #tpu.memory_space<hbm>>) dst(%arg8 : memref<80x64xf32, #tpu.memory_space<vmem>>)
      %dma_start3A_427 = arith.constant 0 : i32
      %dma_start3A_428 = tpu.memref_slice %arg7[%add3A_410, %dma_start3A_427] : memref<250x80xi32, #tpu.memory_space<vmem>> -> memref<1x80xi32, #tpu.memory_space<vmem>>
      %dma_start3A_429 = tpu.memref_squeeze %dma_start3A_428 : memref<1x80xi32, #tpu.memory_space<vmem>> -> memref<80xi32, #tpu.memory_space<vmem>>
      %dma_start3A_430 = arith.constant 0 : i32
      %dma_start3A_431 = arith.constant 0 : i32
      %dma_start3A_432 = tpu.memref_slice %arg14[%dma_start3A_430, %dma_start3A_431] : memref<10000x64xf32, #tpu.memory_space<vmem_shared>> -> memref<10000x64xf32, #tpu.memory_space<vmem_shared>>
      tpu.enqueue_indirect_dma source(%arg8 : memref<80x64xf32, #tpu.memory_space<vmem>>) target(%dma_start3A_432 : memref<10000x64xf32, #tpu.memory_space<vmem_shared>>) offsets(%dma_start3A_429 : memref<80xi32, #tpu.memory_space<vmem>>) semaphore(%arg20 : memref<!tpu.dma_semaphore, #tpu.memory_space<semaphore_mem>>) {add = true}
      %mul3A_433 = arith.constant 5 : i32
      %mul3A_434 = arith.muli %scan3A_405, %mul3A_433 : i32
      %add3A_435 = arith.constant 1 : i32
      %add3A_436 = arith.addi %mul3A_434, %add3A_435 : i32
      %dma_wait3A_437 = arith.constant 0 : i32
      %dma_wait3A_438 = arith.constant 0 : i32
      %dma_wait3A_439 = tpu.memref_slice %arg6[%dma_wait3A_437, %dma_wait3A_438] : memref<250x80xi32, #tpu.memory_space<vmem>> -> memref<1x80xi32, #tpu.memory_space<vmem>>
      %dma_wait3A_440 = tpu.memref_squeeze %dma_wait3A_439 : memref<1x80xi32, #tpu.memory_space<vmem>> -> memref<80xi32, #tpu.memory_space<vmem>>
      %dma_wait3A_441 = arith.constant 0 : i32
      %dma_wait3A_442 = arith.constant 0 : i32
      %dma_wait3A_443 = arith.constant 0 : i32
      %dma_wait3A_444 = tpu.memref_slice %arg2[%arg0, %dma_wait3A_441, %dma_wait3A_442, %dma_wait3A_443] : memref<2x2x10000x64xf32, #tpu.memory_space<hbm>> -> memref<1x2x10000x64xf32, #tpu.memory_space<hbm>>
      %dma_wait3A_445 = tpu.memref_squeeze %dma_wait3A_444 : memref<1x2x10000x64xf32, #tpu.memory_space<hbm>> -> memref<2x10000x64xf32, #tpu.memory_space<hbm>>
      %dma_wait3A_446 = arith.constant 0 : i32
      %dma_wait3A_447 = arith.constant 0 : i32
      %dma_wait3A_448 = tpu.memref_slice %dma_wait3A_445[%scan3A_184, %dma_wait3A_446, %dma_wait3A_447] : memref<2x10000x64xf32, #tpu.memory_space<hbm>> -> memref<1x10000x64xf32, #tpu.memory_space<hbm>>
      %dma_wait3A_449 = tpu.memref_squeeze %dma_wait3A_448 : memref<1x10000x64xf32, #tpu.memory_space<hbm>> -> memref<10000x64xf32, #tpu.memory_space<hbm>>
      %dma_wait3A_450 = arith.constant 0 : i32
      %dma_wait3A_451 = arith.constant 0 : i32
      %dma_wait3A_452 = tpu.memref_slice %dma_wait3A_449[%dma_wait3A_450, %dma_wait3A_451] : memref<10000x64xf32, #tpu.memory_space<hbm>> -> memref<10000x64xf32, #tpu.memory_space<hbm>>
      tpu.wait_indirect_dma semaphore(%arg16 : memref<!tpu.dma_semaphore, #tpu.memory_space<semaphore_mem>>) src(%dma_wait3A_452 : memref<10000x64xf32, #tpu.memory_space<hbm>>) dst(%arg9 : memref<80x64xf32, #tpu.memory_space<vmem>>)
      %dma_start3A_453 = arith.constant 0 : i32
      %dma_start3A_454 = tpu.memref_slice %arg7[%add3A_436, %dma_start3A_453] : memref<250x80xi32, #tpu.memory_space<vmem>> -> memref<1x80xi32, #tpu.memory_space<vmem>>
      %dma_start3A_455 = tpu.memref_squeeze %dma_start3A_454 : memref<1x80xi32, #tpu.memory_space<vmem>> -> memref<80xi32, #tpu.memory_space<vmem>>
      %dma_start3A_456 = arith.constant 0 : i32
      %dma_start3A_457 = arith.constant 0 : i32
      %dma_start3A_458 = tpu.memref_slice %arg14[%dma_start3A_456, %dma_start3A_457] : memref<10000x64xf32, #tpu.memory_space<vmem_shared>> -> memref<10000x64xf32, #tpu.memory_space<vmem_shared>>
      tpu.enqueue_indirect_dma source(%arg9 : memref<80x64xf32, #tpu.memory_space<vmem>>) target(%dma_start3A_458 : memref<10000x64xf32, #tpu.memory_space<vmem_shared>>) offsets(%dma_start3A_455 : memref<80xi32, #tpu.memory_space<vmem>>) semaphore(%arg21 : memref<!tpu.dma_semaphore, #tpu.memory_space<semaphore_mem>>) {add = true}
      %mul3A_459 = arith.constant 5 : i32
      %mul3A_460 = arith.muli %scan3A_405, %mul3A_459 : i32
      %add3A_461 = arith.constant 2 : i32
      %add3A_462 = arith.addi %mul3A_460, %add3A_461 : i32
      %dma_wait3A_463 = arith.constant 0 : i32
      %dma_wait3A_464 = arith.constant 0 : i32
      %dma_wait3A_465 = tpu.memref_slice %arg6[%dma_wait3A_463, %dma_wait3A_464] : memref<250x80xi32, #tpu.memory_space<vmem>> -> memref<1x80xi32, #tpu.memory_space<vmem>>
      %dma_wait3A_466 = tpu.memref_squeeze %dma_wait3A_465 : memref<1x80xi32, #tpu.memory_space<vmem>> -> memref<80xi32, #tpu.memory_space<vmem>>
      %dma_wait3A_467 = arith.constant 0 : i32
      %dma_wait3A_468 = arith.constant 0 : i32
      %dma_wait3A_469 = arith.constant 0 : i32
      %dma_wait3A_470 = tpu.memref_slice %arg2[%arg0, %dma_wait3A_467, %dma_wait3A_468, %dma_wait3A_469] : memref<2x2x10000x64xf32, #tpu.memory_space<hbm>> -> memref<1x2x10000x64xf32, #tpu.memory_space<hbm>>
      %dma_wait3A_471 = tpu.memref_squeeze %dma_wait3A_470 : memref<1x2x10000x64xf32, #tpu.memory_space<hbm>> -> memref<2x10000x64xf32, #tpu.memory_space<hbm>>
      %dma_wait3A_472 = arith.constant 0 : i32
      %dma_wait3A_473 = arith.constant 0 : i32
      %dma_wait3A_474 = tpu.memref_slice %dma_wait3A_471[%scan3A_184, %dma_wait3A_472, %dma_wait3A_473] : memref<2x10000x64xf32, #tpu.memory_space<hbm>> -> memref<1x10000x64xf32, #tpu.memory_space<hbm>>
      %dma_wait3A_475 = tpu.memref_squeeze %dma_wait3A_474 : memref<1x10000x64xf32, #tpu.memory_space<hbm>> -> memref<10000x64xf32, #tpu.memory_space<hbm>>
      %dma_wait3A_476 = arith.constant 0 : i32
      %dma_wait3A_477 = arith.constant 0 : i32
      %dma_wait3A_478 = tpu.memref_slice %dma_wait3A_475[%dma_wait3A_476, %dma_wait3A_477] : memref<10000x64xf32, #tpu.memory_space<hbm>> -> memref<10000x64xf32, #tpu.memory_space<hbm>>
      tpu.wait_indirect_dma semaphore(%arg17 : memref<!tpu.dma_semaphore, #tpu.memory_space<semaphore_mem>>) src(%dma_wait3A_478 : memref<10000x64xf32, #tpu.memory_space<hbm>>) dst(%arg10 : memref<80x64xf32, #tpu.memory_space<vmem>>)
      %dma_start3A_479 = arith.constant 0 : i32
      %dma_start3A_480 = tpu.memref_slice %arg7[%add3A_462, %dma_start3A_479] : memref<250x80xi32, #tpu.memory_space<vmem>> -> memref<1x80xi32, #tpu.memory_space<vmem>>
      %dma_start3A_481 = tpu.memref_squeeze %dma_start3A_480 : memref<1x80xi32, #tpu.memory_space<vmem>> -> memref<80xi32, #tpu.memory_space<vmem>>
      %dma_start3A_482 = arith.constant 0 : i32
      %dma_start3A_483 = arith.constant 0 : i32
      %dma_start3A_484 = tpu.memref_slice %arg14[%dma_start3A_482, %dma_start3A_483] : memref<10000x64xf32, #tpu.memory_space<vmem_shared>> -> memref<10000x64xf32, #tpu.memory_space<vmem_shared>>
      tpu.enqueue_indirect_dma source(%arg10 : memref<80x64xf32, #tpu.memory_space<vmem>>) target(%dma_start3A_484 : memref<10000x64xf32, #tpu.memory_space<vmem_shared>>) offsets(%dma_start3A_481 : memref<80xi32, #tpu.memory_space<vmem>>) semaphore(%arg22 : memref<!tpu.dma_semaphore, #tpu.memory_space<semaphore_mem>>) {add = true}
      %mul3A_485 = arith.constant 5 : i32
      %mul3A_486 = arith.muli %scan3A_405, %mul3A_485 : i32
      %add3A_487 = arith.constant 3 : i32
      %add3A_488 = arith.addi %mul3A_486, %add3A_487 : i32
      %dma_wait3A_489 = arith.constant 0 : i32
      %dma_wait3A_490 = arith.constant 0 : i32
      %dma_wait3A_491 = tpu.memref_slice %arg6[%dma_wait3A_489, %dma_wait3A_490] : memref<250x80xi32, #tpu.memory_space<vmem>> -> memref<1x80xi32, #tpu.memory_space<vmem>>
      %dma_wait3A_492 = tpu.memref_squeeze %dma_wait3A_491 : memref<1x80xi32, #tpu.memory_space<vmem>> -> memref<80xi32, #tpu.memory_space<vmem>>
      %dma_wait3A_493 = arith.constant 0 : i32
      %dma_wait3A_494 = arith.constant 0 : i32
      %dma_wait3A_495 = arith.constant 0 : i32
      %dma_wait3A_496 = tpu.memref_slice %arg2[%arg0, %dma_wait3A_493, %dma_wait3A_494, %dma_wait3A_495] : memref<2x2x10000x64xf32, #tpu.memory_space<hbm>> -> memref<1x2x10000x64xf32, #tpu.memory_space<hbm>>
      %dma_wait3A_497 = tpu.memref_squeeze %dma_wait3A_496 : memref<1x2x10000x64xf32, #tpu.memory_space<hbm>> -> memref<2x10000x64xf32, #tpu.memory_space<hbm>>
      %dma_wait3A_498 = arith.constant 0 : i32
      %dma_wait3A_499 = arith.constant 0 : i32
      %dma_wait3A_500 = tpu.memref_slice %dma_wait3A_497[%scan3A_184, %dma_wait3A_498, %dma_wait3A_499] : memref<2x10000x64xf32, #tpu.memory_space<hbm>> -> memref<1x10000x64xf32, #tpu.memory_space<hbm>>
      %dma_wait3A_501 = tpu.memref_squeeze %dma_wait3A_500 : memref<1x10000x64xf32, #tpu.memory_space<hbm>> -> memref<10000x64xf32, #tpu.memory_space<hbm>>
      %dma_wait3A_502 = arith.constant 0 : i32
      %dma_wait3A_503 = arith.constant 0 : i32
      %dma_wait3A_504 = tpu.memref_slice %dma_wait3A_501[%dma_wait3A_502, %dma_wait3A_503] : memref<10000x64xf32, #tpu.memory_space<hbm>> -> memref<10000x64xf32, #tpu.memory_space<hbm>>
      tpu.wait_indirect_dma semaphore(%arg18 : memref<!tpu.dma_semaphore, #tpu.memory_space<semaphore_mem>>) src(%dma_wait3A_504 : memref<10000x64xf32, #tpu.memory_space<hbm>>) dst(%arg11 : memref<80x64xf32, #tpu.memory_space<vmem>>)
      %dma_start3A_505 = arith.constant 0 : i32
      %dma_start3A_506 = tpu.memref_slice %arg7[%add3A_488, %dma_start3A_505] : memref<250x80xi32, #tpu.memory_space<vmem>> -> memref<1x80xi32, #tpu.memory_space<vmem>>
      %dma_start3A_507 = tpu.memref_squeeze %dma_start3A_506 : memref<1x80xi32, #tpu.memory_space<vmem>> -> memref<80xi32, #tpu.memory_space<vmem>>
      %dma_start3A_508 = arith.constant 0 : i32
      %dma_start3A_509 = arith.constant 0 : i32
      %dma_start3A_510 = tpu.memref_slice %arg14[%dma_start3A_508, %dma_start3A_509] : memref<10000x64xf32, #tpu.memory_space<vmem_shared>> -> memref<10000x64xf32, #tpu.memory_space<vmem_shared>>
      tpu.enqueue_indirect_dma source(%arg11 : memref<80x64xf32, #tpu.memory_space<vmem>>) target(%dma_start3A_510 : memref<10000x64xf32, #tpu.memory_space<vmem_shared>>) offsets(%dma_start3A_507 : memref<80xi32, #tpu.memory_space<vmem>>) semaphore(%arg23 : memref<!tpu.dma_semaphore, #tpu.memory_space<semaphore_mem>>) {add = true}
      %mul3A_511 = arith.constant 5 : i32
      %mul3A_512 = arith.muli %scan3A_405, %mul3A_511 : i32
      %add3A_513 = arith.constant 4 : i32
      %add3A_514 = arith.addi %mul3A_512, %add3A_513 : i32
      %dma_wait3A_515 = arith.constant 0 : i32
      %dma_wait3A_516 = arith.constant 0 : i32
      %dma_wait3A_517 = tpu.memref_slice %arg6[%dma_wait3A_515, %dma_wait3A_516] : memref<250x80xi32, #tpu.memory_space<vmem>> -> memref<1x80xi32, #tpu.memory_space<vmem>>
      %dma_wait3A_518 = tpu.memref_squeeze %dma_wait3A_517 : memref<1x80xi32, #tpu.memory_space<vmem>> -> memref<80xi32, #tpu.memory_space<vmem>>
      %dma_wait3A_519 = arith.constant 0 : i32
      %dma_wait3A_520 = arith.constant 0 : i32
      %dma_wait3A_521 = arith.constant 0 : i32
      %dma_wait3A_522 = tpu.memref_slice %arg2[%arg0, %dma_wait3A_519, %dma_wait3A_520, %dma_wait3A_521] : memref<2x2x10000x64xf32, #tpu.memory_space<hbm>> -> memref<1x2x10000x64xf32, #tpu.memory_space<hbm>>
      %dma_wait3A_523 = tpu.memref_squeeze %dma_wait3A_522 : memref<1x2x10000x64xf32, #tpu.memory_space<hbm>> -> memref<2x10000x64xf32, #tpu.memory_space<hbm>>
      %dma_wait3A_524 = arith.constant 0 : i32
      %dma_wait3A_525 = arith.constant 0 : i32
      %dma_wait3A_526 = tpu.memref_slice %dma_wait3A_523[%scan3A_184, %dma_wait3A_524, %dma_wait3A_525] : memref<2x10000x64xf32, #tpu.memory_space<hbm>> -> memref<1x10000x64xf32, #tpu.memory_space<hbm>>
      %dma_wait3A_527 = tpu.memref_squeeze %dma_wait3A_526 : memref<1x10000x64xf32, #tpu.memory_space<hbm>> -> memref<10000x64xf32, #tpu.memory_space<hbm>>
      %dma_wait3A_528 = arith.constant 0 : i32
      %dma_wait3A_529 = arith.constant 0 : i32
      %dma_wait3A_530 = tpu.memref_slice %dma_wait3A_527[%dma_wait3A_528, %dma_wait3A_529] : memref<10000x64xf32, #tpu.memory_space<hbm>> -> memref<10000x64xf32, #tpu.memory_space<hbm>>
      tpu.wait_indirect_dma semaphore(%arg19 : memref<!tpu.dma_semaphore, #tpu.memory_space<semaphore_mem>>) src(%dma_wait3A_530 : memref<10000x64xf32, #tpu.memory_space<hbm>>) dst(%arg12 : memref<80x64xf32, #tpu.memory_space<vmem>>)
      %dma_start3A_531 = arith.constant 0 : i32
      %dma_start3A_532 = tpu.memref_slice %arg7[%add3A_514, %dma_start3A_531] : memref<250x80xi32, #tpu.memory_space<vmem>> -> memref<1x80xi32, #tpu.memory_space<vmem>>
      %dma_start3A_533 = tpu.memref_squeeze %dma_start3A_532 : memref<1x80xi32, #tpu.memory_space<vmem>> -> memref<80xi32, #tpu.memory_space<vmem>>
      %dma_start3A_534 = arith.constant 0 : i32
      %dma_start3A_535 = arith.constant 0 : i32
      %dma_start3A_536 = tpu.memref_slice %arg14[%dma_start3A_534, %dma_start3A_535] : memref<10000x64xf32, #tpu.memory_space<vmem_shared>> -> memref<10000x64xf32, #tpu.memory_space<vmem_shared>>
      tpu.enqueue_indirect_dma source(%arg12 : memref<80x64xf32, #tpu.memory_space<vmem>>) target(%dma_start3A_536 : memref<10000x64xf32, #tpu.memory_space<vmem_shared>>) offsets(%dma_start3A_533 : memref<80xi32, #tpu.memory_space<vmem>>) semaphore(%arg24 : memref<!tpu.dma_semaphore, #tpu.memory_space<semaphore_mem>>) {add = true}
      %mul3A_537 = arith.constant 5 : i32
      %mul3A_538 = arith.muli %scan3A_405, %mul3A_537 : i32
      %add3A_539 = arith.constant 0 : i32
      %add3A_540 = arith.addi %mul3A_538, %add3A_539 : i32
      %add3A_541 = arith.constant 5 : i32
      %add3A_542 = arith.addi %add3A_540, %add3A_541 : i32
      %dma_wait3A_543 = arith.constant 0 : i32
      %dma_wait3A_544 = tpu.memref_slice %arg7[%add3A_410, %dma_wait3A_543] : memref<250x80xi32, #tpu.memory_space<vmem>> -> memref<1x80xi32, #tpu.memory_space<vmem>>
      %dma_wait3A_545 = tpu.memref_squeeze %dma_wait3A_544 : memref<1x80xi32, #tpu.memory_space<vmem>> -> memref<80xi32, #tpu.memory_space<vmem>>
      %dma_wait3A_546 = arith.constant 0 : i32
      %dma_wait3A_547 = arith.constant 0 : i32
      %dma_wait3A_548 = tpu.memref_slice %arg14[%dma_wait3A_546, %dma_wait3A_547] : memref<10000x64xf32, #tpu.memory_space<vmem_shared>> -> memref<10000x64xf32, #tpu.memory_space<vmem_shared>>
      tpu.wait_indirect_dma semaphore(%arg20 : memref<!tpu.dma_semaphore, #tpu.memory_space<semaphore_mem>>) src(%arg8 : memref<80x64xf32, #tpu.memory_space<vmem>>) dst(%dma_wait3A_548 : memref<10000x64xf32, #tpu.memory_space<vmem_shared>>)
      %lt3A = arith.constant 250 : i32
      %lt3A_549 = arith.cmpi slt, %add3A_542, %lt3A : i32
      %convert_element_type3A_550 = arith.extui %lt3A_549 : i1 to i32
      %cond3A_551 = arith.constant 0 : i32
      %cond3A_552 = arith.cmpi ne, %convert_element_type3A_550, %cond3A_551 : i32
      scf.if %cond3A_552 {
        %dma_start3A_622 = arith.constant 0 : i32
        %dma_start3A_623 = tpu.memref_slice %arg6[%add3A_542, %dma_start3A_622] : memref<250x80xi32, #tpu.memory_space<vmem>> -> memref<1x80xi32, #tpu.memory_space<vmem>>
        %dma_start3A_624 = tpu.memref_squeeze %dma_start3A_623 : memref<1x80xi32, #tpu.memory_space<vmem>> -> memref<80xi32, #tpu.memory_space<vmem>>
        %dma_start3A_625 = arith.constant 0 : i32
        %dma_start3A_626 = arith.constant 0 : i32
        %dma_start3A_627 = arith.constant 0 : i32
        %dma_start3A_628 = tpu.memref_slice %arg2[%arg0, %dma_start3A_625, %dma_start3A_626, %dma_start3A_627] : memref<2x2x10000x64xf32, #tpu.memory_space<hbm>> -> memref<1x2x10000x64xf32, #tpu.memory_space<hbm>>
        %dma_start3A_629 = tpu.memref_squeeze %dma_start3A_628 : memref<1x2x10000x64xf32, #tpu.memory_space<hbm>> -> memref<2x10000x64xf32, #tpu.memory_space<hbm>>
        %dma_start3A_630 = arith.constant 0 : i32
        %dma_start3A_631 = arith.constant 0 : i32
        %dma_start3A_632 = tpu.memref_slice %dma_start3A_629[%scan3A_184, %dma_start3A_630, %dma_start3A_631] : memref<2x10000x64xf32, #tpu.memory_space<hbm>> -> memref<1x10000x64xf32, #tpu.memory_space<hbm>>
        %dma_start3A_633 = tpu.memref_squeeze %dma_start3A_632 : memref<1x10000x64xf32, #tpu.memory_space<hbm>> -> memref<10000x64xf32, #tpu.memory_space<hbm>>
        %dma_start3A_634 = arith.constant 0 : i32
        %dma_start3A_635 = arith.constant 0 : i32
        %dma_start3A_636 = tpu.memref_slice %dma_start3A_633[%dma_start3A_634, %dma_start3A_635] : memref<10000x64xf32, #tpu.memory_space<hbm>> -> memref<10000x64xf32, #tpu.memory_space<hbm>>
        tpu.enqueue_indirect_dma source(%dma_start3A_636 : memref<10000x64xf32, #tpu.memory_space<hbm>>) target(%arg8 : memref<80x64xf32, #tpu.memory_space<vmem>>) offsets(%dma_start3A_624 : memref<80xi32, #tpu.memory_space<vmem>>) semaphore(%arg15 : memref<!tpu.dma_semaphore, #tpu.memory_space<semaphore_mem>>)
      } else {
      }
      %mul3A_553 = arith.constant 5 : i32
      %mul3A_554 = arith.muli %scan3A_405, %mul3A_553 : i32
      %add3A_555 = arith.constant 1 : i32
      %add3A_556 = arith.addi %mul3A_554, %add3A_555 : i32
      %add3A_557 = arith.constant 5 : i32
      %add3A_558 = arith.addi %add3A_556, %add3A_557 : i32
      %dma_wait3A_559 = arith.constant 0 : i32
      %dma_wait3A_560 = tpu.memref_slice %arg7[%add3A_436, %dma_wait3A_559] : memref<250x80xi32, #tpu.memory_space<vmem>> -> memref<1x80xi32, #tpu.memory_space<vmem>>
      %dma_wait3A_561 = tpu.memref_squeeze %dma_wait3A_560 : memref<1x80xi32, #tpu.memory_space<vmem>> -> memref<80xi32, #tpu.memory_space<vmem>>
      %dma_wait3A_562 = arith.constant 0 : i32
      %dma_wait3A_563 = arith.constant 0 : i32
      %dma_wait3A_564 = tpu.memref_slice %arg14[%dma_wait3A_562, %dma_wait3A_563] : memref<10000x64xf32, #tpu.memory_space<vmem_shared>> -> memref<10000x64xf32, #tpu.memory_space<vmem_shared>>
      tpu.wait_indirect_dma semaphore(%arg21 : memref<!tpu.dma_semaphore, #tpu.memory_space<semaphore_mem>>) src(%arg9 : memref<80x64xf32, #tpu.memory_space<vmem>>) dst(%dma_wait3A_564 : memref<10000x64xf32, #tpu.memory_space<vmem_shared>>)
      %lt3A_565 = arith.constant 250 : i32
      %lt3A_566 = arith.cmpi slt, %add3A_558, %lt3A_565 : i32
      %convert_element_type3A_567 = arith.extui %lt3A_566 : i1 to i32
      %cond3A_568 = arith.constant 0 : i32
      %cond3A_569 = arith.cmpi ne, %convert_element_type3A_567, %cond3A_568 : i32
      scf.if %cond3A_569 {
        %dma_start3A_622 = arith.constant 0 : i32
        %dma_start3A_623 = tpu.memref_slice %arg6[%add3A_558, %dma_start3A_622] : memref<250x80xi32, #tpu.memory_space<vmem>> -> memref<1x80xi32, #tpu.memory_space<vmem>>
        %dma_start3A_624 = tpu.memref_squeeze %dma_start3A_623 : memref<1x80xi32, #tpu.memory_space<vmem>> -> memref<80xi32, #tpu.memory_space<vmem>>
        %dma_start3A_625 = arith.constant 0 : i32
        %dma_start3A_626 = arith.constant 0 : i32
        %dma_start3A_627 = arith.constant 0 : i32
        %dma_start3A_628 = tpu.memref_slice %arg2[%arg0, %dma_start3A_625, %dma_start3A_626, %dma_start3A_627] : memref<2x2x10000x64xf32, #tpu.memory_space<hbm>> -> memref<1x2x10000x64xf32, #tpu.memory_space<hbm>>
        %dma_start3A_629 = tpu.memref_squeeze %dma_start3A_628 : memref<1x2x10000x64xf32, #tpu.memory_space<hbm>> -> memref<2x10000x64xf32, #tpu.memory_space<hbm>>
        %dma_start3A_630 = arith.constant 0 : i32
        %dma_start3A_631 = arith.constant 0 : i32
        %dma_start3A_632 = tpu.memref_slice %dma_start3A_629[%scan3A_184, %dma_start3A_630, %dma_start3A_631] : memref<2x10000x64xf32, #tpu.memory_space<hbm>> -> memref<1x10000x64xf32, #tpu.memory_space<hbm>>
        %dma_start3A_633 = tpu.memref_squeeze %dma_start3A_632 : memref<1x10000x64xf32, #tpu.memory_space<hbm>> -> memref<10000x64xf32, #tpu.memory_space<hbm>>
        %dma_start3A_634 = arith.constant 0 : i32
        %dma_start3A_635 = arith.constant 0 : i32
        %dma_start3A_636 = tpu.memref_slice %dma_start3A_633[%dma_start3A_634, %dma_start3A_635] : memref<10000x64xf32, #tpu.memory_space<hbm>> -> memref<10000x64xf32, #tpu.memory_space<hbm>>
        tpu.enqueue_indirect_dma source(%dma_start3A_636 : memref<10000x64xf32, #tpu.memory_space<hbm>>) target(%arg9 : memref<80x64xf32, #tpu.memory_space<vmem>>) offsets(%dma_start3A_624 : memref<80xi32, #tpu.memory_space<vmem>>) semaphore(%arg16 : memref<!tpu.dma_semaphore, #tpu.memory_space<semaphore_mem>>)
      } else {
      }
      %mul3A_570 = arith.constant 5 : i32
      %mul3A_571 = arith.muli %scan3A_405, %mul3A_570 : i32
      %add3A_572 = arith.constant 2 : i32
      %add3A_573 = arith.addi %mul3A_571, %add3A_572 : i32
      %add3A_574 = arith.constant 5 : i32
      %add3A_575 = arith.addi %add3A_573, %add3A_574 : i32
      %dma_wait3A_576 = arith.constant 0 : i32
      %dma_wait3A_577 = tpu.memref_slice %arg7[%add3A_462, %dma_wait3A_576] : memref<250x80xi32, #tpu.memory_space<vmem>> -> memref<1x80xi32, #tpu.memory_space<vmem>>
      %dma_wait3A_578 = tpu.memref_squeeze %dma_wait3A_577 : memref<1x80xi32, #tpu.memory_space<vmem>> -> memref<80xi32, #tpu.memory_space<vmem>>
      %dma_wait3A_579 = arith.constant 0 : i32
      %dma_wait3A_580 = arith.constant 0 : i32
      %dma_wait3A_581 = tpu.memref_slice %arg14[%dma_wait3A_579, %dma_wait3A_580] : memref<10000x64xf32, #tpu.memory_space<vmem_shared>> -> memref<10000x64xf32, #tpu.memory_space<vmem_shared>>
      tpu.wait_indirect_dma semaphore(%arg22 : memref<!tpu.dma_semaphore, #tpu.memory_space<semaphore_mem>>) src(%arg10 : memref<80x64xf32, #tpu.memory_space<vmem>>) dst(%dma_wait3A_581 : memref<10000x64xf32, #tpu.memory_space<vmem_shared>>)
      %lt3A_582 = arith.constant 250 : i32
      %lt3A_583 = arith.cmpi slt, %add3A_575, %lt3A_582 : i32
      %convert_element_type3A_584 = arith.extui %lt3A_583 : i1 to i32
      %cond3A_585 = arith.constant 0 : i32
      %cond3A_586 = arith.cmpi ne, %convert_element_type3A_584, %cond3A_585 : i32
      scf.if %cond3A_586 {
        %dma_start3A_622 = arith.constant 0 : i32
        %dma_start3A_623 = tpu.memref_slice %arg6[%add3A_575, %dma_start3A_622] : memref<250x80xi32, #tpu.memory_space<vmem>> -> memref<1x80xi32, #tpu.memory_space<vmem>>
        %dma_start3A_624 = tpu.memref_squeeze %dma_start3A_623 : memref<1x80xi32, #tpu.memory_space<vmem>> -> memref<80xi32, #tpu.memory_space<vmem>>
        %dma_start3A_625 = arith.constant 0 : i32
        %dma_start3A_626 = arith.constant 0 : i32
        %dma_start3A_627 = arith.constant 0 : i32
        %dma_start3A_628 = tpu.memref_slice %arg2[%arg0, %dma_start3A_625, %dma_start3A_626, %dma_start3A_627] : memref<2x2x10000x64xf32, #tpu.memory_space<hbm>> -> memref<1x2x10000x64xf32, #tpu.memory_space<hbm>>
        %dma_start3A_629 = tpu.memref_squeeze %dma_start3A_628 : memref<1x2x10000x64xf32, #tpu.memory_space<hbm>> -> memref<2x10000x64xf32, #tpu.memory_space<hbm>>
        %dma_start3A_630 = arith.constant 0 : i32
        %dma_start3A_631 = arith.constant 0 : i32
        %dma_start3A_632 = tpu.memref_slice %dma_start3A_629[%scan3A_184, %dma_start3A_630, %dma_start3A_631] : memref<2x10000x64xf32, #tpu.memory_space<hbm>> -> memref<1x10000x64xf32, #tpu.memory_space<hbm>>
        %dma_start3A_633 = tpu.memref_squeeze %dma_start3A_632 : memref<1x10000x64xf32, #tpu.memory_space<hbm>> -> memref<10000x64xf32, #tpu.memory_space<hbm>>
        %dma_start3A_634 = arith.constant 0 : i32
        %dma_start3A_635 = arith.constant 0 : i32
        %dma_start3A_636 = tpu.memref_slice %dma_start3A_633[%dma_start3A_634, %dma_start3A_635] : memref<10000x64xf32, #tpu.memory_space<hbm>> -> memref<10000x64xf32, #tpu.memory_space<hbm>>
        tpu.enqueue_indirect_dma source(%dma_start3A_636 : memref<10000x64xf32, #tpu.memory_space<hbm>>) target(%arg10 : memref<80x64xf32, #tpu.memory_space<vmem>>) offsets(%dma_start3A_624 : memref<80xi32, #tpu.memory_space<vmem>>) semaphore(%arg17 : memref<!tpu.dma_semaphore, #tpu.memory_space<semaphore_mem>>)
      } else {
      }
      %mul3A_587 = arith.constant 5 : i32
      %mul3A_588 = arith.muli %scan3A_405, %mul3A_587 : i32
      %add3A_589 = arith.constant 3 : i32
      %add3A_590 = arith.addi %mul3A_588, %add3A_589 : i32
      %add3A_591 = arith.constant 5 : i32
      %add3A_592 = arith.addi %add3A_590, %add3A_591 : i32
      %dma_wait3A_593 = arith.constant 0 : i32
      %dma_wait3A_594 = tpu.memref_slice %arg7[%add3A_488, %dma_wait3A_593] : memref<250x80xi32, #tpu.memory_space<vmem>> -> memref<1x80xi32, #tpu.memory_space<vmem>>
      %dma_wait3A_595 = tpu.memref_squeeze %dma_wait3A_594 : memref<1x80xi32, #tpu.memory_space<vmem>> -> memref<80xi32, #tpu.memory_space<vmem>>
      %dma_wait3A_596 = arith.constant 0 : i32
      %dma_wait3A_597 = arith.constant 0 : i32
      %dma_wait3A_598 = tpu.memref_slice %arg14[%dma_wait3A_596, %dma_wait3A_597] : memref<10000x64xf32, #tpu.memory_space<vmem_shared>> -> memref<10000x64xf32, #tpu.memory_space<vmem_shared>>
      tpu.wait_indirect_dma semaphore(%arg23 : memref<!tpu.dma_semaphore, #tpu.memory_space<semaphore_mem>>) src(%arg11 : memref<80x64xf32, #tpu.memory_space<vmem>>) dst(%dma_wait3A_598 : memref<10000x64xf32, #tpu.memory_space<vmem_shared>>)
      %lt3A_599 = arith.constant 250 : i32
      %lt3A_600 = arith.cmpi slt, %add3A_592, %lt3A_599 : i32
      %convert_element_type3A_601 = arith.extui %lt3A_600 : i1 to i32
      %cond3A_602 = arith.constant 0 : i32
      %cond3A_603 = arith.cmpi ne, %convert_element_type3A_601, %cond3A_602 : i32
      scf.if %cond3A_603 {
        %dma_start3A_622 = arith.constant 0 : i32
        %dma_start3A_623 = tpu.memref_slice %arg6[%add3A_592, %dma_start3A_622] : memref<250x80xi32, #tpu.memory_space<vmem>> -> memref<1x80xi32, #tpu.memory_space<vmem>>
        %dma_start3A_624 = tpu.memref_squeeze %dma_start3A_623 : memref<1x80xi32, #tpu.memory_space<vmem>> -> memref<80xi32, #tpu.memory_space<vmem>>
        %dma_start3A_625 = arith.constant 0 : i32
        %dma_start3A_626 = arith.constant 0 : i32
        %dma_start3A_627 = arith.constant 0 : i32
        %dma_start3A_628 = tpu.memref_slice %arg2[%arg0, %dma_start3A_625, %dma_start3A_626, %dma_start3A_627] : memref<2x2x10000x64xf32, #tpu.memory_space<hbm>> -> memref<1x2x10000x64xf32, #tpu.memory_space<hbm>>
        %dma_start3A_629 = tpu.memref_squeeze %dma_start3A_628 : memref<1x2x10000x64xf32, #tpu.memory_space<hbm>> -> memref<2x10000x64xf32, #tpu.memory_space<hbm>>
        %dma_start3A_630 = arith.constant 0 : i32
        %dma_start3A_631 = arith.constant 0 : i32
        %dma_start3A_632 = tpu.memref_slice %dma_start3A_629[%scan3A_184, %dma_start3A_630, %dma_start3A_631] : memref<2x10000x64xf32, #tpu.memory_space<hbm>> -> memref<1x10000x64xf32, #tpu.memory_space<hbm>>
        %dma_start3A_633 = tpu.memref_squeeze %dma_start3A_632 : memref<1x10000x64xf32, #tpu.memory_space<hbm>> -> memref<10000x64xf32, #tpu.memory_space<hbm>>
        %dma_start3A_634 = arith.constant 0 : i32
        %dma_start3A_635 = arith.constant 0 : i32
        %dma_start3A_636 = tpu.memref_slice %dma_start3A_633[%dma_start3A_634, %dma_start3A_635] : memref<10000x64xf32, #tpu.memory_space<hbm>> -> memref<10000x64xf32, #tpu.memory_space<hbm>>
        tpu.enqueue_indirect_dma source(%dma_start3A_636 : memref<10000x64xf32, #tpu.memory_space<hbm>>) target(%arg11 : memref<80x64xf32, #tpu.memory_space<vmem>>) offsets(%dma_start3A_624 : memref<80xi32, #tpu.memory_space<vmem>>) semaphore(%arg18 : memref<!tpu.dma_semaphore, #tpu.memory_space<semaphore_mem>>)
      } else {
      }
      %mul3A_604 = arith.constant 5 : i32
      %mul3A_605 = arith.muli %scan3A_405, %mul3A_604 : i32
      %add3A_606 = arith.constant 4 : i32
      %add3A_607 = arith.addi %mul3A_605, %add3A_606 : i32
      %add3A_608 = arith.constant 5 : i32
      %add3A_609 = arith.addi %add3A_607, %add3A_608 : i32
      %dma_wait3A_610 = arith.constant 0 : i32
      %dma_wait3A_611 = tpu.memref_slice %arg7[%add3A_514, %dma_wait3A_610] : memref<250x80xi32, #tpu.memory_space<vmem>> -> memref<1x80xi32, #tpu.memory_space<vmem>>
      %dma_wait3A_612 = tpu.memref_squeeze %dma_wait3A_611 : memref<1x80xi32, #tpu.memory_space<vmem>> -> memref<80xi32, #tpu.memory_space<vmem>>
      %dma_wait3A_613 = arith.constant 0 : i32
      %dma_wait3A_614 = arith.constant 0 : i32
      %dma_wait3A_615 = tpu.memref_slice %arg14[%dma_wait3A_613, %dma_wait3A_614] : memref<10000x64xf32, #tpu.memory_space<vmem_shared>> -> memref<10000x64xf32, #tpu.memory_space<vmem_shared>>
      tpu.wait_indirect_dma semaphore(%arg24 : memref<!tpu.dma_semaphore, #tpu.memory_space<semaphore_mem>>) src(%arg12 : memref<80x64xf32, #tpu.memory_space<vmem>>) dst(%dma_wait3A_615 : memref<10000x64xf32, #tpu.memory_space<vmem_shared>>)
      %lt3A_616 = arith.constant 250 : i32
      %lt3A_617 = arith.cmpi slt, %add3A_609, %lt3A_616 : i32
      %convert_element_type3A_618 = arith.extui %lt3A_617 : i1 to i32
      %cond3A_619 = arith.constant 0 : i32
      %cond3A_620 = arith.cmpi ne, %convert_element_type3A_618, %cond3A_619 : i32
      scf.if %cond3A_620 {
        %dma_start3A_622 = arith.constant 0 : i32
        %dma_start3A_623 = tpu.memref_slice %arg6[%add3A_609, %dma_start3A_622] : memref<250x80xi32, #tpu.memory_space<vmem>> -> memref<1x80xi32, #tpu.memory_space<vmem>>
        %dma_start3A_624 = tpu.memref_squeeze %dma_start3A_623 : memref<1x80xi32, #tpu.memory_space<vmem>> -> memref<80xi32, #tpu.memory_space<vmem>>
        %dma_start3A_625 = arith.constant 0 : i32
        %dma_start3A_626 = arith.constant 0 : i32
        %dma_start3A_627 = arith.constant 0 : i32
        %dma_start3A_628 = tpu.memref_slice %arg2[%arg0, %dma_start3A_625, %dma_start3A_626, %dma_start3A_627] : memref<2x2x10000x64xf32, #tpu.memory_space<hbm>> -> memref<1x2x10000x64xf32, #tpu.memory_space<hbm>>
        %dma_start3A_629 = tpu.memref_squeeze %dma_start3A_628 : memref<1x2x10000x64xf32, #tpu.memory_space<hbm>> -> memref<2x10000x64xf32, #tpu.memory_space<hbm>>
        %dma_start3A_630 = arith.constant 0 : i32
        %dma_start3A_631 = arith.constant 0 : i32
        %dma_start3A_632 = tpu.memref_slice %dma_start3A_629[%scan3A_184, %dma_start3A_630, %dma_start3A_631] : memref<2x10000x64xf32, #tpu.memory_space<hbm>> -> memref<1x10000x64xf32, #tpu.memory_space<hbm>>
        %dma_start3A_633 = tpu.memref_squeeze %dma_start3A_632 : memref<1x10000x64xf32, #tpu.memory_space<hbm>> -> memref<10000x64xf32, #tpu.memory_space<hbm>>
        %dma_start3A_634 = arith.constant 0 : i32
        %dma_start3A_635 = arith.constant 0 : i32
        %dma_start3A_636 = tpu.memref_slice %dma_start3A_633[%dma_start3A_634, %dma_start3A_635] : memref<10000x64xf32, #tpu.memory_space<hbm>> -> memref<10000x64xf32, #tpu.memory_space<hbm>>
        tpu.enqueue_indirect_dma source(%dma_start3A_636 : memref<10000x64xf32, #tpu.memory_space<hbm>>) target(%arg12 : memref<80x64xf32, #tpu.memory_space<vmem>>) offsets(%dma_start3A_624 : memref<80xi32, #tpu.memory_space<vmem>>) semaphore(%arg19 : memref<!tpu.dma_semaphore, #tpu.memory_space<semaphore_mem>>)
      } else {
      }
      %scan3A_621 = arith.constant 0 : i32
      scf.yield %scan3A_621 : i32
    }
    %scan3A_191 = arith.constant 50 : i32
    %barrier3A_192 = arith.constant 0 : index
    tpu.barrier barrier_id(%barrier3A_192)
    %mul3A_193 = arith.constant 128 : i32
    %mul3A_194 = arith.muli %arg0, %mul3A_193 : i32
    %add3A_195 = arith.constant 0 : i32
    %add3A_196 = arith.addi %mul3A_194, %add3A_195 : i32
    "tpu.region"() ({
      %run_scoped3A = tpu.sem_alloc : memref<!tpu.dma_semaphore, #tpu.memory_space<semaphore_mem>>
      %dma_start3A_405 = arith.constant 0 : i32
      %dma_start3A_406 = tpu.memref_slice %arg5[%dma_start3A_405, %add3A_196] : memref<10000x256xf32, #tpu.memory_space<hbm>> -> memref<10000x64xf32, #tpu.memory_space<hbm>>
      %dma_start3A_407 = arith.constant 0 : i32
      %dma_start3A_408 = tpu.memref_slice %dma_start3A_406[%multiple_of3A, %dma_start3A_407] : memref<10000x64xf32, #tpu.memory_space<hbm>> -> memref<624x64xf32, #tpu.memory_space<hbm>>
      %dma_start3A_409 = arith.constant 0 : i32
      %dma_start3A_410 = tpu.memref_slice %arg14[%multiple_of3A, %dma_start3A_409] : memref<10000x64xf32, #tpu.memory_space<vmem_shared>> -> memref<624x64xf32, #tpu.memory_space<vmem_shared>>
      tpu.enqueue_dma source(%dma_start3A_410 : memref<624x64xf32, #tpu.memory_space<vmem_shared>>) target(%dma_start3A_408 : memref<624x64xf32, #tpu.memory_space<hbm>>) target_semaphore(%run_scoped3A : memref<!tpu.dma_semaphore, #tpu.memory_space<semaphore_mem>>)
      %dma_wait3A_411 = arith.constant 0 : i32
      %dma_wait3A_412 = tpu.memref_slice %arg5[%dma_wait3A_411, %add3A_196] : memref<10000x256xf32, #tpu.memory_space<hbm>> -> memref<10000x64xf32, #tpu.memory_space<hbm>>
      %dma_wait3A_413 = arith.constant 0 : i32
      %dma_wait3A_414 = tpu.memref_slice %dma_wait3A_412[%multiple_of3A, %dma_wait3A_413] : memref<10000x64xf32, #tpu.memory_space<hbm>> -> memref<624x64xf32, #tpu.memory_space<hbm>>
      %dma_wait3A_415 = arith.constant 0 : i32
      %dma_wait3A_416 = tpu.memref_slice %arg14[%multiple_of3A, %dma_wait3A_415] : memref<10000x64xf32, #tpu.memory_space<vmem_shared>> -> memref<624x64xf32, #tpu.memory_space<vmem_shared>>
      tpu.wait_dma2 semaphore(%run_scoped3A : memref<!tpu.dma_semaphore, #tpu.memory_space<semaphore_mem>>) src(%dma_wait3A_416 : memref<624x64xf32, #tpu.memory_space<vmem_shared>>) dst(%dma_wait3A_414 : memref<624x64xf32, #tpu.memory_space<hbm>>)
      tpu.yield
    }) : () -> ()
    %eq3A_197 = arith.constant 15 : i32
    %eq3A_198 = arith.cmpi eq, %arg1, %eq3A_197 : i32
    %convert_element_type3A_199 = arith.extui %eq3A_198 : i1 to i32
    %cond3A_200 = arith.constant 0 : i32
    %cond3A_201 = arith.cmpi ne, %convert_element_type3A_199, %cond3A_200 : i32
    scf.if %cond3A_201 {
      "tpu.region"() ({
        %run_scoped3A = tpu.sem_alloc : memref<!tpu.dma_semaphore, #tpu.memory_space<semaphore_mem>>
        %dma_start3A_405 = arith.constant 0 : i32
        %dma_start3A_406 = tpu.memref_slice %arg5[%dma_start3A_405, %add3A_196] : memref<10000x256xf32, #tpu.memory_space<hbm>> -> memref<10000x64xf32, #tpu.memory_space<hbm>>
        %dma_start3A_407 = arith.constant 9984 : i32
        %dma_start3A_408 = arith.constant 0 : i32
        %dma_start3A_409 = tpu.memref_slice %dma_start3A_406[%dma_start3A_407, %dma_start3A_408] : memref<10000x64xf32, #tpu.memory_space<hbm>> -> memref<16x64xf32, #tpu.memory_space<hbm>>
        %dma_start3A_410 = arith.constant 9984 : i32
        %dma_start3A_411 = arith.constant 0 : i32
        %dma_start3A_412 = tpu.memref_slice %arg14[%dma_start3A_410, %dma_start3A_411] : memref<10000x64xf32, #tpu.memory_space<vmem_shared>> -> memref<16x64xf32, #tpu.memory_space<vmem_shared>>
        tpu.enqueue_dma source(%dma_start3A_412 : memref<16x64xf32, #tpu.memory_space<vmem_shared>>) target(%dma_start3A_409 : memref<16x64xf32, #tpu.memory_space<hbm>>) target_semaphore(%run_scoped3A : memref<!tpu.dma_semaphore, #tpu.memory_space<semaphore_mem>>)
        %dma_wait3A_413 = arith.constant 0 : i32
        %dma_wait3A_414 = tpu.memref_slice %arg5[%dma_wait3A_413, %add3A_196] : memref<10000x256xf32, #tpu.memory_space<hbm>> -> memref<10000x64xf32, #tpu.memory_space<hbm>>
        %dma_wait3A_415 = arith.constant 9984 : i32
        %dma_wait3A_416 = arith.constant 0 : i32
        %dma_wait3A_417 = tpu.memref_slice %dma_wait3A_414[%dma_wait3A_415, %dma_wait3A_416] : memref<10000x64xf32, #tpu.memory_space<hbm>> -> memref<16x64xf32, #tpu.memory_space<hbm>>
        %dma_wait3A_418 = arith.constant 9984 : i32
        %dma_wait3A_419 = arith.constant 0 : i32
        %dma_wait3A_420 = tpu.memref_slice %arg14[%dma_wait3A_418, %dma_wait3A_419] : memref<10000x64xf32, #tpu.memory_space<vmem_shared>> -> memref<16x64xf32, #tpu.memory_space<vmem_shared>>
        tpu.wait_dma2 semaphore(%run_scoped3A : memref<!tpu.dma_semaphore, #tpu.memory_space<semaphore_mem>>) src(%dma_wait3A_420 : memref<16x64xf32, #tpu.memory_space<vmem_shared>>) dst(%dma_wait3A_417 : memref<16x64xf32, #tpu.memory_space<hbm>>)
        tpu.yield
      }) : () -> ()
    } else {
    }
    %barrier3A_202 = arith.constant 0 : index
    tpu.barrier barrier_id(%barrier3A_202)
    %add3A_203 = arith.constant 0 : i32
    %add3A_204 = arith.addi %multiple_of3A, %add3A_203 : i32
    %dma_start3A_205 = arith.constant 0 : i32
    %dma_start3A_206 = tpu.memref_slice %arg14[%add3A_204, %dma_start3A_205] : memref<10000x64xf32, #tpu.memory_space<vmem_shared>> -> memref<80x64xf32, #tpu.memory_space<vmem_shared>>
    %dma_start3A_207 = arith.constant 0 : i32
    %dma_start3A_208 = tpu.memref_slice %arg14[%add3A_204, %dma_start3A_207] : memref<10000x64xf32, #tpu.memory_space<vmem_shared>> -> memref<80x64xf32, #tpu.memory_space<vmem_shared>>
    tpu.enqueue_dma source(%arg13 : memref<80x64xf32, #tpu.memory_space<vmem>>) target(%dma_start3A_208 : memref<80x64xf32, #tpu.memory_space<vmem_shared>>) target_semaphore(%arg25 : memref<!tpu.dma_semaphore, #tpu.memory_space<semaphore_mem>>)
    %add3A_209 = arith.constant 80 : i32
    %add3A_210 = arith.addi %multiple_of3A, %add3A_209 : i32
    %dma_start3A_211 = arith.constant 0 : i32
    %dma_start3A_212 = tpu.memref_slice %arg14[%add3A_210, %dma_start3A_211] : memref<10000x64xf32, #tpu.memory_space<vmem_shared>> -> memref<80x64xf32, #tpu.memory_space<vmem_shared>>
    %dma_start3A_213 = arith.constant 0 : i32
    %dma_start3A_214 = tpu.memref_slice %arg14[%add3A_210, %dma_start3A_213] : memref<10000x64xf32, #tpu.memory_space<vmem_shared>> -> memref<80x64xf32, #tpu.memory_space<vmem_shared>>
    tpu.enqueue_dma source(%arg13 : memref<80x64xf32, #tpu.memory_space<vmem>>) target(%dma_start3A_214 : memref<80x64xf32, #tpu.memory_space<vmem_shared>>) target_semaphore(%arg25 : memref<!tpu.dma_semaphore, #tpu.memory_space<semaphore_mem>>)
    %add3A_215 = arith.constant 160 : i32
    %add3A_216 = arith.addi %multiple_of3A, %add3A_215 : i32
    %dma_start3A_217 = arith.constant 0 : i32
    %dma_start3A_218 = tpu.memref_slice %arg14[%add3A_216, %dma_start3A_217] : memref<10000x64xf32, #tpu.memory_space<vmem_shared>> -> memref<80x64xf32, #tpu.memory_space<vmem_shared>>
    %dma_start3A_219 = arith.constant 0 : i32
    %dma_start3A_220 = tpu.memref_slice %arg14[%add3A_216, %dma_start3A_219] : memref<10000x64xf32, #tpu.memory_space<vmem_shared>> -> memref<80x64xf32, #tpu.memory_space<vmem_shared>>
    tpu.enqueue_dma source(%arg13 : memref<80x64xf32, #tpu.memory_space<vmem>>) target(%dma_start3A_220 : memref<80x64xf32, #tpu.memory_space<vmem_shared>>) target_semaphore(%arg25 : memref<!tpu.dma_semaphore, #tpu.memory_space<semaphore_mem>>)
    %add3A_221 = arith.constant 240 : i32
    %add3A_222 = arith.addi %multiple_of3A, %add3A_221 : i32
    %dma_start3A_223 = arith.constant 0 : i32
    %dma_start3A_224 = tpu.memref_slice %arg14[%add3A_222, %dma_start3A_223] : memref<10000x64xf32, #tpu.memory_space<vmem_shared>> -> memref<80x64xf32, #tpu.memory_space<vmem_shared>>
    %dma_start3A_225 = arith.constant 0 : i32
    %dma_start3A_226 = tpu.memref_slice %arg14[%add3A_222, %dma_start3A_225] : memref<10000x64xf32, #tpu.memory_space<vmem_shared>> -> memref<80x64xf32, #tpu.memory_space<vmem_shared>>
    tpu.enqueue_dma source(%arg13 : memref<80x64xf32, #tpu.memory_space<vmem>>) target(%dma_start3A_226 : memref<80x64xf32, #tpu.memory_space<vmem_shared>>) target_semaphore(%arg25 : memref<!tpu.dma_semaphore, #tpu.memory_space<semaphore_mem>>)
    %add3A_227 = arith.constant 320 : i32
    %add3A_228 = arith.addi %multiple_of3A, %add3A_227 : i32
    %dma_start3A_229 = arith.constant 0 : i32
    %dma_start3A_230 = tpu.memref_slice %arg14[%add3A_228, %dma_start3A_229] : memref<10000x64xf32, #tpu.memory_space<vmem_shared>> -> memref<80x64xf32, #tpu.memory_space<vmem_shared>>
    %dma_start3A_231 = arith.constant 0 : i32
    %dma_start3A_232 = tpu.memref_slice %arg14[%add3A_228, %dma_start3A_231] : memref<10000x64xf32, #tpu.memory_space<vmem_shared>> -> memref<80x64xf32, #tpu.memory_space<vmem_shared>>
    tpu.enqueue_dma source(%arg13 : memref<80x64xf32, #tpu.memory_space<vmem>>) target(%dma_start3A_232 : memref<80x64xf32, #tpu.memory_space<vmem_shared>>) target_semaphore(%arg25 : memref<!tpu.dma_semaphore, #tpu.memory_space<semaphore_mem>>)
    %add3A_233 = arith.constant 400 : i32
    %add3A_234 = arith.addi %multiple_of3A, %add3A_233 : i32
    %dma_start3A_235 = arith.constant 0 : i32
    %dma_start3A_236 = tpu.memref_slice %arg14[%add3A_234, %dma_start3A_235] : memref<10000x64xf32, #tpu.memory_space<vmem_shared>> -> memref<80x64xf32, #tpu.memory_space<vmem_shared>>
    %dma_start3A_237 = arith.constant 0 : i32
    %dma_start3A_238 = tpu.memref_slice %arg14[%add3A_234, %dma_start3A_237] : memref<10000x64xf32, #tpu.memory_space<vmem_shared>> -> memref<80x64xf32, #tpu.memory_space<vmem_shared>>
    tpu.enqueue_dma source(%arg13 : memref<80x64xf32, #tpu.memory_space<vmem>>) target(%dma_start3A_238 : memref<80x64xf32, #tpu.memory_space<vmem_shared>>) target_semaphore(%arg25 : memref<!tpu.dma_semaphore, #tpu.memory_space<semaphore_mem>>)
    %add3A_239 = arith.constant 480 : i32
    %add3A_240 = arith.addi %multiple_of3A, %add3A_239 : i32
    %dma_start3A_241 = arith.constant 0 : i32
    %dma_start3A_242 = tpu.memref_slice %arg14[%add3A_240, %dma_start3A_241] : memref<10000x64xf32, #tpu.memory_space<vmem_shared>> -> memref<80x64xf32, #tpu.memory_space<vmem_shared>>
    %dma_start3A_243 = arith.constant 0 : i32
    %dma_start3A_244 = tpu.memref_slice %arg14[%add3A_240, %dma_start3A_243] : memref<10000x64xf32, #tpu.memory_space<vmem_shared>> -> memref<80x64xf32, #tpu.memory_space<vmem_shared>>
    tpu.enqueue_dma source(%arg13 : memref<80x64xf32, #tpu.memory_space<vmem>>) target(%dma_start3A_244 : memref<80x64xf32, #tpu.memory_space<vmem_shared>>) target_semaphore(%arg25 : memref<!tpu.dma_semaphore, #tpu.memory_space<semaphore_mem>>)
    %add3A_245 = arith.constant 560 : i32
    %add3A_246 = arith.addi %multiple_of3A, %add3A_245 : i32
    %dma_start3A_247 = arith.constant 0 : i32
    %dma_start3A_248 = arith.constant 0 : i32
    %dma_start3A_249 = tpu.memref_slice %arg13[%dma_start3A_247, %dma_start3A_248] : memref<80x64xf32, #tpu.memory_space<vmem>> -> memref<64x64xf32, #tpu.memory_space<vmem>>
    %dma_start3A_250 = arith.constant 0 : i32
    %dma_start3A_251 = tpu.memref_slice %arg14[%add3A_246, %dma_start3A_250] : memref<10000x64xf32, #tpu.memory_space<vmem_shared>> -> memref<64x64xf32, #tpu.memory_space<vmem_shared>>
    %dma_start3A_252 = arith.constant 0 : i32
    %dma_start3A_253 = tpu.memref_slice %arg14[%add3A_246, %dma_start3A_252] : memref<10000x64xf32, #tpu.memory_space<vmem_shared>> -> memref<64x64xf32, #tpu.memory_space<vmem_shared>>
    %dma_start3A_254 = arith.constant 0 : i32
    %dma_start3A_255 = arith.constant 0 : i32
    %dma_start3A_256 = tpu.memref_slice %arg13[%dma_start3A_254, %dma_start3A_255] : memref<80x64xf32, #tpu.memory_space<vmem>> -> memref<64x64xf32, #tpu.memory_space<vmem>>
    tpu.enqueue_dma source(%dma_start3A_256 : memref<64x64xf32, #tpu.memory_space<vmem>>) target(%dma_start3A_253 : memref<64x64xf32, #tpu.memory_space<vmem_shared>>) target_semaphore(%arg25 : memref<!tpu.dma_semaphore, #tpu.memory_space<semaphore_mem>>)
    %dma_wait3A_257 = arith.constant 0 : i32
    %dma_wait3A_258 = tpu.memref_slice %arg14[%add3A_204, %dma_wait3A_257] : memref<10000x64xf32, #tpu.memory_space<vmem_shared>> -> memref<80x64xf32, #tpu.memory_space<vmem_shared>>
    %dma_wait3A_259 = arith.constant 0 : i32
    %dma_wait3A_260 = tpu.memref_slice %arg14[%add3A_204, %dma_wait3A_259] : memref<10000x64xf32, #tpu.memory_space<vmem_shared>> -> memref<80x64xf32, #tpu.memory_space<vmem_shared>>
    tpu.wait_dma2 semaphore(%arg25 : memref<!tpu.dma_semaphore, #tpu.memory_space<semaphore_mem>>) src(%arg13 : memref<80x64xf32, #tpu.memory_space<vmem>>) dst(%dma_wait3A_260 : memref<80x64xf32, #tpu.memory_space<vmem_shared>>)
    %dma_wait3A_261 = arith.constant 0 : i32
    %dma_wait3A_262 = tpu.memref_slice %arg14[%add3A_210, %dma_wait3A_261] : memref<10000x64xf32, #tpu.memory_space<vmem_shared>> -> memref<80x64xf32, #tpu.memory_space<vmem_shared>>
    %dma_wait3A_263 = arith.constant 0 : i32
    %dma_wait3A_264 = tpu.memref_slice %arg14[%add3A_210, %dma_wait3A_263] : memref<10000x64xf32, #tpu.memory_space<vmem_shared>> -> memref<80x64xf32, #tpu.memory_space<vmem_shared>>
    tpu.wait_dma2 semaphore(%arg25 : memref<!tpu.dma_semaphore, #tpu.memory_space<semaphore_mem>>) src(%arg13 : memref<80x64xf32, #tpu.memory_space<vmem>>) dst(%dma_wait3A_264 : memref<80x64xf32, #tpu.memory_space<vmem_shared>>)
    %dma_wait3A_265 = arith.constant 0 : i32
    %dma_wait3A_266 = tpu.memref_slice %arg14[%add3A_216, %dma_wait3A_265] : memref<10000x64xf32, #tpu.memory_space<vmem_shared>> -> memref<80x64xf32, #tpu.memory_space<vmem_shared>>
    %dma_wait3A_267 = arith.constant 0 : i32
    %dma_wait3A_268 = tpu.memref_slice %arg14[%add3A_216, %dma_wait3A_267] : memref<10000x64xf32, #tpu.memory_space<vmem_shared>> -> memref<80x64xf32, #tpu.memory_space<vmem_shared>>
    tpu.wait_dma2 semaphore(%arg25 : memref<!tpu.dma_semaphore, #tpu.memory_space<semaphore_mem>>) src(%arg13 : memref<80x64xf32, #tpu.memory_space<vmem>>) dst(%dma_wait3A_268 : memref<80x64xf32, #tpu.memory_space<vmem_shared>>)
    %dma_wait3A_269 = arith.constant 0 : i32
    %dma_wait3A_270 = tpu.memref_slice %arg14[%add3A_222, %dma_wait3A_269] : memref<10000x64xf32, #tpu.memory_space<vmem_shared>> -> memref<80x64xf32, #tpu.memory_space<vmem_shared>>
    %dma_wait3A_271 = arith.constant 0 : i32
    %dma_wait3A_272 = tpu.memref_slice %arg14[%add3A_222, %dma_wait3A_271] : memref<10000x64xf32, #tpu.memory_space<vmem_shared>> -> memref<80x64xf32, #tpu.memory_space<vmem_shared>>
    tpu.wait_dma2 semaphore(%arg25 : memref<!tpu.dma_semaphore, #tpu.memory_space<semaphore_mem>>) src(%arg13 : memref<80x64xf32, #tpu.memory_space<vmem>>) dst(%dma_wait3A_272 : memref<80x64xf32, #tpu.memory_space<vmem_shared>>)
    %dma_wait3A_273 = arith.constant 0 : i32
    %dma_wait3A_274 = tpu.memref_slice %arg14[%add3A_228, %dma_wait3A_273] : memref<10000x64xf32, #tpu.memory_space<vmem_shared>> -> memref<80x64xf32, #tpu.memory_space<vmem_shared>>
    %dma_wait3A_275 = arith.constant 0 : i32
    %dma_wait3A_276 = tpu.memref_slice %arg14[%add3A_228, %dma_wait3A_275] : memref<10000x64xf32, #tpu.memory_space<vmem_shared>> -> memref<80x64xf32, #tpu.memory_space<vmem_shared>>
    tpu.wait_dma2 semaphore(%arg25 : memref<!tpu.dma_semaphore, #tpu.memory_space<semaphore_mem>>) src(%arg13 : memref<80x64xf32, #tpu.memory_space<vmem>>) dst(%dma_wait3A_276 : memref<80x64xf32, #tpu.memory_space<vmem_shared>>)
    %dma_wait3A_277 = arith.constant 0 : i32
    %dma_wait3A_278 = tpu.memref_slice %arg14[%add3A_234, %dma_wait3A_277] : memref<10000x64xf32, #tpu.memory_space<vmem_shared>> -> memref<80x64xf32, #tpu.memory_space<vmem_shared>>
    %dma_wait3A_279 = arith.constant 0 : i32
    %dma_wait3A_280 = tpu.memref_slice %arg14[%add3A_234, %dma_wait3A_279] : memref<10000x64xf32, #tpu.memory_space<vmem_shared>> -> memref<80x64xf32, #tpu.memory_space<vmem_shared>>
    tpu.wait_dma2 semaphore(%arg25 : memref<!tpu.dma_semaphore, #tpu.memory_space<semaphore_mem>>) src(%arg13 : memref<80x64xf32, #tpu.memory_space<vmem>>) dst(%dma_wait3A_280 : memref<80x64xf32, #tpu.memory_space<vmem_shared>>)
    %dma_wait3A_281 = arith.constant 0 : i32
    %dma_wait3A_282 = tpu.memref_slice %arg14[%add3A_240, %dma_wait3A_281] : memref<10000x64xf32, #tpu.memory_space<vmem_shared>> -> memref<80x64xf32, #tpu.memory_space<vmem_shared>>
    %dma_wait3A_283 = arith.constant 0 : i32
    %dma_wait3A_284 = tpu.memref_slice %arg14[%add3A_240, %dma_wait3A_283] : memref<10000x64xf32, #tpu.memory_space<vmem_shared>> -> memref<80x64xf32, #tpu.memory_space<vmem_shared>>
    tpu.wait_dma2 semaphore(%arg25 : memref<!tpu.dma_semaphore, #tpu.memory_space<semaphore_mem>>) src(%arg13 : memref<80x64xf32, #tpu.memory_space<vmem>>) dst(%dma_wait3A_284 : memref<80x64xf32, #tpu.memory_space<vmem_shared>>)
    %dma_wait3A_285 = arith.constant 0 : i32
    %dma_wait3A_286 = arith.constant 0 : i32
    %dma_wait3A_287 = tpu.memref_slice %arg13[%dma_wait3A_285, %dma_wait3A_286] : memref<80x64xf32, #tpu.memory_space<vmem>> -> memref<64x64xf32, #tpu.memory_space<vmem>>
    %dma_wait3A_288 = arith.constant 0 : i32
    %dma_wait3A_289 = tpu.memref_slice %arg14[%add3A_246, %dma_wait3A_288] : memref<10000x64xf32, #tpu.memory_space<vmem_shared>> -> memref<64x64xf32, #tpu.memory_space<vmem_shared>>
    %dma_wait3A_290 = arith.constant 0 : i32
    %dma_wait3A_291 = tpu.memref_slice %arg14[%add3A_246, %dma_wait3A_290] : memref<10000x64xf32, #tpu.memory_space<vmem_shared>> -> memref<64x64xf32, #tpu.memory_space<vmem_shared>>
    %dma_wait3A_292 = arith.constant 0 : i32
    %dma_wait3A_293 = arith.constant 0 : i32
    %dma_wait3A_294 = tpu.memref_slice %arg13[%dma_wait3A_292, %dma_wait3A_293] : memref<80x64xf32, #tpu.memory_space<vmem>> -> memref<64x64xf32, #tpu.memory_space<vmem>>
    tpu.wait_dma2 semaphore(%arg25 : memref<!tpu.dma_semaphore, #tpu.memory_space<semaphore_mem>>) src(%dma_wait3A_294 : memref<64x64xf32, #tpu.memory_space<vmem>>) dst(%dma_wait3A_291 : memref<64x64xf32, #tpu.memory_space<vmem_shared>>)
    %eq3A_295 = arith.constant 15 : i32
    %eq3A_296 = arith.cmpi eq, %arg1, %eq3A_295 : i32
    %convert_element_type3A_297 = arith.extui %eq3A_296 : i1 to i32
    %cond3A_298 = arith.constant 0 : i32
    %cond3A_299 = arith.cmpi ne, %convert_element_type3A_297, %cond3A_298 : i32
    scf.if %cond3A_299 {
      %dma_start3A_405 = arith.constant 0 : i32
      %dma_start3A_406 = arith.constant 0 : i32
      %dma_start3A_407 = tpu.memref_slice %arg13[%dma_start3A_405, %dma_start3A_406] : memref<80x64xf32, #tpu.memory_space<vmem>> -> memref<16x64xf32, #tpu.memory_space<vmem>>
      %dma_start3A_408 = arith.constant 9984 : i32
      %dma_start3A_409 = arith.constant 0 : i32
      %dma_start3A_410 = tpu.memref_slice %arg14[%dma_start3A_408, %dma_start3A_409] : memref<10000x64xf32, #tpu.memory_space<vmem_shared>> -> memref<16x64xf32, #tpu.memory_space<vmem_shared>>
      %dma_start3A_411 = arith.constant 9984 : i32
      %dma_start3A_412 = arith.constant 0 : i32
      %dma_start3A_413 = tpu.memref_slice %arg14[%dma_start3A_411, %dma_start3A_412] : memref<10000x64xf32, #tpu.memory_space<vmem_shared>> -> memref<16x64xf32, #tpu.memory_space<vmem_shared>>
      %dma_start3A_414 = arith.constant 0 : i32
      %dma_start3A_415 = arith.constant 0 : i32
      %dma_start3A_416 = tpu.memref_slice %arg13[%dma_start3A_414, %dma_start3A_415] : memref<80x64xf32, #tpu.memory_space<vmem>> -> memref<16x64xf32, #tpu.memory_space<vmem>>
      tpu.enqueue_dma source(%dma_start3A_416 : memref<16x64xf32, #tpu.memory_space<vmem>>) target(%dma_start3A_413 : memref<16x64xf32, #tpu.memory_space<vmem_shared>>) target_semaphore(%arg25 : memref<!tpu.dma_semaphore, #tpu.memory_space<semaphore_mem>>)
      %dma_wait3A_417 = arith.constant 0 : i32
      %dma_wait3A_418 = arith.constant 0 : i32
      %dma_wait3A_419 = tpu.memref_slice %arg13[%dma_wait3A_417, %dma_wait3A_418] : memref<80x64xf32, #tpu.memory_space<vmem>> -> memref<16x64xf32, #tpu.memory_space<vmem>>
      %dma_wait3A_420 = arith.constant 9984 : i32
      %dma_wait3A_421 = arith.constant 0 : i32
      %dma_wait3A_422 = tpu.memref_slice %arg14[%dma_wait3A_420, %dma_wait3A_421] : memref<10000x64xf32, #tpu.memory_space<vmem_shared>> -> memref<16x64xf32, #tpu.memory_space<vmem_shared>>
      %dma_wait3A_423 = arith.constant 9984 : i32
      %dma_wait3A_424 = arith.constant 0 : i32
      %dma_wait3A_425 = tpu.memref_slice %arg14[%dma_wait3A_423, %dma_wait3A_424] : memref<10000x64xf32, #tpu.memory_space<vmem_shared>> -> memref<16x64xf32, #tpu.memory_space<vmem_shared>>
      %dma_wait3A_426 = arith.constant 0 : i32
      %dma_wait3A_427 = arith.constant 0 : i32
      %dma_wait3A_428 = tpu.memref_slice %arg13[%dma_wait3A_426, %dma_wait3A_427] : memref<80x64xf32, #tpu.memory_space<vmem>> -> memref<16x64xf32, #tpu.memory_space<vmem>>
      tpu.wait_dma2 semaphore(%arg25 : memref<!tpu.dma_semaphore, #tpu.memory_space<semaphore_mem>>) src(%dma_wait3A_428 : memref<16x64xf32, #tpu.memory_space<vmem>>) dst(%dma_wait3A_425 : memref<16x64xf32, #tpu.memory_space<vmem_shared>>)
    } else {
    }
    %barrier3A_300 = arith.constant 0 : index
    tpu.barrier barrier_id(%barrier3A_300)
    %dma_start3A_301 = arith.constant 1 : i32
    %dma_start3A_302 = arith.constant 0 : i32
    %dma_start3A_303 = arith.constant 0 : i32
    %dma_start3A_304 = tpu.memref_slice %arg6[%dma_start3A_302, %dma_start3A_303] : memref<250x80xi32, #tpu.memory_space<vmem>> -> memref<1x80xi32, #tpu.memory_space<vmem>>
    %dma_start3A_305 = tpu.memref_squeeze %dma_start3A_304 : memref<1x80xi32, #tpu.memory_space<vmem>> -> memref<80xi32, #tpu.memory_space<vmem>>
    %dma_start3A_306 = arith.constant 0 : i32
    %dma_start3A_307 = arith.constant 0 : i32
    %dma_start3A_308 = arith.constant 0 : i32
    %dma_start3A_309 = tpu.memref_slice %arg2[%arg0, %dma_start3A_306, %dma_start3A_307, %dma_start3A_308] : memref<2x2x10000x64xf32, #tpu.memory_space<hbm>> -> memref<1x2x10000x64xf32, #tpu.memory_space<hbm>>
    %dma_start3A_310 = tpu.memref_squeeze %dma_start3A_309 : memref<1x2x10000x64xf32, #tpu.memory_space<hbm>> -> memref<2x10000x64xf32, #tpu.memory_space<hbm>>
    %dma_start3A_311 = arith.constant 0 : i32
    %dma_start3A_312 = arith.constant 0 : i32
    %dma_start3A_313 = tpu.memref_slice %dma_start3A_310[%dma_start3A_301, %dma_start3A_311, %dma_start3A_312] : memref<2x10000x64xf32, #tpu.memory_space<hbm>> -> memref<1x10000x64xf32, #tpu.memory_space<hbm>>
    %dma_start3A_314 = tpu.memref_squeeze %dma_start3A_313 : memref<1x10000x64xf32, #tpu.memory_space<hbm>> -> memref<10000x64xf32, #tpu.memory_space<hbm>>
    %dma_start3A_315 = arith.constant 0 : i32
    %dma_start3A_316 = arith.constant 0 : i32
    %dma_start3A_317 = tpu.memref_slice %dma_start3A_314[%dma_start3A_315, %dma_start3A_316] : memref<10000x64xf32, #tpu.memory_space<hbm>> -> memref<10000x64xf32, #tpu.memory_space<hbm>>
    tpu.enqueue_indirect_dma source(%dma_start3A_317 : memref<10000x64xf32, #tpu.memory_space<hbm>>) target(%arg8 : memref<80x64xf32, #tpu.memory_space<vmem>>) offsets(%dma_start3A_305 : memref<80xi32, #tpu.memory_space<vmem>>) semaphore(%arg15 : memref<!tpu.dma_semaphore, #tpu.memory_space<semaphore_mem>>)
    %dma_start3A_318 = arith.constant 1 : i32
    %dma_start3A_319 = arith.constant 1 : i32
    %dma_start3A_320 = arith.constant 0 : i32
    %dma_start3A_321 = tpu.memref_slice %arg6[%dma_start3A_319, %dma_start3A_320] : memref<250x80xi32, #tpu.memory_space<vmem>> -> memref<1x80xi32, #tpu.memory_space<vmem>>
    %dma_start3A_322 = tpu.memref_squeeze %dma_start3A_321 : memref<1x80xi32, #tpu.memory_space<vmem>> -> memref<80xi32, #tpu.memory_space<vmem>>
    %dma_start3A_323 = arith.constant 0 : i32
    %dma_start3A_324 = arith.constant 0 : i32
    %dma_start3A_325 = arith.constant 0 : i32
    %dma_start3A_326 = tpu.memref_slice %arg2[%arg0, %dma_start3A_323, %dma_start3A_324, %dma_start3A_325] : memref<2x2x10000x64xf32, #tpu.memory_space<hbm>> -> memref<1x2x10000x64xf32, #tpu.memory_space<hbm>>
    %dma_start3A_327 = tpu.memref_squeeze %dma_start3A_326 : memref<1x2x10000x64xf32, #tpu.memory_space<hbm>> -> memref<2x10000x64xf32, #tpu.memory_space<hbm>>
    %dma_start3A_328 = arith.constant 0 : i32
    %dma_start3A_329 = arith.constant 0 : i32
    %dma_start3A_330 = tpu.memref_slice %dma_start3A_327[%dma_start3A_318, %dma_start3A_328, %dma_start3A_329] : memref<2x10000x64xf32, #tpu.memory_space<hbm>> -> memref<1x10000x64xf32, #tpu.memory_space<hbm>>
    %dma_start3A_331 = tpu.memref_squeeze %dma_start3A_330 : memref<1x10000x64xf32, #tpu.memory_space<hbm>> -> memref<10000x64xf32, #tpu.memory_space<hbm>>
    %dma_start3A_332 = arith.constant 0 : i32
    %dma_start3A_333 = arith.constant 0 : i32
    %dma_start3A_334 = tpu.memref_slice %dma_start3A_331[%dma_start3A_332, %dma_start3A_333] : memref<10000x64xf32, #tpu.memory_space<hbm>> -> memref<10000x64xf32, #tpu.memory_space<hbm>>
    tpu.enqueue_indirect_dma source(%dma_start3A_334 : memref<10000x64xf32, #tpu.memory_space<hbm>>) target(%arg9 : memref<80x64xf32, #tpu.memory_space<vmem>>) offsets(%dma_start3A_322 : memref<80xi32, #tpu.memory_space<vmem>>) semaphore(%arg16 : memref<!tpu.dma_semaphore, #tpu.memory_space<semaphore_mem>>)
    %dma_start3A_335 = arith.constant 1 : i32
    %dma_start3A_336 = arith.constant 2 : i32
    %dma_start3A_337 = arith.constant 0 : i32
    %dma_start3A_338 = tpu.memref_slice %arg6[%dma_start3A_336, %dma_start3A_337] : memref<250x80xi32, #tpu.memory_space<vmem>> -> memref<1x80xi32, #tpu.memory_space<vmem>>
    %dma_start3A_339 = tpu.memref_squeeze %dma_start3A_338 : memref<1x80xi32, #tpu.memory_space<vmem>> -> memref<80xi32, #tpu.memory_space<vmem>>
    %dma_start3A_340 = arith.constant 0 : i32
    %dma_start3A_341 = arith.constant 0 : i32
    %dma_start3A_342 = arith.constant 0 : i32
    %dma_start3A_343 = tpu.memref_slice %arg2[%arg0, %dma_start3A_340, %dma_start3A_341, %dma_start3A_342] : memref<2x2x10000x64xf32, #tpu.memory_space<hbm>> -> memref<1x2x10000x64xf32, #tpu.memory_space<hbm>>
    %dma_start3A_344 = tpu.memref_squeeze %dma_start3A_343 : memref<1x2x10000x64xf32, #tpu.memory_space<hbm>> -> memref<2x10000x64xf32, #tpu.memory_space<hbm>>
    %dma_start3A_345 = arith.constant 0 : i32
    %dma_start3A_346 = arith.constant 0 : i32
    %dma_start3A_347 = tpu.memref_slice %dma_start3A_344[%dma_start3A_335, %dma_start3A_345, %dma_start3A_346] : memref<2x10000x64xf32, #tpu.memory_space<hbm>> -> memref<1x10000x64xf32, #tpu.memory_space<hbm>>
    %dma_start3A_348 = tpu.memref_squeeze %dma_start3A_347 : memref<1x10000x64xf32, #tpu.memory_space<hbm>> -> memref<10000x64xf32, #tpu.memory_space<hbm>>
    %dma_start3A_349 = arith.constant 0 : i32
    %dma_start3A_350 = arith.constant 0 : i32
    %dma_start3A_351 = tpu.memref_slice %dma_start3A_348[%dma_start3A_349, %dma_start3A_350] : memref<10000x64xf32, #tpu.memory_space<hbm>> -> memref<10000x64xf32, #tpu.memory_space<hbm>>
    tpu.enqueue_indirect_dma source(%dma_start3A_351 : memref<10000x64xf32, #tpu.memory_space<hbm>>) target(%arg10 : memref<80x64xf32, #tpu.memory_space<vmem>>) offsets(%dma_start3A_339 : memref<80xi32, #tpu.memory_space<vmem>>) semaphore(%arg17 : memref<!tpu.dma_semaphore, #tpu.memory_space<semaphore_mem>>)
    %dma_start3A_352 = arith.constant 1 : i32
    %dma_start3A_353 = arith.constant 3 : i32
    %dma_start3A_354 = arith.constant 0 : i32
    %dma_start3A_355 = tpu.memref_slice %arg6[%dma_start3A_353, %dma_start3A_354] : memref<250x80xi32, #tpu.memory_space<vmem>> -> memref<1x80xi32, #tpu.memory_space<vmem>>
    %dma_start3A_356 = tpu.memref_squeeze %dma_start3A_355 : memref<1x80xi32, #tpu.memory_space<vmem>> -> memref<80xi32, #tpu.memory_space<vmem>>
    %dma_start3A_357 = arith.constant 0 : i32
    %dma_start3A_358 = arith.constant 0 : i32
    %dma_start3A_359 = arith.constant 0 : i32
    %dma_start3A_360 = tpu.memref_slice %arg2[%arg0, %dma_start3A_357, %dma_start3A_358, %dma_start3A_359] : memref<2x2x10000x64xf32, #tpu.memory_space<hbm>> -> memref<1x2x10000x64xf32, #tpu.memory_space<hbm>>
    %dma_start3A_361 = tpu.memref_squeeze %dma_start3A_360 : memref<1x2x10000x64xf32, #tpu.memory_space<hbm>> -> memref<2x10000x64xf32, #tpu.memory_space<hbm>>
    %dma_start3A_362 = arith.constant 0 : i32
    %dma_start3A_363 = arith.constant 0 : i32
    %dma_start3A_364 = tpu.memref_slice %dma_start3A_361[%dma_start3A_352, %dma_start3A_362, %dma_start3A_363] : memref<2x10000x64xf32, #tpu.memory_space<hbm>> -> memref<1x10000x64xf32, #tpu.memory_space<hbm>>
    %dma_start3A_365 = tpu.memref_squeeze %dma_start3A_364 : memref<1x10000x64xf32, #tpu.memory_space<hbm>> -> memref<10000x64xf32, #tpu.memory_space<hbm>>
    %dma_start3A_366 = arith.constant 0 : i32
    %dma_start3A_367 = arith.constant 0 : i32
    %dma_start3A_368 = tpu.memref_slice %dma_start3A_365[%dma_start3A_366, %dma_start3A_367] : memref<10000x64xf32, #tpu.memory_space<hbm>> -> memref<10000x64xf32, #tpu.memory_space<hbm>>
    tpu.enqueue_indirect_dma source(%dma_start3A_368 : memref<10000x64xf32, #tpu.memory_space<hbm>>) target(%arg11 : memref<80x64xf32, #tpu.memory_space<vmem>>) offsets(%dma_start3A_356 : memref<80xi32, #tpu.memory_space<vmem>>) semaphore(%arg18 : memref<!tpu.dma_semaphore, #tpu.memory_space<semaphore_mem>>)
    %dma_start3A_369 = arith.constant 1 : i32
    %dma_start3A_370 = arith.constant 4 : i32
    %dma_start3A_371 = arith.constant 0 : i32
    %dma_start3A_372 = tpu.memref_slice %arg6[%dma_start3A_370, %dma_start3A_371] : memref<250x80xi32, #tpu.memory_space<vmem>> -> memref<1x80xi32, #tpu.memory_space<vmem>>
    %dma_start3A_373 = tpu.memref_squeeze %dma_start3A_372 : memref<1x80xi32, #tpu.memory_space<vmem>> -> memref<80xi32, #tpu.memory_space<vmem>>
    %dma_start3A_374 = arith.constant 0 : i32
    %dma_start3A_375 = arith.constant 0 : i32
    %dma_start3A_376 = arith.constant 0 : i32
    %dma_start3A_377 = tpu.memref_slice %arg2[%arg0, %dma_start3A_374, %dma_start3A_375, %dma_start3A_376] : memref<2x2x10000x64xf32, #tpu.memory_space<hbm>> -> memref<1x2x10000x64xf32, #tpu.memory_space<hbm>>
    %dma_start3A_378 = tpu.memref_squeeze %dma_start3A_377 : memref<1x2x10000x64xf32, #tpu.memory_space<hbm>> -> memref<2x10000x64xf32, #tpu.memory_space<hbm>>
    %dma_start3A_379 = arith.constant 0 : i32
    %dma_start3A_380 = arith.constant 0 : i32
    %dma_start3A_381 = tpu.memref_slice %dma_start3A_378[%dma_start3A_369, %dma_start3A_379, %dma_start3A_380] : memref<2x10000x64xf32, #tpu.memory_space<hbm>> -> memref<1x10000x64xf32, #tpu.memory_space<hbm>>
    %dma_start3A_382 = tpu.memref_squeeze %dma_start3A_381 : memref<1x10000x64xf32, #tpu.memory_space<hbm>> -> memref<10000x64xf32, #tpu.memory_space<hbm>>
    %dma_start3A_383 = arith.constant 0 : i32
    %dma_start3A_384 = arith.constant 0 : i32
    %dma_start3A_385 = tpu.memref_slice %dma_start3A_382[%dma_start3A_383, %dma_start3A_384] : memref<10000x64xf32, #tpu.memory_space<hbm>> -> memref<10000x64xf32, #tpu.memory_space<hbm>>
    tpu.enqueue_indirect_dma source(%dma_start3A_385 : memref<10000x64xf32, #tpu.memory_space<hbm>>) target(%arg12 : memref<80x64xf32, #tpu.memory_space<vmem>>) offsets(%dma_start3A_373 : memref<80xi32, #tpu.memory_space<vmem>>) semaphore(%arg19 : memref<!tpu.dma_semaphore, #tpu.memory_space<semaphore_mem>>)
    %scan3A_386 = arith.constant 1 : i32
    %scan3A_387 = arith.constant 0 : i32
    %scan3A_388 = arith.constant 0 : i32
    %scan3A_389 = arith.constant 50 : i32
    %scan3A_390 = arith.addi %scan3A_388, %scan3A_389 : i32
    %scan3A_391 = arith.constant 1 : i32
    %scan3A_392 = scf.for %scan3A_405 = %scan3A_388 to %scan3A_390 step %scan3A_391 iter_args(%scan3A_406 = %scan3A_387) -> (i32)  : i32 {
      %mul3A_407 = arith.constant 5 : i32
      %mul3A_408 = arith.muli %scan3A_405, %mul3A_407 : i32
      %add3A_409 = arith.constant 0 : i32
      %add3A_410 = arith.addi %mul3A_408, %add3A_409 : i32
      %dma_wait3A_411 = arith.constant 0 : i32
      %dma_wait3A_412 = arith.constant 0 : i32
      %dma_wait3A_413 = tpu.memref_slice %arg6[%dma_wait3A_411, %dma_wait3A_412] : memref<250x80xi32, #tpu.memory_space<vmem>> -> memref<1x80xi32, #tpu.memory_space<vmem>>
      %dma_wait3A_414 = tpu.memref_squeeze %dma_wait3A_413 : memref<1x80xi32, #tpu.memory_space<vmem>> -> memref<80xi32, #tpu.memory_space<vmem>>
      %dma_wait3A_415 = arith.constant 0 : i32
      %dma_wait3A_416 = arith.constant 0 : i32
      %dma_wait3A_417 = arith.constant 0 : i32
      %dma_wait3A_418 = tpu.memref_slice %arg2[%arg0, %dma_wait3A_415, %dma_wait3A_416, %dma_wait3A_417] : memref<2x2x10000x64xf32, #tpu.memory_space<hbm>> -> memref<1x2x10000x64xf32, #tpu.memory_space<hbm>>
      %dma_wait3A_419 = tpu.memref_squeeze %dma_wait3A_418 : memref<1x2x10000x64xf32, #tpu.memory_space<hbm>> -> memref<2x10000x64xf32, #tpu.memory_space<hbm>>
      %dma_wait3A_420 = arith.constant 0 : i32
      %dma_wait3A_421 = arith.constant 0 : i32
      %dma_wait3A_422 = tpu.memref_slice %dma_wait3A_419[%scan3A_386, %dma_wait3A_420, %dma_wait3A_421] : memref<2x10000x64xf32, #tpu.memory_space<hbm>> -> memref<1x10000x64xf32, #tpu.memory_space<hbm>>
      %dma_wait3A_423 = tpu.memref_squeeze %dma_wait3A_422 : memref<1x10000x64xf32, #tpu.memory_space<hbm>> -> memref<10000x64xf32, #tpu.memory_space<hbm>>
      %dma_wait3A_424 = arith.constant 0 : i32
      %dma_wait3A_425 = arith.constant 0 : i32
      %dma_wait3A_426 = tpu.memref_slice %dma_wait3A_423[%dma_wait3A_424, %dma_wait3A_425] : memref<10000x64xf32, #tpu.memory_space<hbm>> -> memref<10000x64xf32, #tpu.memory_space<hbm>>
      tpu.wait_indirect_dma semaphore(%arg15 : memref<!tpu.dma_semaphore, #tpu.memory_space<semaphore_mem>>) src(%dma_wait3A_426 : memref<10000x64xf32, #tpu.memory_space<hbm>>) dst(%arg8 : memref<80x64xf32, #tpu.memory_space<vmem>>)
      %dma_start3A_427 = arith.constant 0 : i32
      %dma_start3A_428 = tpu.memref_slice %arg7[%add3A_410, %dma_start3A_427] : memref<250x80xi32, #tpu.memory_space<vmem>> -> memref<1x80xi32, #tpu.memory_space<vmem>>
      %dma_start3A_429 = tpu.memref_squeeze %dma_start3A_428 : memref<1x80xi32, #tpu.memory_space<vmem>> -> memref<80xi32, #tpu.memory_space<vmem>>
      %dma_start3A_430 = arith.constant 0 : i32
      %dma_start3A_431 = arith.constant 0 : i32
      %dma_start3A_432 = tpu.memref_slice %arg14[%dma_start3A_430, %dma_start3A_431] : memref<10000x64xf32, #tpu.memory_space<vmem_shared>> -> memref<10000x64xf32, #tpu.memory_space<vmem_shared>>
      tpu.enqueue_indirect_dma source(%arg8 : memref<80x64xf32, #tpu.memory_space<vmem>>) target(%dma_start3A_432 : memref<10000x64xf32, #tpu.memory_space<vmem_shared>>) offsets(%dma_start3A_429 : memref<80xi32, #tpu.memory_space<vmem>>) semaphore(%arg20 : memref<!tpu.dma_semaphore, #tpu.memory_space<semaphore_mem>>) {add = true}
      %mul3A_433 = arith.constant 5 : i32
      %mul3A_434 = arith.muli %scan3A_405, %mul3A_433 : i32
      %add3A_435 = arith.constant 1 : i32
      %add3A_436 = arith.addi %mul3A_434, %add3A_435 : i32
      %dma_wait3A_437 = arith.constant 0 : i32
      %dma_wait3A_438 = arith.constant 0 : i32
      %dma_wait3A_439 = tpu.memref_slice %arg6[%dma_wait3A_437, %dma_wait3A_438] : memref<250x80xi32, #tpu.memory_space<vmem>> -> memref<1x80xi32, #tpu.memory_space<vmem>>
      %dma_wait3A_440 = tpu.memref_squeeze %dma_wait3A_439 : memref<1x80xi32, #tpu.memory_space<vmem>> -> memref<80xi32, #tpu.memory_space<vmem>>
      %dma_wait3A_441 = arith.constant 0 : i32
      %dma_wait3A_442 = arith.constant 0 : i32
      %dma_wait3A_443 = arith.constant 0 : i32
      %dma_wait3A_444 = tpu.memref_slice %arg2[%arg0, %dma_wait3A_441, %dma_wait3A_442, %dma_wait3A_443] : memref<2x2x10000x64xf32, #tpu.memory_space<hbm>> -> memref<1x2x10000x64xf32, #tpu.memory_space<hbm>>
      %dma_wait3A_445 = tpu.memref_squeeze %dma_wait3A_444 : memref<1x2x10000x64xf32, #tpu.memory_space<hbm>> -> memref<2x10000x64xf32, #tpu.memory_space<hbm>>
      %dma_wait3A_446 = arith.constant 0 : i32
      %dma_wait3A_447 = arith.constant 0 : i32
      %dma_wait3A_448 = tpu.memref_slice %dma_wait3A_445[%scan3A_386, %dma_wait3A_446, %dma_wait3A_447] : memref<2x10000x64xf32, #tpu.memory_space<hbm>> -> memref<1x10000x64xf32, #tpu.memory_space<hbm>>
      %dma_wait3A_449 = tpu.memref_squeeze %dma_wait3A_448 : memref<1x10000x64xf32, #tpu.memory_space<hbm>> -> memref<10000x64xf32, #tpu.memory_space<hbm>>
      %dma_wait3A_450 = arith.constant 0 : i32
      %dma_wait3A_451 = arith.constant 0 : i32
      %dma_wait3A_452 = tpu.memref_slice %dma_wait3A_449[%dma_wait3A_450, %dma_wait3A_451] : memref<10000x64xf32, #tpu.memory_space<hbm>> -> memref<10000x64xf32, #tpu.memory_space<hbm>>
      tpu.wait_indirect_dma semaphore(%arg16 : memref<!tpu.dma_semaphore, #tpu.memory_space<semaphore_mem>>) src(%dma_wait3A_452 : memref<10000x64xf32, #tpu.memory_space<hbm>>) dst(%arg9 : memref<80x64xf32, #tpu.memory_space<vmem>>)
      %dma_start3A_453 = arith.constant 0 : i32
      %dma_start3A_454 = tpu.memref_slice %arg7[%add3A_436, %dma_start3A_453] : memref<250x80xi32, #tpu.memory_space<vmem>> -> memref<1x80xi32, #tpu.memory_space<vmem>>
      %dma_start3A_455 = tpu.memref_squeeze %dma_start3A_454 : memref<1x80xi32, #tpu.memory_space<vmem>> -> memref<80xi32, #tpu.memory_space<vmem>>
      %dma_start3A_456 = arith.constant 0 : i32
      %dma_start3A_457 = arith.constant 0 : i32
      %dma_start3A_458 = tpu.memref_slice %arg14[%dma_start3A_456, %dma_start3A_457] : memref<10000x64xf32, #tpu.memory_space<vmem_shared>> -> memref<10000x64xf32, #tpu.memory_space<vmem_shared>>
      tpu.enqueue_indirect_dma source(%arg9 : memref<80x64xf32, #tpu.memory_space<vmem>>) target(%dma_start3A_458 : memref<10000x64xf32, #tpu.memory_space<vmem_shared>>) offsets(%dma_start3A_455 : memref<80xi32, #tpu.memory_space<vmem>>) semaphore(%arg21 : memref<!tpu.dma_semaphore, #tpu.memory_space<semaphore_mem>>) {add = true}
      %mul3A_459 = arith.constant 5 : i32
      %mul3A_460 = arith.muli %scan3A_405, %mul3A_459 : i32
      %add3A_461 = arith.constant 2 : i32
      %add3A_462 = arith.addi %mul3A_460, %add3A_461 : i32
      %dma_wait3A_463 = arith.constant 0 : i32
      %dma_wait3A_464 = arith.constant 0 : i32
      %dma_wait3A_465 = tpu.memref_slice %arg6[%dma_wait3A_463, %dma_wait3A_464] : memref<250x80xi32, #tpu.memory_space<vmem>> -> memref<1x80xi32, #tpu.memory_space<vmem>>
      %dma_wait3A_466 = tpu.memref_squeeze %dma_wait3A_465 : memref<1x80xi32, #tpu.memory_space<vmem>> -> memref<80xi32, #tpu.memory_space<vmem>>
      %dma_wait3A_467 = arith.constant 0 : i32
      %dma_wait3A_468 = arith.constant 0 : i32
      %dma_wait3A_469 = arith.constant 0 : i32
      %dma_wait3A_470 = tpu.memref_slice %arg2[%arg0, %dma_wait3A_467, %dma_wait3A_468, %dma_wait3A_469] : memref<2x2x10000x64xf32, #tpu.memory_space<hbm>> -> memref<1x2x10000x64xf32, #tpu.memory_space<hbm>>
      %dma_wait3A_471 = tpu.memref_squeeze %dma_wait3A_470 : memref<1x2x10000x64xf32, #tpu.memory_space<hbm>> -> memref<2x10000x64xf32, #tpu.memory_space<hbm>>
      %dma_wait3A_472 = arith.constant 0 : i32
      %dma_wait3A_473 = arith.constant 0 : i32
      %dma_wait3A_474 = tpu.memref_slice %dma_wait3A_471[%scan3A_386, %dma_wait3A_472, %dma_wait3A_473] : memref<2x10000x64xf32, #tpu.memory_space<hbm>> -> memref<1x10000x64xf32, #tpu.memory_space<hbm>>
      %dma_wait3A_475 = tpu.memref_squeeze %dma_wait3A_474 : memref<1x10000x64xf32, #tpu.memory_space<hbm>> -> memref<10000x64xf32, #tpu.memory_space<hbm>>
      %dma_wait3A_476 = arith.constant 0 : i32
      %dma_wait3A_477 = arith.constant 0 : i32
      %dma_wait3A_478 = tpu.memref_slice %dma_wait3A_475[%dma_wait3A_476, %dma_wait3A_477] : memref<10000x64xf32, #tpu.memory_space<hbm>> -> memref<10000x64xf32, #tpu.memory_space<hbm>>
      tpu.wait_indirect_dma semaphore(%arg17 : memref<!tpu.dma_semaphore, #tpu.memory_space<semaphore_mem>>) src(%dma_wait3A_478 : memref<10000x64xf32, #tpu.memory_space<hbm>>) dst(%arg10 : memref<80x64xf32, #tpu.memory_space<vmem>>)
      %dma_start3A_479 = arith.constant 0 : i32
      %dma_start3A_480 = tpu.memref_slice %arg7[%add3A_462, %dma_start3A_479] : memref<250x80xi32, #tpu.memory_space<vmem>> -> memref<1x80xi32, #tpu.memory_space<vmem>>
      %dma_start3A_481 = tpu.memref_squeeze %dma_start3A_480 : memref<1x80xi32, #tpu.memory_space<vmem>> -> memref<80xi32, #tpu.memory_space<vmem>>
      %dma_start3A_482 = arith.constant 0 : i32
      %dma_start3A_483 = arith.constant 0 : i32
      %dma_start3A_484 = tpu.memref_slice %arg14[%dma_start3A_482, %dma_start3A_483] : memref<10000x64xf32, #tpu.memory_space<vmem_shared>> -> memref<10000x64xf32, #tpu.memory_space<vmem_shared>>
      tpu.enqueue_indirect_dma source(%arg10 : memref<80x64xf32, #tpu.memory_space<vmem>>) target(%dma_start3A_484 : memref<10000x64xf32, #tpu.memory_space<vmem_shared>>) offsets(%dma_start3A_481 : memref<80xi32, #tpu.memory_space<vmem>>) semaphore(%arg22 : memref<!tpu.dma_semaphore, #tpu.memory_space<semaphore_mem>>) {add = true}
      %mul3A_485 = arith.constant 5 : i32
      %mul3A_486 = arith.muli %scan3A_405, %mul3A_485 : i32
      %add3A_487 = arith.constant 3 : i32
      %add3A_488 = arith.addi %mul3A_486, %add3A_487 : i32
      %dma_wait3A_489 = arith.constant 0 : i32
      %dma_wait3A_490 = arith.constant 0 : i32
      %dma_wait3A_491 = tpu.memref_slice %arg6[%dma_wait3A_489, %dma_wait3A_490] : memref<250x80xi32, #tpu.memory_space<vmem>> -> memref<1x80xi32, #tpu.memory_space<vmem>>
      %dma_wait3A_492 = tpu.memref_squeeze %dma_wait3A_491 : memref<1x80xi32, #tpu.memory_space<vmem>> -> memref<80xi32, #tpu.memory_space<vmem>>
      %dma_wait3A_493 = arith.constant 0 : i32
      %dma_wait3A_494 = arith.constant 0 : i32
      %dma_wait3A_495 = arith.constant 0 : i32
      %dma_wait3A_496 = tpu.memref_slice %arg2[%arg0, %dma_wait3A_493, %dma_wait3A_494, %dma_wait3A_495] : memref<2x2x10000x64xf32, #tpu.memory_space<hbm>> -> memref<1x2x10000x64xf32, #tpu.memory_space<hbm>>
      %dma_wait3A_497 = tpu.memref_squeeze %dma_wait3A_496 : memref<1x2x10000x64xf32, #tpu.memory_space<hbm>> -> memref<2x10000x64xf32, #tpu.memory_space<hbm>>
      %dma_wait3A_498 = arith.constant 0 : i32
      %dma_wait3A_499 = arith.constant 0 : i32
      %dma_wait3A_500 = tpu.memref_slice %dma_wait3A_497[%scan3A_386, %dma_wait3A_498, %dma_wait3A_499] : memref<2x10000x64xf32, #tpu.memory_space<hbm>> -> memref<1x10000x64xf32, #tpu.memory_space<hbm>>
      %dma_wait3A_501 = tpu.memref_squeeze %dma_wait3A_500 : memref<1x10000x64xf32, #tpu.memory_space<hbm>> -> memref<10000x64xf32, #tpu.memory_space<hbm>>
      %dma_wait3A_502 = arith.constant 0 : i32
      %dma_wait3A_503 = arith.constant 0 : i32
      %dma_wait3A_504 = tpu.memref_slice %dma_wait3A_501[%dma_wait3A_502, %dma_wait3A_503] : memref<10000x64xf32, #tpu.memory_space<hbm>> -> memref<10000x64xf32, #tpu.memory_space<hbm>>
      tpu.wait_indirect_dma semaphore(%arg18 : memref<!tpu.dma_semaphore, #tpu.memory_space<semaphore_mem>>) src(%dma_wait3A_504 : memref<10000x64xf32, #tpu.memory_space<hbm>>) dst(%arg11 : memref<80x64xf32, #tpu.memory_space<vmem>>)
      %dma_start3A_505 = arith.constant 0 : i32
      %dma_start3A_506 = tpu.memref_slice %arg7[%add3A_488, %dma_start3A_505] : memref<250x80xi32, #tpu.memory_space<vmem>> -> memref<1x80xi32, #tpu.memory_space<vmem>>
      %dma_start3A_507 = tpu.memref_squeeze %dma_start3A_506 : memref<1x80xi32, #tpu.memory_space<vmem>> -> memref<80xi32, #tpu.memory_space<vmem>>
      %dma_start3A_508 = arith.constant 0 : i32
      %dma_start3A_509 = arith.constant 0 : i32
      %dma_start3A_510 = tpu.memref_slice %arg14[%dma_start3A_508, %dma_start3A_509] : memref<10000x64xf32, #tpu.memory_space<vmem_shared>> -> memref<10000x64xf32, #tpu.memory_space<vmem_shared>>
      tpu.enqueue_indirect_dma source(%arg11 : memref<80x64xf32, #tpu.memory_space<vmem>>) target(%dma_start3A_510 : memref<10000x64xf32, #tpu.memory_space<vmem_shared>>) offsets(%dma_start3A_507 : memref<80xi32, #tpu.memory_space<vmem>>) semaphore(%arg23 : memref<!tpu.dma_semaphore, #tpu.memory_space<semaphore_mem>>) {add = true}
      %mul3A_511 = arith.constant 5 : i32
      %mul3A_512 = arith.muli %scan3A_405, %mul3A_511 : i32
      %add3A_513 = arith.constant 4 : i32
      %add3A_514 = arith.addi %mul3A_512, %add3A_513 : i32
      %dma_wait3A_515 = arith.constant 0 : i32
      %dma_wait3A_516 = arith.constant 0 : i32
      %dma_wait3A_517 = tpu.memref_slice %arg6[%dma_wait3A_515, %dma_wait3A_516] : memref<250x80xi32, #tpu.memory_space<vmem>> -> memref<1x80xi32, #tpu.memory_space<vmem>>
      %dma_wait3A_518 = tpu.memref_squeeze %dma_wait3A_517 : memref<1x80xi32, #tpu.memory_space<vmem>> -> memref<80xi32, #tpu.memory_space<vmem>>
      %dma_wait3A_519 = arith.constant 0 : i32
      %dma_wait3A_520 = arith.constant 0 : i32
      %dma_wait3A_521 = arith.constant 0 : i32
      %dma_wait3A_522 = tpu.memref_slice %arg2[%arg0, %dma_wait3A_519, %dma_wait3A_520, %dma_wait3A_521] : memref<2x2x10000x64xf32, #tpu.memory_space<hbm>> -> memref<1x2x10000x64xf32, #tpu.memory_space<hbm>>
      %dma_wait3A_523 = tpu.memref_squeeze %dma_wait3A_522 : memref<1x2x10000x64xf32, #tpu.memory_space<hbm>> -> memref<2x10000x64xf32, #tpu.memory_space<hbm>>
      %dma_wait3A_524 = arith.constant 0 : i32
      %dma_wait3A_525 = arith.constant 0 : i32
      %dma_wait3A_526 = tpu.memref_slice %dma_wait3A_523[%scan3A_386, %dma_wait3A_524, %dma_wait3A_525] : memref<2x10000x64xf32, #tpu.memory_space<hbm>> -> memref<1x10000x64xf32, #tpu.memory_space<hbm>>
      %dma_wait3A_527 = tpu.memref_squeeze %dma_wait3A_526 : memref<1x10000x64xf32, #tpu.memory_space<hbm>> -> memref<10000x64xf32, #tpu.memory_space<hbm>>
      %dma_wait3A_528 = arith.constant 0 : i32
      %dma_wait3A_529 = arith.constant 0 : i32
      %dma_wait3A_530 = tpu.memref_slice %dma_wait3A_527[%dma_wait3A_528, %dma_wait3A_529] : memref<10000x64xf32, #tpu.memory_space<hbm>> -> memref<10000x64xf32, #tpu.memory_space<hbm>>
      tpu.wait_indirect_dma semaphore(%arg19 : memref<!tpu.dma_semaphore, #tpu.memory_space<semaphore_mem>>) src(%dma_wait3A_530 : memref<10000x64xf32, #tpu.memory_space<hbm>>) dst(%arg12 : memref<80x64xf32, #tpu.memory_space<vmem>>)
      %dma_start3A_531 = arith.constant 0 : i32
      %dma_start3A_532 = tpu.memref_slice %arg7[%add3A_514, %dma_start3A_531] : memref<250x80xi32, #tpu.memory_space<vmem>> -> memref<1x80xi32, #tpu.memory_space<vmem>>
      %dma_start3A_533 = tpu.memref_squeeze %dma_start3A_532 : memref<1x80xi32, #tpu.memory_space<vmem>> -> memref<80xi32, #tpu.memory_space<vmem>>
      %dma_start3A_534 = arith.constant 0 : i32
      %dma_start3A_535 = arith.constant 0 : i32
      %dma_start3A_536 = tpu.memref_slice %arg14[%dma_start3A_534, %dma_start3A_535] : memref<10000x64xf32, #tpu.memory_space<vmem_shared>> -> memref<10000x64xf32, #tpu.memory_space<vmem_shared>>
      tpu.enqueue_indirect_dma source(%arg12 : memref<80x64xf32, #tpu.memory_space<vmem>>) target(%dma_start3A_536 : memref<10000x64xf32, #tpu.memory_space<vmem_shared>>) offsets(%dma_start3A_533 : memref<80xi32, #tpu.memory_space<vmem>>) semaphore(%arg24 : memref<!tpu.dma_semaphore, #tpu.memory_space<semaphore_mem>>) {add = true}
      %mul3A_537 = arith.constant 5 : i32
      %mul3A_538 = arith.muli %scan3A_405, %mul3A_537 : i32
      %add3A_539 = arith.constant 0 : i32
      %add3A_540 = arith.addi %mul3A_538, %add3A_539 : i32
      %add3A_541 = arith.constant 5 : i32
      %add3A_542 = arith.addi %add3A_540, %add3A_541 : i32
      %dma_wait3A_543 = arith.constant 0 : i32
      %dma_wait3A_544 = tpu.memref_slice %arg7[%add3A_410, %dma_wait3A_543] : memref<250x80xi32, #tpu.memory_space<vmem>> -> memref<1x80xi32, #tpu.memory_space<vmem>>
      %dma_wait3A_545 = tpu.memref_squeeze %dma_wait3A_544 : memref<1x80xi32, #tpu.memory_space<vmem>> -> memref<80xi32, #tpu.memory_space<vmem>>
      %dma_wait3A_546 = arith.constant 0 : i32
      %dma_wait3A_547 = arith.constant 0 : i32
      %dma_wait3A_548 = tpu.memref_slice %arg14[%dma_wait3A_546, %dma_wait3A_547] : memref<10000x64xf32, #tpu.memory_space<vmem_shared>> -> memref<10000x64xf32, #tpu.memory_space<vmem_shared>>
      tpu.wait_indirect_dma semaphore(%arg20 : memref<!tpu.dma_semaphore, #tpu.memory_space<semaphore_mem>>) src(%arg8 : memref<80x64xf32, #tpu.memory_space<vmem>>) dst(%dma_wait3A_548 : memref<10000x64xf32, #tpu.memory_space<vmem_shared>>)
      %lt3A = arith.constant 250 : i32
      %lt3A_549 = arith.cmpi slt, %add3A_542, %lt3A : i32
      %convert_element_type3A_550 = arith.extui %lt3A_549 : i1 to i32
      %cond3A_551 = arith.constant 0 : i32
      %cond3A_552 = arith.cmpi ne, %convert_element_type3A_550, %cond3A_551 : i32
      scf.if %cond3A_552 {
        %dma_start3A_622 = arith.constant 0 : i32
        %dma_start3A_623 = tpu.memref_slice %arg6[%add3A_542, %dma_start3A_622] : memref<250x80xi32, #tpu.memory_space<vmem>> -> memref<1x80xi32, #tpu.memory_space<vmem>>
        %dma_start3A_624 = tpu.memref_squeeze %dma_start3A_623 : memref<1x80xi32, #tpu.memory_space<vmem>> -> memref<80xi32, #tpu.memory_space<vmem>>
        %dma_start3A_625 = arith.constant 0 : i32
        %dma_start3A_626 = arith.constant 0 : i32
        %dma_start3A_627 = arith.constant 0 : i32
        %dma_start3A_628 = tpu.memref_slice %arg2[%arg0, %dma_start3A_625, %dma_start3A_626, %dma_start3A_627] : memref<2x2x10000x64xf32, #tpu.memory_space<hbm>> -> memref<1x2x10000x64xf32, #tpu.memory_space<hbm>>
        %dma_start3A_629 = tpu.memref_squeeze %dma_start3A_628 : memref<1x2x10000x64xf32, #tpu.memory_space<hbm>> -> memref<2x10000x64xf32, #tpu.memory_space<hbm>>
        %dma_start3A_630 = arith.constant 0 : i32
        %dma_start3A_631 = arith.constant 0 : i32
        %dma_start3A_632 = tpu.memref_slice %dma_start3A_629[%scan3A_386, %dma_start3A_630, %dma_start3A_631] : memref<2x10000x64xf32, #tpu.memory_space<hbm>> -> memref<1x10000x64xf32, #tpu.memory_space<hbm>>
        %dma_start3A_633 = tpu.memref_squeeze %dma_start3A_632 : memref<1x10000x64xf32, #tpu.memory_space<hbm>> -> memref<10000x64xf32, #tpu.memory_space<hbm>>
        %dma_start3A_634 = arith.constant 0 : i32
        %dma_start3A_635 = arith.constant 0 : i32
        %dma_start3A_636 = tpu.memref_slice %dma_start3A_633[%dma_start3A_634, %dma_start3A_635] : memref<10000x64xf32, #tpu.memory_space<hbm>> -> memref<10000x64xf32, #tpu.memory_space<hbm>>
        tpu.enqueue_indirect_dma source(%dma_start3A_636 : memref<10000x64xf32, #tpu.memory_space<hbm>>) target(%arg8 : memref<80x64xf32, #tpu.memory_space<vmem>>) offsets(%dma_start3A_624 : memref<80xi32, #tpu.memory_space<vmem>>) semaphore(%arg15 : memref<!tpu.dma_semaphore, #tpu.memory_space<semaphore_mem>>)
      } else {
      }
      %mul3A_553 = arith.constant 5 : i32
      %mul3A_554 = arith.muli %scan3A_405, %mul3A_553 : i32
      %add3A_555 = arith.constant 1 : i32
      %add3A_556 = arith.addi %mul3A_554, %add3A_555 : i32
      %add3A_557 = arith.constant 5 : i32
      %add3A_558 = arith.addi %add3A_556, %add3A_557 : i32
      %dma_wait3A_559 = arith.constant 0 : i32
      %dma_wait3A_560 = tpu.memref_slice %arg7[%add3A_436, %dma_wait3A_559] : memref<250x80xi32, #tpu.memory_space<vmem>> -> memref<1x80xi32, #tpu.memory_space<vmem>>
      %dma_wait3A_561 = tpu.memref_squeeze %dma_wait3A_560 : memref<1x80xi32, #tpu.memory_space<vmem>> -> memref<80xi32, #tpu.memory_space<vmem>>
      %dma_wait3A_562 = arith.constant 0 : i32
      %dma_wait3A_563 = arith.constant 0 : i32
      %dma_wait3A_564 = tpu.memref_slice %arg14[%dma_wait3A_562, %dma_wait3A_563] : memref<10000x64xf32, #tpu.memory_space<vmem_shared>> -> memref<10000x64xf32, #tpu.memory_space<vmem_shared>>
      tpu.wait_indirect_dma semaphore(%arg21 : memref<!tpu.dma_semaphore, #tpu.memory_space<semaphore_mem>>) src(%arg9 : memref<80x64xf32, #tpu.memory_space<vmem>>) dst(%dma_wait3A_564 : memref<10000x64xf32, #tpu.memory_space<vmem_shared>>)
      %lt3A_565 = arith.constant 250 : i32
      %lt3A_566 = arith.cmpi slt, %add3A_558, %lt3A_565 : i32
      %convert_element_type3A_567 = arith.extui %lt3A_566 : i1 to i32
      %cond3A_568 = arith.constant 0 : i32
      %cond3A_569 = arith.cmpi ne, %convert_element_type3A_567, %cond3A_568 : i32
      scf.if %cond3A_569 {
        %dma_start3A_622 = arith.constant 0 : i32
        %dma_start3A_623 = tpu.memref_slice %arg6[%add3A_558, %dma_start3A_622] : memref<250x80xi32, #tpu.memory_space<vmem>> -> memref<1x80xi32, #tpu.memory_space<vmem>>
        %dma_start3A_624 = tpu.memref_squeeze %dma_start3A_623 : memref<1x80xi32, #tpu.memory_space<vmem>> -> memref<80xi32, #tpu.memory_space<vmem>>
        %dma_start3A_625 = arith.constant 0 : i32
        %dma_start3A_626 = arith.constant 0 : i32
        %dma_start3A_627 = arith.constant 0 : i32
        %dma_start3A_628 = tpu.memref_slice %arg2[%arg0, %dma_start3A_625, %dma_start3A_626, %dma_start3A_627] : memref<2x2x10000x64xf32, #tpu.memory_space<hbm>> -> memref<1x2x10000x64xf32, #tpu.memory_space<hbm>>
        %dma_start3A_629 = tpu.memref_squeeze %dma_start3A_628 : memref<1x2x10000x64xf32, #tpu.memory_space<hbm>> -> memref<2x10000x64xf32, #tpu.memory_space<hbm>>
        %dma_start3A_630 = arith.constant 0 : i32
        %dma_start3A_631 = arith.constant 0 : i32
        %dma_start3A_632 = tpu.memref_slice %dma_start3A_629[%scan3A_386, %dma_start3A_630, %dma_start3A_631] : memref<2x10000x64xf32, #tpu.memory_space<hbm>> -> memref<1x10000x64xf32, #tpu.memory_space<hbm>>
        %dma_start3A_633 = tpu.memref_squeeze %dma_start3A_632 : memref<1x10000x64xf32, #tpu.memory_space<hbm>> -> memref<10000x64xf32, #tpu.memory_space<hbm>>
        %dma_start3A_634 = arith.constant 0 : i32
        %dma_start3A_635 = arith.constant 0 : i32
        %dma_start3A_636 = tpu.memref_slice %dma_start3A_633[%dma_start3A_634, %dma_start3A_635] : memref<10000x64xf32, #tpu.memory_space<hbm>> -> memref<10000x64xf32, #tpu.memory_space<hbm>>
        tpu.enqueue_indirect_dma source(%dma_start3A_636 : memref<10000x64xf32, #tpu.memory_space<hbm>>) target(%arg9 : memref<80x64xf32, #tpu.memory_space<vmem>>) offsets(%dma_start3A_624 : memref<80xi32, #tpu.memory_space<vmem>>) semaphore(%arg16 : memref<!tpu.dma_semaphore, #tpu.memory_space<semaphore_mem>>)
      } else {
      }
      %mul3A_570 = arith.constant 5 : i32
      %mul3A_571 = arith.muli %scan3A_405, %mul3A_570 : i32
      %add3A_572 = arith.constant 2 : i32
      %add3A_573 = arith.addi %mul3A_571, %add3A_572 : i32
      %add3A_574 = arith.constant 5 : i32
      %add3A_575 = arith.addi %add3A_573, %add3A_574 : i32
      %dma_wait3A_576 = arith.constant 0 : i32
      %dma_wait3A_577 = tpu.memref_slice %arg7[%add3A_462, %dma_wait3A_576] : memref<250x80xi32, #tpu.memory_space<vmem>> -> memref<1x80xi32, #tpu.memory_space<vmem>>
      %dma_wait3A_578 = tpu.memref_squeeze %dma_wait3A_577 : memref<1x80xi32, #tpu.memory_space<vmem>> -> memref<80xi32, #tpu.memory_space<vmem>>
      %dma_wait3A_579 = arith.constant 0 : i32
      %dma_wait3A_580 = arith.constant 0 : i32
      %dma_wait3A_581 = tpu.memref_slice %arg14[%dma_wait3A_579, %dma_wait3A_580] : memref<10000x64xf32, #tpu.memory_space<vmem_shared>> -> memref<10000x64xf32, #tpu.memory_space<vmem_shared>>
      tpu.wait_indirect_dma semaphore(%arg22 : memref<!tpu.dma_semaphore, #tpu.memory_space<semaphore_mem>>) src(%arg10 : memref<80x64xf32, #tpu.memory_space<vmem>>) dst(%dma_wait3A_581 : memref<10000x64xf32, #tpu.memory_space<vmem_shared>>)
      %lt3A_582 = arith.constant 250 : i32
      %lt3A_583 = arith.cmpi slt, %add3A_575, %lt3A_582 : i32
      %convert_element_type3A_584 = arith.extui %lt3A_583 : i1 to i32
      %cond3A_585 = arith.constant 0 : i32
      %cond3A_586 = arith.cmpi ne, %convert_element_type3A_584, %cond3A_585 : i32
      scf.if %cond3A_586 {
        %dma_start3A_622 = arith.constant 0 : i32
        %dma_start3A_623 = tpu.memref_slice %arg6[%add3A_575, %dma_start3A_622] : memref<250x80xi32, #tpu.memory_space<vmem>> -> memref<1x80xi32, #tpu.memory_space<vmem>>
        %dma_start3A_624 = tpu.memref_squeeze %dma_start3A_623 : memref<1x80xi32, #tpu.memory_space<vmem>> -> memref<80xi32, #tpu.memory_space<vmem>>
        %dma_start3A_625 = arith.constant 0 : i32
        %dma_start3A_626 = arith.constant 0 : i32
        %dma_start3A_627 = arith.constant 0 : i32
        %dma_start3A_628 = tpu.memref_slice %arg2[%arg0, %dma_start3A_625, %dma_start3A_626, %dma_start3A_627] : memref<2x2x10000x64xf32, #tpu.memory_space<hbm>> -> memref<1x2x10000x64xf32, #tpu.memory_space<hbm>>
        %dma_start3A_629 = tpu.memref_squeeze %dma_start3A_628 : memref<1x2x10000x64xf32, #tpu.memory_space<hbm>> -> memref<2x10000x64xf32, #tpu.memory_space<hbm>>
        %dma_start3A_630 = arith.constant 0 : i32
        %dma_start3A_631 = arith.constant 0 : i32
        %dma_start3A_632 = tpu.memref_slice %dma_start3A_629[%scan3A_386, %dma_start3A_630, %dma_start3A_631] : memref<2x10000x64xf32, #tpu.memory_space<hbm>> -> memref<1x10000x64xf32, #tpu.memory_space<hbm>>
        %dma_start3A_633 = tpu.memref_squeeze %dma_start3A_632 : memref<1x10000x64xf32, #tpu.memory_space<hbm>> -> memref<10000x64xf32, #tpu.memory_space<hbm>>
        %dma_start3A_634 = arith.constant 0 : i32
        %dma_start3A_635 = arith.constant 0 : i32
        %dma_start3A_636 = tpu.memref_slice %dma_start3A_633[%dma_start3A_634, %dma_start3A_635] : memref<10000x64xf32, #tpu.memory_space<hbm>> -> memref<10000x64xf32, #tpu.memory_space<hbm>>
        tpu.enqueue_indirect_dma source(%dma_start3A_636 : memref<10000x64xf32, #tpu.memory_space<hbm>>) target(%arg10 : memref<80x64xf32, #tpu.memory_space<vmem>>) offsets(%dma_start3A_624 : memref<80xi32, #tpu.memory_space<vmem>>) semaphore(%arg17 : memref<!tpu.dma_semaphore, #tpu.memory_space<semaphore_mem>>)
      } else {
      }
      %mul3A_587 = arith.constant 5 : i32
      %mul3A_588 = arith.muli %scan3A_405, %mul3A_587 : i32
      %add3A_589 = arith.constant 3 : i32
      %add3A_590 = arith.addi %mul3A_588, %add3A_589 : i32
      %add3A_591 = arith.constant 5 : i32
      %add3A_592 = arith.addi %add3A_590, %add3A_591 : i32
      %dma_wait3A_593 = arith.constant 0 : i32
      %dma_wait3A_594 = tpu.memref_slice %arg7[%add3A_488, %dma_wait3A_593] : memref<250x80xi32, #tpu.memory_space<vmem>> -> memref<1x80xi32, #tpu.memory_space<vmem>>
      %dma_wait3A_595 = tpu.memref_squeeze %dma_wait3A_594 : memref<1x80xi32, #tpu.memory_space<vmem>> -> memref<80xi32, #tpu.memory_space<vmem>>
      %dma_wait3A_596 = arith.constant 0 : i32
      %dma_wait3A_597 = arith.constant 0 : i32
      %dma_wait3A_598 = tpu.memref_slice %arg14[%dma_wait3A_596, %dma_wait3A_597] : memref<10000x64xf32, #tpu.memory_space<vmem_shared>> -> memref<10000x64xf32, #tpu.memory_space<vmem_shared>>
      tpu.wait_indirect_dma semaphore(%arg23 : memref<!tpu.dma_semaphore, #tpu.memory_space<semaphore_mem>>) src(%arg11 : memref<80x64xf32, #tpu.memory_space<vmem>>) dst(%dma_wait3A_598 : memref<10000x64xf32, #tpu.memory_space<vmem_shared>>)
      %lt3A_599 = arith.constant 250 : i32
      %lt3A_600 = arith.cmpi slt, %add3A_592, %lt3A_599 : i32
      %convert_element_type3A_601 = arith.extui %lt3A_600 : i1 to i32
      %cond3A_602 = arith.constant 0 : i32
      %cond3A_603 = arith.cmpi ne, %convert_element_type3A_601, %cond3A_602 : i32
      scf.if %cond3A_603 {
        %dma_start3A_622 = arith.constant 0 : i32
        %dma_start3A_623 = tpu.memref_slice %arg6[%add3A_592, %dma_start3A_622] : memref<250x80xi32, #tpu.memory_space<vmem>> -> memref<1x80xi32, #tpu.memory_space<vmem>>
        %dma_start3A_624 = tpu.memref_squeeze %dma_start3A_623 : memref<1x80xi32, #tpu.memory_space<vmem>> -> memref<80xi32, #tpu.memory_space<vmem>>
        %dma_start3A_625 = arith.constant 0 : i32
        %dma_start3A_626 = arith.constant 0 : i32
        %dma_start3A_627 = arith.constant 0 : i32
        %dma_start3A_628 = tpu.memref_slice %arg2[%arg0, %dma_start3A_625, %dma_start3A_626, %dma_start3A_627] : memref<2x2x10000x64xf32, #tpu.memory_space<hbm>> -> memref<1x2x10000x64xf32, #tpu.memory_space<hbm>>
        %dma_start3A_629 = tpu.memref_squeeze %dma_start3A_628 : memref<1x2x10000x64xf32, #tpu.memory_space<hbm>> -> memref<2x10000x64xf32, #tpu.memory_space<hbm>>
        %dma_start3A_630 = arith.constant 0 : i32
        %dma_start3A_631 = arith.constant 0 : i32
        %dma_start3A_632 = tpu.memref_slice %dma_start3A_629[%scan3A_386, %dma_start3A_630, %dma_start3A_631] : memref<2x10000x64xf32, #tpu.memory_space<hbm>> -> memref<1x10000x64xf32, #tpu.memory_space<hbm>>
        %dma_start3A_633 = tpu.memref_squeeze %dma_start3A_632 : memref<1x10000x64xf32, #tpu.memory_space<hbm>> -> memref<10000x64xf32, #tpu.memory_space<hbm>>
        %dma_start3A_634 = arith.constant 0 : i32
        %dma_start3A_635 = arith.constant 0 : i32
        %dma_start3A_636 = tpu.memref_slice %dma_start3A_633[%dma_start3A_634, %dma_start3A_635] : memref<10000x64xf32, #tpu.memory_space<hbm>> -> memref<10000x64xf32, #tpu.memory_space<hbm>>
        tpu.enqueue_indirect_dma source(%dma_start3A_636 : memref<10000x64xf32, #tpu.memory_space<hbm>>) target(%arg11 : memref<80x64xf32, #tpu.memory_space<vmem>>) offsets(%dma_start3A_624 : memref<80xi32, #tpu.memory_space<vmem>>) semaphore(%arg18 : memref<!tpu.dma_semaphore, #tpu.memory_space<semaphore_mem>>)
      } else {
      }
      %mul3A_604 = arith.constant 5 : i32
      %mul3A_605 = arith.muli %scan3A_405, %mul3A_604 : i32
      %add3A_606 = arith.constant 4 : i32
      %add3A_607 = arith.addi %mul3A_605, %add3A_606 : i32
      %add3A_608 = arith.constant 5 : i32
      %add3A_609 = arith.addi %add3A_607, %add3A_608 : i32
      %dma_wait3A_610 = arith.constant 0 : i32
      %dma_wait3A_611 = tpu.memref_slice %arg7[%add3A_514, %dma_wait3A_610] : memref<250x80xi32, #tpu.memory_space<vmem>> -> memref<1x80xi32, #tpu.memory_space<vmem>>
      %dma_wait3A_612 = tpu.memref_squeeze %dma_wait3A_611 : memref<1x80xi32, #tpu.memory_space<vmem>> -> memref<80xi32, #tpu.memory_space<vmem>>
      %dma_wait3A_613 = arith.constant 0 : i32
      %dma_wait3A_614 = arith.constant 0 : i32
      %dma_wait3A_615 = tpu.memref_slice %arg14[%dma_wait3A_613, %dma_wait3A_614] : memref<10000x64xf32, #tpu.memory_space<vmem_shared>> -> memref<10000x64xf32, #tpu.memory_space<vmem_shared>>
      tpu.wait_indirect_dma semaphore(%arg24 : memref<!tpu.dma_semaphore, #tpu.memory_space<semaphore_mem>>) src(%arg12 : memref<80x64xf32, #tpu.memory_space<vmem>>) dst(%dma_wait3A_615 : memref<10000x64xf32, #tpu.memory_space<vmem_shared>>)
      %lt3A_616 = arith.constant 250 : i32
      %lt3A_617 = arith.cmpi slt, %add3A_609, %lt3A_616 : i32
      %convert_element_type3A_618 = arith.extui %lt3A_617 : i1 to i32
      %cond3A_619 = arith.constant 0 : i32
      %cond3A_620 = arith.cmpi ne, %convert_element_type3A_618, %cond3A_619 : i32
      scf.if %cond3A_620 {
        %dma_start3A_622 = arith.constant 0 : i32
        %dma_start3A_623 = tpu.memref_slice %arg6[%add3A_609, %dma_start3A_622] : memref<250x80xi32, #tpu.memory_space<vmem>> -> memref<1x80xi32, #tpu.memory_space<vmem>>
        %dma_start3A_624 = tpu.memref_squeeze %dma_start3A_623 : memref<1x80xi32, #tpu.memory_space<vmem>> -> memref<80xi32, #tpu.memory_space<vmem>>
        %dma_start3A_625 = arith.constant 0 : i32
        %dma_start3A_626 = arith.constant 0 : i32
        %dma_start3A_627 = arith.constant 0 : i32
        %dma_start3A_628 = tpu.memref_slice %arg2[%arg0, %dma_start3A_625, %dma_start3A_626, %dma_start3A_627] : memref<2x2x10000x64xf32, #tpu.memory_space<hbm>> -> memref<1x2x10000x64xf32, #tpu.memory_space<hbm>>
        %dma_start3A_629 = tpu.memref_squeeze %dma_start3A_628 : memref<1x2x10000x64xf32, #tpu.memory_space<hbm>> -> memref<2x10000x64xf32, #tpu.memory_space<hbm>>
        %dma_start3A_630 = arith.constant 0 : i32
        %dma_start3A_631 = arith.constant 0 : i32
        %dma_start3A_632 = tpu.memref_slice %dma_start3A_629[%scan3A_386, %dma_start3A_630, %dma_start3A_631] : memref<2x10000x64xf32, #tpu.memory_space<hbm>> -> memref<1x10000x64xf32, #tpu.memory_space<hbm>>
        %dma_start3A_633 = tpu.memref_squeeze %dma_start3A_632 : memref<1x10000x64xf32, #tpu.memory_space<hbm>> -> memref<10000x64xf32, #tpu.memory_space<hbm>>
        %dma_start3A_634 = arith.constant 0 : i32
        %dma_start3A_635 = arith.constant 0 : i32
        %dma_start3A_636 = tpu.memref_slice %dma_start3A_633[%dma_start3A_634, %dma_start3A_635] : memref<10000x64xf32, #tpu.memory_space<hbm>> -> memref<10000x64xf32, #tpu.memory_space<hbm>>
        tpu.enqueue_indirect_dma source(%dma_start3A_636 : memref<10000x64xf32, #tpu.memory_space<hbm>>) target(%arg12 : memref<80x64xf32, #tpu.memory_space<vmem>>) offsets(%dma_start3A_624 : memref<80xi32, #tpu.memory_space<vmem>>) semaphore(%arg19 : memref<!tpu.dma_semaphore, #tpu.memory_space<semaphore_mem>>)
      } else {
      }
      %scan3A_621 = arith.constant 0 : i32
      scf.yield %scan3A_621 : i32
    }
    %scan3A_393 = arith.constant 50 : i32
    %barrier3A_394 = arith.constant 0 : index
    tpu.barrier barrier_id(%barrier3A_394)
    %mul3A_395 = arith.constant 128 : i32
    %mul3A_396 = arith.muli %arg0, %mul3A_395 : i32
    %add3A_397 = arith.constant 64 : i32
    %add3A_398 = arith.addi %mul3A_396, %add3A_397 : i32
    "tpu.region"() ({
      %run_scoped3A = tpu.sem_alloc : memref<!tpu.dma_semaphore, #tpu.memory_space<semaphore_mem>>
      %dma_start3A_405 = arith.constant 0 : i32
      %dma_start3A_406 = tpu.memref_slice %arg5[%dma_start3A_405, %add3A_398] : memref<10000x256xf32, #tpu.memory_space<hbm>> -> memref<10000x64xf32, #tpu.memory_space<hbm>>
      %dma_start3A_407 = arith.constant 0 : i32
      %dma_start3A_408 = tpu.memref_slice %dma_start3A_406[%multiple_of3A, %dma_start3A_407] : memref<10000x64xf32, #tpu.memory_space<hbm>> -> memref<624x64xf32, #tpu.memory_space<hbm>>
      %dma_start3A_409 = arith.constant 0 : i32
      %dma_start3A_410 = tpu.memref_slice %arg14[%multiple_of3A, %dma_start3A_409] : memref<10000x64xf32, #tpu.memory_space<vmem_shared>> -> memref<624x64xf32, #tpu.memory_space<vmem_shared>>
      tpu.enqueue_dma source(%dma_start3A_410 : memref<624x64xf32, #tpu.memory_space<vmem_shared>>) target(%dma_start3A_408 : memref<624x64xf32, #tpu.memory_space<hbm>>) target_semaphore(%run_scoped3A : memref<!tpu.dma_semaphore, #tpu.memory_space<semaphore_mem>>)
      %dma_wait3A_411 = arith.constant 0 : i32
      %dma_wait3A_412 = tpu.memref_slice %arg5[%dma_wait3A_411, %add3A_398] : memref<10000x256xf32, #tpu.memory_space<hbm>> -> memref<10000x64xf32, #tpu.memory_space<hbm>>
      %dma_wait3A_413 = arith.constant 0 : i32
      %dma_wait3A_414 = tpu.memref_slice %dma_wait3A_412[%multiple_of3A, %dma_wait3A_413] : memref<10000x64xf32, #tpu.memory_space<hbm>> -> memref<624x64xf32, #tpu.memory_space<hbm>>
      %dma_wait3A_415 = arith.constant 0 : i32
      %dma_wait3A_416 = tpu.memref_slice %arg14[%multiple_of3A, %dma_wait3A_415] : memref<10000x64xf32, #tpu.memory_space<vmem_shared>> -> memref<624x64xf32, #tpu.memory_space<vmem_shared>>
      tpu.wait_dma2 semaphore(%run_scoped3A : memref<!tpu.dma_semaphore, #tpu.memory_space<semaphore_mem>>) src(%dma_wait3A_416 : memref<624x64xf32, #tpu.memory_space<vmem_shared>>) dst(%dma_wait3A_414 : memref<624x64xf32, #tpu.memory_space<hbm>>)
      tpu.yield
    }) : () -> ()
    %eq3A_399 = arith.constant 15 : i32
    %eq3A_400 = arith.cmpi eq, %arg1, %eq3A_399 : i32
    %convert_element_type3A_401 = arith.extui %eq3A_400 : i1 to i32
    %cond3A_402 = arith.constant 0 : i32
    %cond3A_403 = arith.cmpi ne, %convert_element_type3A_401, %cond3A_402 : i32
    scf.if %cond3A_403 {
      "tpu.region"() ({
        %run_scoped3A = tpu.sem_alloc : memref<!tpu.dma_semaphore, #tpu.memory_space<semaphore_mem>>
        %dma_start3A_405 = arith.constant 0 : i32
        %dma_start3A_406 = tpu.memref_slice %arg5[%dma_start3A_405, %add3A_398] : memref<10000x256xf32, #tpu.memory_space<hbm>> -> memref<10000x64xf32, #tpu.memory_space<hbm>>
        %dma_start3A_407 = arith.constant 9984 : i32
        %dma_start3A_408 = arith.constant 0 : i32
        %dma_start3A_409 = tpu.memref_slice %dma_start3A_406[%dma_start3A_407, %dma_start3A_408] : memref<10000x64xf32, #tpu.memory_space<hbm>> -> memref<16x64xf32, #tpu.memory_space<hbm>>
        %dma_start3A_410 = arith.constant 9984 : i32
        %dma_start3A_411 = arith.constant 0 : i32
        %dma_start3A_412 = tpu.memref_slice %arg14[%dma_start3A_410, %dma_start3A_411] : memref<10000x64xf32, #tpu.memory_space<vmem_shared>> -> memref<16x64xf32, #tpu.memory_space<vmem_shared>>
        tpu.enqueue_dma source(%dma_start3A_412 : memref<16x64xf32, #tpu.memory_space<vmem_shared>>) target(%dma_start3A_409 : memref<16x64xf32, #tpu.memory_space<hbm>>) target_semaphore(%run_scoped3A : memref<!tpu.dma_semaphore, #tpu.memory_space<semaphore_mem>>)
        %dma_wait3A_413 = arith.constant 0 : i32
        %dma_wait3A_414 = tpu.memref_slice %arg5[%dma_wait3A_413, %add3A_398] : memref<10000x256xf32, #tpu.memory_space<hbm>> -> memref<10000x64xf32, #tpu.memory_space<hbm>>
        %dma_wait3A_415 = arith.constant 9984 : i32
        %dma_wait3A_416 = arith.constant 0 : i32
        %dma_wait3A_417 = tpu.memref_slice %dma_wait3A_414[%dma_wait3A_415, %dma_wait3A_416] : memref<10000x64xf32, #tpu.memory_space<hbm>> -> memref<16x64xf32, #tpu.memory_space<hbm>>
        %dma_wait3A_418 = arith.constant 9984 : i32
        %dma_wait3A_419 = arith.constant 0 : i32
        %dma_wait3A_420 = tpu.memref_slice %arg14[%dma_wait3A_418, %dma_wait3A_419] : memref<10000x64xf32, #tpu.memory_space<vmem_shared>> -> memref<16x64xf32, #tpu.memory_space<vmem_shared>>
        tpu.wait_dma2 semaphore(%run_scoped3A : memref<!tpu.dma_semaphore, #tpu.memory_space<semaphore_mem>>) src(%dma_wait3A_420 : memref<16x64xf32, #tpu.memory_space<vmem_shared>>) dst(%dma_wait3A_417 : memref<16x64xf32, #tpu.memory_space<hbm>>)
        tpu.yield
      }) : () -> ()
    } else {
    }
    %barrier3A_404 = arith.constant 0 : index
    tpu.barrier barrier_id(%barrier3A_404)
    return
  }
}

#map = affine_map<(d0, d1) -> (0, 0, 0)>
module attributes {stable_mosaic.version = 14 : i64} {
  func.func @_deg_kernel(%arg0: i32, %arg1: i32, %arg2: memref<32x125x80xi32, #tpu.memory_space<hbm>>, %arg3: memref<2x10000x16xf32, #tpu.memory_space<hbm>>, %arg4: memref<125x80xi32, #tpu.memory_space<vmem>>, %arg5: memref<80x16xf32, #tpu.memory_space<vmem>>, %arg6: memref<80x16xf32, #tpu.memory_space<vmem>>, %arg7: memref<10000x16xf32, #tpu.memory_space<vmem_shared>>, %arg8: memref<!tpu.dma_semaphore, #tpu.memory_space<semaphore_mem>>) attributes {dimension_semantics = [#tpu.dimension_semantics<core_parallel>, #tpu.dimension_semantics<subcore_parallel>], iteration_bounds = array<i64: 2, 16>, scalar_prefetch = 0 : i64, scratch_operands = 5 : i64, tpu.core_type = #tpu.core_type<sc_vector_subcore>, window_params = [{transform_indices = #map}, {transform_indices = #map}]} {
    %mul3A = arith.constant 2 : i32
    %mul3A_0 = arith.muli %arg1, %mul3A : i32
    %add3A = arith.addi %mul3A_0, %arg0 : i32
    %iota3A = tpu.iota {dimensions = array<i32: 0>} : vector<16xi32>
    %eq3A = arith.constant 0 : i32
    %eq3A_1 = vector.broadcast %eq3A : i32 to vector<16xi32>
    %eq3A_2 = arith.cmpi eq, %iota3A, %eq3A_1 : vector<16xi32>
    %jit3A = arith.constant 1.000000e+00 : f32
    %jit3A_3 = arith.constant 0.000000e+00 : f32
    %broadcast_in_dim3A = vector.broadcast %jit3A : f32 to vector<16xf32>
    %broadcast_in_dim3A_4 = vector.broadcast %jit3A_3 : f32 to vector<16xf32>
    %select_n3A = arith.select %eq3A_2, %broadcast_in_dim3A, %broadcast_in_dim3A_4 : vector<16xi1>, vector<16xf32>
    %broadcast_in_dim3A_5 = arith.constant 0.000000e+00 : f32
    %broadcast_in_dim3A_6 = vector.broadcast %broadcast_in_dim3A_5 : f32 to vector<16xf32>
    %scan3A = arith.constant 0 : i32
    %scan3A_7 = arith.constant 0 : i32
    %scan3A_8 = arith.constant 80 : i32
    %scan3A_9 = arith.addi %scan3A_7, %scan3A_8 : i32
    %scan3A_10 = arith.constant 1 : i32
    %scan3A_11 = scf.for %scan3A_128 = %scan3A_7 to %scan3A_9 step %scan3A_10 iter_args(%scan3A_129 = %scan3A) -> (i32)  : i32 {
      %swap3A = arith.index_cast %scan3A_128 : i32 to index
      %swap3A_130 = arith.constant 0 : index
      %swap3A_131 = tpu.vector_load %arg5[%swap3A, %swap3A_130] {strides = array<i32>} : memref<80x16xf32, #tpu.memory_space<vmem>>, vector<1x16xf32>,
      %swap3A_132 = vector.shape_cast %swap3A_131 : vector<1x16xf32> to vector<16xf32>
      %swap3A_133 = vector.shape_cast %select_n3A : vector<16xf32> to vector<1x16xf32>
      tpu.vector_store %arg5[%swap3A, %swap3A_130], %swap3A_133 {strides = array<i32>} : memref<80x16xf32, #tpu.memory_space<vmem>>, vector<1x16xf32>,
      %swap3A_134 = arith.index_cast %scan3A_128 : i32 to index
      %swap3A_135 = arith.constant 0 : index
      %swap3A_136 = tpu.vector_load %arg6[%swap3A_134, %swap3A_135] {strides = array<i32>} : memref<80x16xf32, #tpu.memory_space<vmem>>, vector<1x16xf32>,
      %swap3A_137 = vector.shape_cast %swap3A_136 : vector<1x16xf32> to vector<16xf32>
      %swap3A_138 = vector.shape_cast %broadcast_in_dim3A_6 : vector<16xf32> to vector<1x16xf32>
      tpu.vector_store %arg6[%swap3A_134, %swap3A_135], %swap3A_138 {strides = array<i32>} : memref<80x16xf32, #tpu.memory_space<vmem>>, vector<1x16xf32>,
      %scan3A_139 = arith.constant 0 : i32
      scf.yield %scan3A_139 : i32
    }
    %scan3A_12 = arith.constant 80 : i32
    %mul3A_13 = arith.constant 624 : i32
    %mul3A_14 = arith.muli %arg1, %mul3A_13 : i32
    %multiple_of3A = tpu.assume_multiple %mul3A_14, 8 : i32
    %add3A_15 = arith.constant 0 : i32
    %add3A_16 = arith.addi %multiple_of3A, %add3A_15 : i32
    %dma_start3A = arith.constant 0 : i32
    %dma_start3A_17 = tpu.memref_slice %arg7[%add3A_16, %dma_start3A] : memref<10000x16xf32, #tpu.memory_space<vmem_shared>> -> memref<80x16xf32, #tpu.memory_space<vmem_shared>>
    %dma_start3A_18 = arith.constant 0 : i32
    %dma_start3A_19 = tpu.memref_slice %arg7[%add3A_16, %dma_start3A_18] : memref<10000x16xf32, #tpu.memory_space<vmem_shared>> -> memref<80x16xf32, #tpu.memory_space<vmem_shared>>
    tpu.enqueue_dma source(%arg6 : memref<80x16xf32, #tpu.memory_space<vmem>>) target(%dma_start3A_19 : memref<80x16xf32, #tpu.memory_space<vmem_shared>>) target_semaphore(%arg8 : memref<!tpu.dma_semaphore, #tpu.memory_space<semaphore_mem>>)
    %add3A_20 = arith.constant 80 : i32
    %add3A_21 = arith.addi %multiple_of3A, %add3A_20 : i32
    %dma_start3A_22 = arith.constant 0 : i32
    %dma_start3A_23 = tpu.memref_slice %arg7[%add3A_21, %dma_start3A_22] : memref<10000x16xf32, #tpu.memory_space<vmem_shared>> -> memref<80x16xf32, #tpu.memory_space<vmem_shared>>
    %dma_start3A_24 = arith.constant 0 : i32
    %dma_start3A_25 = tpu.memref_slice %arg7[%add3A_21, %dma_start3A_24] : memref<10000x16xf32, #tpu.memory_space<vmem_shared>> -> memref<80x16xf32, #tpu.memory_space<vmem_shared>>
    tpu.enqueue_dma source(%arg6 : memref<80x16xf32, #tpu.memory_space<vmem>>) target(%dma_start3A_25 : memref<80x16xf32, #tpu.memory_space<vmem_shared>>) target_semaphore(%arg8 : memref<!tpu.dma_semaphore, #tpu.memory_space<semaphore_mem>>)
    %add3A_26 = arith.constant 160 : i32
    %add3A_27 = arith.addi %multiple_of3A, %add3A_26 : i32
    %dma_start3A_28 = arith.constant 0 : i32
    %dma_start3A_29 = tpu.memref_slice %arg7[%add3A_27, %dma_start3A_28] : memref<10000x16xf32, #tpu.memory_space<vmem_shared>> -> memref<80x16xf32, #tpu.memory_space<vmem_shared>>
    %dma_start3A_30 = arith.constant 0 : i32
    %dma_start3A_31 = tpu.memref_slice %arg7[%add3A_27, %dma_start3A_30] : memref<10000x16xf32, #tpu.memory_space<vmem_shared>> -> memref<80x16xf32, #tpu.memory_space<vmem_shared>>
    tpu.enqueue_dma source(%arg6 : memref<80x16xf32, #tpu.memory_space<vmem>>) target(%dma_start3A_31 : memref<80x16xf32, #tpu.memory_space<vmem_shared>>) target_semaphore(%arg8 : memref<!tpu.dma_semaphore, #tpu.memory_space<semaphore_mem>>)
    %add3A_32 = arith.constant 240 : i32
    %add3A_33 = arith.addi %multiple_of3A, %add3A_32 : i32
    %dma_start3A_34 = arith.constant 0 : i32
    %dma_start3A_35 = tpu.memref_slice %arg7[%add3A_33, %dma_start3A_34] : memref<10000x16xf32, #tpu.memory_space<vmem_shared>> -> memref<80x16xf32, #tpu.memory_space<vmem_shared>>
    %dma_start3A_36 = arith.constant 0 : i32
    %dma_start3A_37 = tpu.memref_slice %arg7[%add3A_33, %dma_start3A_36] : memref<10000x16xf32, #tpu.memory_space<vmem_shared>> -> memref<80x16xf32, #tpu.memory_space<vmem_shared>>
    tpu.enqueue_dma source(%arg6 : memref<80x16xf32, #tpu.memory_space<vmem>>) target(%dma_start3A_37 : memref<80x16xf32, #tpu.memory_space<vmem_shared>>) target_semaphore(%arg8 : memref<!tpu.dma_semaphore, #tpu.memory_space<semaphore_mem>>)
    %add3A_38 = arith.constant 320 : i32
    %add3A_39 = arith.addi %multiple_of3A, %add3A_38 : i32
    %dma_start3A_40 = arith.constant 0 : i32
    %dma_start3A_41 = tpu.memref_slice %arg7[%add3A_39, %dma_start3A_40] : memref<10000x16xf32, #tpu.memory_space<vmem_shared>> -> memref<80x16xf32, #tpu.memory_space<vmem_shared>>
    %dma_start3A_42 = arith.constant 0 : i32
    %dma_start3A_43 = tpu.memref_slice %arg7[%add3A_39, %dma_start3A_42] : memref<10000x16xf32, #tpu.memory_space<vmem_shared>> -> memref<80x16xf32, #tpu.memory_space<vmem_shared>>
    tpu.enqueue_dma source(%arg6 : memref<80x16xf32, #tpu.memory_space<vmem>>) target(%dma_start3A_43 : memref<80x16xf32, #tpu.memory_space<vmem_shared>>) target_semaphore(%arg8 : memref<!tpu.dma_semaphore, #tpu.memory_space<semaphore_mem>>)
    %add3A_44 = arith.constant 400 : i32
    %add3A_45 = arith.addi %multiple_of3A, %add3A_44 : i32
    %dma_start3A_46 = arith.constant 0 : i32
    %dma_start3A_47 = tpu.memref_slice %arg7[%add3A_45, %dma_start3A_46] : memref<10000x16xf32, #tpu.memory_space<vmem_shared>> -> memref<80x16xf32, #tpu.memory_space<vmem_shared>>
    %dma_start3A_48 = arith.constant 0 : i32
    %dma_start3A_49 = tpu.memref_slice %arg7[%add3A_45, %dma_start3A_48] : memref<10000x16xf32, #tpu.memory_space<vmem_shared>> -> memref<80x16xf32, #tpu.memory_space<vmem_shared>>
    tpu.enqueue_dma source(%arg6 : memref<80x16xf32, #tpu.memory_space<vmem>>) target(%dma_start3A_49 : memref<80x16xf32, #tpu.memory_space<vmem_shared>>) target_semaphore(%arg8 : memref<!tpu.dma_semaphore, #tpu.memory_space<semaphore_mem>>)
    %add3A_50 = arith.constant 480 : i32
    %add3A_51 = arith.addi %multiple_of3A, %add3A_50 : i32
    %dma_start3A_52 = arith.constant 0 : i32
    %dma_start3A_53 = tpu.memref_slice %arg7[%add3A_51, %dma_start3A_52] : memref<10000x16xf32, #tpu.memory_space<vmem_shared>> -> memref<80x16xf32, #tpu.memory_space<vmem_shared>>
    %dma_start3A_54 = arith.constant 0 : i32
    %dma_start3A_55 = tpu.memref_slice %arg7[%add3A_51, %dma_start3A_54] : memref<10000x16xf32, #tpu.memory_space<vmem_shared>> -> memref<80x16xf32, #tpu.memory_space<vmem_shared>>
    tpu.enqueue_dma source(%arg6 : memref<80x16xf32, #tpu.memory_space<vmem>>) target(%dma_start3A_55 : memref<80x16xf32, #tpu.memory_space<vmem_shared>>) target_semaphore(%arg8 : memref<!tpu.dma_semaphore, #tpu.memory_space<semaphore_mem>>)
    %add3A_56 = arith.constant 560 : i32
    %add3A_57 = arith.addi %multiple_of3A, %add3A_56 : i32
    %dma_start3A_58 = arith.constant 0 : i32
    %dma_start3A_59 = arith.constant 0 : i32
    %dma_start3A_60 = tpu.memref_slice %arg6[%dma_start3A_58, %dma_start3A_59] : memref<80x16xf32, #tpu.memory_space<vmem>> -> memref<64x16xf32, #tpu.memory_space<vmem>>
    %dma_start3A_61 = arith.constant 0 : i32
    %dma_start3A_62 = tpu.memref_slice %arg7[%add3A_57, %dma_start3A_61] : memref<10000x16xf32, #tpu.memory_space<vmem_shared>> -> memref<64x16xf32, #tpu.memory_space<vmem_shared>>
    %dma_start3A_63 = arith.constant 0 : i32
    %dma_start3A_64 = tpu.memref_slice %arg7[%add3A_57, %dma_start3A_63] : memref<10000x16xf32, #tpu.memory_space<vmem_shared>> -> memref<64x16xf32, #tpu.memory_space<vmem_shared>>
    %dma_start3A_65 = arith.constant 0 : i32
    %dma_start3A_66 = arith.constant 0 : i32
    %dma_start3A_67 = tpu.memref_slice %arg6[%dma_start3A_65, %dma_start3A_66] : memref<80x16xf32, #tpu.memory_space<vmem>> -> memref<64x16xf32, #tpu.memory_space<vmem>>
    tpu.enqueue_dma source(%dma_start3A_67 : memref<64x16xf32, #tpu.memory_space<vmem>>) target(%dma_start3A_64 : memref<64x16xf32, #tpu.memory_space<vmem_shared>>) target_semaphore(%arg8 : memref<!tpu.dma_semaphore, #tpu.memory_space<semaphore_mem>>)
    %dma_wait3A = arith.constant 0 : i32
    %dma_wait3A_68 = tpu.memref_slice %arg7[%add3A_16, %dma_wait3A] : memref<10000x16xf32, #tpu.memory_space<vmem_shared>> -> memref<80x16xf32, #tpu.memory_space<vmem_shared>>
    %dma_wait3A_69 = arith.constant 0 : i32
    %dma_wait3A_70 = tpu.memref_slice %arg7[%add3A_16, %dma_wait3A_69] : memref<10000x16xf32, #tpu.memory_space<vmem_shared>> -> memref<80x16xf32, #tpu.memory_space<vmem_shared>>
    tpu.wait_dma2 semaphore(%arg8 : memref<!tpu.dma_semaphore, #tpu.memory_space<semaphore_mem>>) src(%arg6 : memref<80x16xf32, #tpu.memory_space<vmem>>) dst(%dma_wait3A_70 : memref<80x16xf32, #tpu.memory_space<vmem_shared>>)
    %dma_wait3A_71 = arith.constant 0 : i32
    %dma_wait3A_72 = tpu.memref_slice %arg7[%add3A_21, %dma_wait3A_71] : memref<10000x16xf32, #tpu.memory_space<vmem_shared>> -> memref<80x16xf32, #tpu.memory_space<vmem_shared>>
    %dma_wait3A_73 = arith.constant 0 : i32
    %dma_wait3A_74 = tpu.memref_slice %arg7[%add3A_21, %dma_wait3A_73] : memref<10000x16xf32, #tpu.memory_space<vmem_shared>> -> memref<80x16xf32, #tpu.memory_space<vmem_shared>>
    tpu.wait_dma2 semaphore(%arg8 : memref<!tpu.dma_semaphore, #tpu.memory_space<semaphore_mem>>) src(%arg6 : memref<80x16xf32, #tpu.memory_space<vmem>>) dst(%dma_wait3A_74 : memref<80x16xf32, #tpu.memory_space<vmem_shared>>)
    %dma_wait3A_75 = arith.constant 0 : i32
    %dma_wait3A_76 = tpu.memref_slice %arg7[%add3A_27, %dma_wait3A_75] : memref<10000x16xf32, #tpu.memory_space<vmem_shared>> -> memref<80x16xf32, #tpu.memory_space<vmem_shared>>
    %dma_wait3A_77 = arith.constant 0 : i32
    %dma_wait3A_78 = tpu.memref_slice %arg7[%add3A_27, %dma_wait3A_77] : memref<10000x16xf32, #tpu.memory_space<vmem_shared>> -> memref<80x16xf32, #tpu.memory_space<vmem_shared>>
    tpu.wait_dma2 semaphore(%arg8 : memref<!tpu.dma_semaphore, #tpu.memory_space<semaphore_mem>>) src(%arg6 : memref<80x16xf32, #tpu.memory_space<vmem>>) dst(%dma_wait3A_78 : memref<80x16xf32, #tpu.memory_space<vmem_shared>>)
    %dma_wait3A_79 = arith.constant 0 : i32
    %dma_wait3A_80 = tpu.memref_slice %arg7[%add3A_33, %dma_wait3A_79] : memref<10000x16xf32, #tpu.memory_space<vmem_shared>> -> memref<80x16xf32, #tpu.memory_space<vmem_shared>>
    %dma_wait3A_81 = arith.constant 0 : i32
    %dma_wait3A_82 = tpu.memref_slice %arg7[%add3A_33, %dma_wait3A_81] : memref<10000x16xf32, #tpu.memory_space<vmem_shared>> -> memref<80x16xf32, #tpu.memory_space<vmem_shared>>
    tpu.wait_dma2 semaphore(%arg8 : memref<!tpu.dma_semaphore, #tpu.memory_space<semaphore_mem>>) src(%arg6 : memref<80x16xf32, #tpu.memory_space<vmem>>) dst(%dma_wait3A_82 : memref<80x16xf32, #tpu.memory_space<vmem_shared>>)
    %dma_wait3A_83 = arith.constant 0 : i32
    %dma_wait3A_84 = tpu.memref_slice %arg7[%add3A_39, %dma_wait3A_83] : memref<10000x16xf32, #tpu.memory_space<vmem_shared>> -> memref<80x16xf32, #tpu.memory_space<vmem_shared>>
    %dma_wait3A_85 = arith.constant 0 : i32
    %dma_wait3A_86 = tpu.memref_slice %arg7[%add3A_39, %dma_wait3A_85] : memref<10000x16xf32, #tpu.memory_space<vmem_shared>> -> memref<80x16xf32, #tpu.memory_space<vmem_shared>>
    tpu.wait_dma2 semaphore(%arg8 : memref<!tpu.dma_semaphore, #tpu.memory_space<semaphore_mem>>) src(%arg6 : memref<80x16xf32, #tpu.memory_space<vmem>>) dst(%dma_wait3A_86 : memref<80x16xf32, #tpu.memory_space<vmem_shared>>)
    %dma_wait3A_87 = arith.constant 0 : i32
    %dma_wait3A_88 = tpu.memref_slice %arg7[%add3A_45, %dma_wait3A_87] : memref<10000x16xf32, #tpu.memory_space<vmem_shared>> -> memref<80x16xf32, #tpu.memory_space<vmem_shared>>
    %dma_wait3A_89 = arith.constant 0 : i32
    %dma_wait3A_90 = tpu.memref_slice %arg7[%add3A_45, %dma_wait3A_89] : memref<10000x16xf32, #tpu.memory_space<vmem_shared>> -> memref<80x16xf32, #tpu.memory_space<vmem_shared>>
    tpu.wait_dma2 semaphore(%arg8 : memref<!tpu.dma_semaphore, #tpu.memory_space<semaphore_mem>>) src(%arg6 : memref<80x16xf32, #tpu.memory_space<vmem>>) dst(%dma_wait3A_90 : memref<80x16xf32, #tpu.memory_space<vmem_shared>>)
    %dma_wait3A_91 = arith.constant 0 : i32
    %dma_wait3A_92 = tpu.memref_slice %arg7[%add3A_51, %dma_wait3A_91] : memref<10000x16xf32, #tpu.memory_space<vmem_shared>> -> memref<80x16xf32, #tpu.memory_space<vmem_shared>>
    %dma_wait3A_93 = arith.constant 0 : i32
    %dma_wait3A_94 = tpu.memref_slice %arg7[%add3A_51, %dma_wait3A_93] : memref<10000x16xf32, #tpu.memory_space<vmem_shared>> -> memref<80x16xf32, #tpu.memory_space<vmem_shared>>
    tpu.wait_dma2 semaphore(%arg8 : memref<!tpu.dma_semaphore, #tpu.memory_space<semaphore_mem>>) src(%arg6 : memref<80x16xf32, #tpu.memory_space<vmem>>) dst(%dma_wait3A_94 : memref<80x16xf32, #tpu.memory_space<vmem_shared>>)
    %dma_wait3A_95 = arith.constant 0 : i32
    %dma_wait3A_96 = arith.constant 0 : i32
    %dma_wait3A_97 = tpu.memref_slice %arg6[%dma_wait3A_95, %dma_wait3A_96] : memref<80x16xf32, #tpu.memory_space<vmem>> -> memref<64x16xf32, #tpu.memory_space<vmem>>
    %dma_wait3A_98 = arith.constant 0 : i32
    %dma_wait3A_99 = tpu.memref_slice %arg7[%add3A_57, %dma_wait3A_98] : memref<10000x16xf32, #tpu.memory_space<vmem_shared>> -> memref<64x16xf32, #tpu.memory_space<vmem_shared>>
    %dma_wait3A_100 = arith.constant 0 : i32
    %dma_wait3A_101 = tpu.memref_slice %arg7[%add3A_57, %dma_wait3A_100] : memref<10000x16xf32, #tpu.memory_space<vmem_shared>> -> memref<64x16xf32, #tpu.memory_space<vmem_shared>>
    %dma_wait3A_102 = arith.constant 0 : i32
    %dma_wait3A_103 = arith.constant 0 : i32
    %dma_wait3A_104 = tpu.memref_slice %arg6[%dma_wait3A_102, %dma_wait3A_103] : memref<80x16xf32, #tpu.memory_space<vmem>> -> memref<64x16xf32, #tpu.memory_space<vmem>>
    tpu.wait_dma2 semaphore(%arg8 : memref<!tpu.dma_semaphore, #tpu.memory_space<semaphore_mem>>) src(%dma_wait3A_104 : memref<64x16xf32, #tpu.memory_space<vmem>>) dst(%dma_wait3A_101 : memref<64x16xf32, #tpu.memory_space<vmem_shared>>)
    %eq3A_105 = arith.constant 15 : i32
    %eq3A_106 = arith.cmpi eq, %arg1, %eq3A_105 : i32
    %convert_element_type3A = arith.extui %eq3A_106 : i1 to i32
    %cond3A = arith.constant 0 : i32
    %cond3A_107 = arith.cmpi ne, %convert_element_type3A, %cond3A : i32
    scf.if %cond3A_107 {
      %dma_start3A_128 = arith.constant 0 : i32
      %dma_start3A_129 = arith.constant 0 : i32
      %dma_start3A_130 = tpu.memref_slice %arg6[%dma_start3A_128, %dma_start3A_129] : memref<80x16xf32, #tpu.memory_space<vmem>> -> memref<16x16xf32, #tpu.memory_space<vmem>>
      %dma_start3A_131 = arith.constant 9984 : i32
      %dma_start3A_132 = arith.constant 0 : i32
      %dma_start3A_133 = tpu.memref_slice %arg7[%dma_start3A_131, %dma_start3A_132] : memref<10000x16xf32, #tpu.memory_space<vmem_shared>> -> memref<16x16xf32, #tpu.memory_space<vmem_shared>>
      %dma_start3A_134 = arith.constant 9984 : i32
      %dma_start3A_135 = arith.constant 0 : i32
      %dma_start3A_136 = tpu.memref_slice %arg7[%dma_start3A_134, %dma_start3A_135] : memref<10000x16xf32, #tpu.memory_space<vmem_shared>> -> memref<16x16xf32, #tpu.memory_space<vmem_shared>>
      %dma_start3A_137 = arith.constant 0 : i32
      %dma_start3A_138 = arith.constant 0 : i32
      %dma_start3A_139 = tpu.memref_slice %arg6[%dma_start3A_137, %dma_start3A_138] : memref<80x16xf32, #tpu.memory_space<vmem>> -> memref<16x16xf32, #tpu.memory_space<vmem>>
      tpu.enqueue_dma source(%dma_start3A_139 : memref<16x16xf32, #tpu.memory_space<vmem>>) target(%dma_start3A_136 : memref<16x16xf32, #tpu.memory_space<vmem_shared>>) target_semaphore(%arg8 : memref<!tpu.dma_semaphore, #tpu.memory_space<semaphore_mem>>)
      %dma_wait3A_140 = arith.constant 0 : i32
      %dma_wait3A_141 = arith.constant 0 : i32
      %dma_wait3A_142 = tpu.memref_slice %arg6[%dma_wait3A_140, %dma_wait3A_141] : memref<80x16xf32, #tpu.memory_space<vmem>> -> memref<16x16xf32, #tpu.memory_space<vmem>>
      %dma_wait3A_143 = arith.constant 9984 : i32
      %dma_wait3A_144 = arith.constant 0 : i32
      %dma_wait3A_145 = tpu.memref_slice %arg7[%dma_wait3A_143, %dma_wait3A_144] : memref<10000x16xf32, #tpu.memory_space<vmem_shared>> -> memref<16x16xf32, #tpu.memory_space<vmem_shared>>
      %dma_wait3A_146 = arith.constant 9984 : i32
      %dma_wait3A_147 = arith.constant 0 : i32
      %dma_wait3A_148 = tpu.memref_slice %arg7[%dma_wait3A_146, %dma_wait3A_147] : memref<10000x16xf32, #tpu.memory_space<vmem_shared>> -> memref<16x16xf32, #tpu.memory_space<vmem_shared>>
      %dma_wait3A_149 = arith.constant 0 : i32
      %dma_wait3A_150 = arith.constant 0 : i32
      %dma_wait3A_151 = tpu.memref_slice %arg6[%dma_wait3A_149, %dma_wait3A_150] : memref<80x16xf32, #tpu.memory_space<vmem>> -> memref<16x16xf32, #tpu.memory_space<vmem>>
      tpu.wait_dma2 semaphore(%arg8 : memref<!tpu.dma_semaphore, #tpu.memory_space<semaphore_mem>>) src(%dma_wait3A_151 : memref<16x16xf32, #tpu.memory_space<vmem>>) dst(%dma_wait3A_148 : memref<16x16xf32, #tpu.memory_space<vmem_shared>>)
    } else {
    }
    %barrier3A = arith.constant 0 : index
    tpu.barrier barrier_id(%barrier3A)
    "tpu.region"() ({
      %run_scoped3A = tpu.sem_alloc : memref<!tpu.dma_semaphore, #tpu.memory_space<semaphore_mem>>
      %dma_start3A_128 = arith.constant 0 : i32
      %dma_start3A_129 = arith.constant 0 : i32
      %dma_start3A_130 = tpu.memref_slice %arg2[%add3A, %dma_start3A_128, %dma_start3A_129] : memref<32x125x80xi32, #tpu.memory_space<hbm>> -> memref<1x125x80xi32, #tpu.memory_space<hbm>>
      %dma_start3A_131 = tpu.memref_squeeze %dma_start3A_130 : memref<1x125x80xi32, #tpu.memory_space<hbm>> -> memref<125x80xi32, #tpu.memory_space<hbm>>
      %dma_start3A_132 = arith.constant 0 : i32
      %dma_start3A_133 = arith.constant 0 : i32
      %dma_start3A_134 = tpu.memref_slice %arg2[%add3A, %dma_start3A_132, %dma_start3A_133] : memref<32x125x80xi32, #tpu.memory_space<hbm>> -> memref<1x125x80xi32, #tpu.memory_space<hbm>>
      %dma_start3A_135 = tpu.memref_squeeze %dma_start3A_134 : memref<1x125x80xi32, #tpu.memory_space<hbm>> -> memref<125x80xi32, #tpu.memory_space<hbm>>
      tpu.enqueue_dma source(%dma_start3A_135 : memref<125x80xi32, #tpu.memory_space<hbm>>) target(%arg4 : memref<125x80xi32, #tpu.memory_space<vmem>>) target_semaphore(%run_scoped3A : memref<!tpu.dma_semaphore, #tpu.memory_space<semaphore_mem>>)
      %dma_wait3A_136 = arith.constant 0 : i32
      %dma_wait3A_137 = arith.constant 0 : i32
      %dma_wait3A_138 = tpu.memref_slice %arg2[%add3A, %dma_wait3A_136, %dma_wait3A_137] : memref<32x125x80xi32, #tpu.memory_space<hbm>> -> memref<1x125x80xi32, #tpu.memory_space<hbm>>
      %dma_wait3A_139 = tpu.memref_squeeze %dma_wait3A_138 : memref<1x125x80xi32, #tpu.memory_space<hbm>> -> memref<125x80xi32, #tpu.memory_space<hbm>>
      %dma_wait3A_140 = arith.constant 0 : i32
      %dma_wait3A_141 = arith.constant 0 : i32
      %dma_wait3A_142 = tpu.memref_slice %arg2[%add3A, %dma_wait3A_140, %dma_wait3A_141] : memref<32x125x80xi32, #tpu.memory_space<hbm>> -> memref<1x125x80xi32, #tpu.memory_space<hbm>>
      %dma_wait3A_143 = tpu.memref_squeeze %dma_wait3A_142 : memref<1x125x80xi32, #tpu.memory_space<hbm>> -> memref<125x80xi32, #tpu.memory_space<hbm>>
      tpu.wait_dma2 semaphore(%run_scoped3A : memref<!tpu.dma_semaphore, #tpu.memory_space<semaphore_mem>>) src(%dma_wait3A_143 : memref<125x80xi32, #tpu.memory_space<hbm>>) dst(%arg4 : memref<125x80xi32, #tpu.memory_space<vmem>>)
      tpu.yield
    }) : () -> ()
    %scan3A_108 = arith.constant 0 : i32
    %scan3A_109 = arith.constant 0 : i32
    %scan3A_110 = arith.constant 125 : i32
    %scan3A_111 = arith.addi %scan3A_109, %scan3A_110 : i32
    %scan3A_112 = arith.constant 1 : i32
    %scan3A_113 = scf.for %scan3A_128 = %scan3A_109 to %scan3A_111 step %scan3A_112 iter_args(%scan3A_129 = %scan3A_108) -> (i32)  : i32 {
      %dma_start3A_130 = arith.constant 0 : i32
      %dma_start3A_131 = tpu.memref_slice %arg4[%scan3A_128, %dma_start3A_130] : memref<125x80xi32, #tpu.memory_space<vmem>> -> memref<1x80xi32, #tpu.memory_space<vmem>>
      %dma_start3A_132 = tpu.memref_squeeze %dma_start3A_131 : memref<1x80xi32, #tpu.memory_space<vmem>> -> memref<80xi32, #tpu.memory_space<vmem>>
      %dma_start3A_133 = arith.constant 0 : i32
      %dma_start3A_134 = arith.constant 0 : i32
      %dma_start3A_135 = tpu.memref_slice %arg7[%dma_start3A_133, %dma_start3A_134] : memref<10000x16xf32, #tpu.memory_space<vmem_shared>> -> memref<10000x16xf32, #tpu.memory_space<vmem_shared>>
      tpu.enqueue_indirect_dma source(%arg5 : memref<80x16xf32, #tpu.memory_space<vmem>>) target(%dma_start3A_135 : memref<10000x16xf32, #tpu.memory_space<vmem_shared>>) offsets(%dma_start3A_132 : memref<80xi32, #tpu.memory_space<vmem>>) semaphore(%arg8 : memref<!tpu.dma_semaphore, #tpu.memory_space<semaphore_mem>>) {add = true}
      %scan3A_136 = arith.constant 0 : i32
      scf.yield %scan3A_136 : i32
    }
    %scan3A_114 = arith.constant 125 : i32
    %scan3A_115 = arith.constant 0 : i32
    %scan3A_116 = arith.constant 0 : i32
    %scan3A_117 = arith.constant 125 : i32
    %scan3A_118 = arith.addi %scan3A_116, %scan3A_117 : i32
    %scan3A_119 = arith.constant 1 : i32
    %scan3A_120 = scf.for %scan3A_128 = %scan3A_116 to %scan3A_118 step %scan3A_119 iter_args(%scan3A_129 = %scan3A_115) -> (i32)  : i32 {
      %dma_wait3A_130 = arith.constant 0 : i32
      %dma_wait3A_131 = arith.constant 0 : i32
      %dma_wait3A_132 = tpu.memref_slice %arg4[%dma_wait3A_130, %dma_wait3A_131] : memref<125x80xi32, #tpu.memory_space<vmem>> -> memref<1x80xi32, #tpu.memory_space<vmem>>
      %dma_wait3A_133 = tpu.memref_squeeze %dma_wait3A_132 : memref<1x80xi32, #tpu.memory_space<vmem>> -> memref<80xi32, #tpu.memory_space<vmem>>
      %dma_wait3A_134 = arith.constant 0 : i32
      %dma_wait3A_135 = arith.constant 0 : i32
      %dma_wait3A_136 = tpu.memref_slice %arg7[%dma_wait3A_134, %dma_wait3A_135] : memref<10000x16xf32, #tpu.memory_space<vmem_shared>> -> memref<10000x16xf32, #tpu.memory_space<vmem_shared>>
      tpu.wait_indirect_dma semaphore(%arg8 : memref<!tpu.dma_semaphore, #tpu.memory_space<semaphore_mem>>) src(%arg5 : memref<80x16xf32, #tpu.memory_space<vmem>>) dst(%dma_wait3A_136 : memref<10000x16xf32, #tpu.memory_space<vmem_shared>>)
      %scan3A_137 = arith.constant 0 : i32
      scf.yield %scan3A_137 : i32
    }
    %scan3A_121 = arith.constant 125 : i32
    %barrier3A_122 = arith.constant 0 : index
    tpu.barrier barrier_id(%barrier3A_122)
    "tpu.region"() ({
      %run_scoped3A = tpu.sem_alloc : memref<!tpu.dma_semaphore, #tpu.memory_space<semaphore_mem>>
      %dma_start3A_128 = arith.constant 0 : i32
      %dma_start3A_129 = arith.constant 0 : i32
      %dma_start3A_130 = tpu.memref_slice %arg3[%arg0, %dma_start3A_128, %dma_start3A_129] : memref<2x10000x16xf32, #tpu.memory_space<hbm>> -> memref<1x10000x16xf32, #tpu.memory_space<hbm>>
      %dma_start3A_131 = tpu.memref_squeeze %dma_start3A_130 : memref<1x10000x16xf32, #tpu.memory_space<hbm>> -> memref<10000x16xf32, #tpu.memory_space<hbm>>
      %dma_start3A_132 = arith.constant 0 : i32
      %dma_start3A_133 = tpu.memref_slice %dma_start3A_131[%multiple_of3A, %dma_start3A_132] : memref<10000x16xf32, #tpu.memory_space<hbm>> -> memref<624x16xf32, #tpu.memory_space<hbm>>
      %dma_start3A_134 = arith.constant 0 : i32
      %dma_start3A_135 = tpu.memref_slice %arg7[%multiple_of3A, %dma_start3A_134] : memref<10000x16xf32, #tpu.memory_space<vmem_shared>> -> memref<624x16xf32, #tpu.memory_space<vmem_shared>>
      tpu.enqueue_dma source(%dma_start3A_135 : memref<624x16xf32, #tpu.memory_space<vmem_shared>>) target(%dma_start3A_133 : memref<624x16xf32, #tpu.memory_space<hbm>>) target_semaphore(%run_scoped3A : memref<!tpu.dma_semaphore, #tpu.memory_space<semaphore_mem>>)
      %dma_wait3A_136 = arith.constant 0 : i32
      %dma_wait3A_137 = arith.constant 0 : i32
      %dma_wait3A_138 = tpu.memref_slice %arg3[%arg0, %dma_wait3A_136, %dma_wait3A_137] : memref<2x10000x16xf32, #tpu.memory_space<hbm>> -> memref<1x10000x16xf32, #tpu.memory_space<hbm>>
      %dma_wait3A_139 = tpu.memref_squeeze %dma_wait3A_138 : memref<1x10000x16xf32, #tpu.memory_space<hbm>> -> memref<10000x16xf32, #tpu.memory_space<hbm>>
      %dma_wait3A_140 = arith.constant 0 : i32
      %dma_wait3A_141 = tpu.memref_slice %dma_wait3A_139[%multiple_of3A, %dma_wait3A_140] : memref<10000x16xf32, #tpu.memory_space<hbm>> -> memref<624x16xf32, #tpu.memory_space<hbm>>
      %dma_wait3A_142 = arith.constant 0 : i32
      %dma_wait3A_143 = tpu.memref_slice %arg7[%multiple_of3A, %dma_wait3A_142] : memref<10000x16xf32, #tpu.memory_space<vmem_shared>> -> memref<624x16xf32, #tpu.memory_space<vmem_shared>>
      tpu.wait_dma2 semaphore(%run_scoped3A : memref<!tpu.dma_semaphore, #tpu.memory_space<semaphore_mem>>) src(%dma_wait3A_143 : memref<624x16xf32, #tpu.memory_space<vmem_shared>>) dst(%dma_wait3A_141 : memref<624x16xf32, #tpu.memory_space<hbm>>)
      tpu.yield
    }) : () -> ()
    %eq3A_123 = arith.constant 15 : i32
    %eq3A_124 = arith.cmpi eq, %arg1, %eq3A_123 : i32
    %convert_element_type3A_125 = arith.extui %eq3A_124 : i1 to i32
    %cond3A_126 = arith.constant 0 : i32
    %cond3A_127 = arith.cmpi ne, %convert_element_type3A_125, %cond3A_126 : i32
    scf.if %cond3A_127 {
      "tpu.region"() ({
        %run_scoped3A = tpu.sem_alloc : memref<!tpu.dma_semaphore, #tpu.memory_space<semaphore_mem>>
        %dma_start3A_128 = arith.constant 0 : i32
        %dma_start3A_129 = arith.constant 0 : i32
        %dma_start3A_130 = tpu.memref_slice %arg3[%arg0, %dma_start3A_128, %dma_start3A_129] : memref<2x10000x16xf32, #tpu.memory_space<hbm>> -> memref<1x10000x16xf32, #tpu.memory_space<hbm>>
        %dma_start3A_131 = tpu.memref_squeeze %dma_start3A_130 : memref<1x10000x16xf32, #tpu.memory_space<hbm>> -> memref<10000x16xf32, #tpu.memory_space<hbm>>
        %dma_start3A_132 = arith.constant 9984 : i32
        %dma_start3A_133 = arith.constant 0 : i32
        %dma_start3A_134 = tpu.memref_slice %dma_start3A_131[%dma_start3A_132, %dma_start3A_133] : memref<10000x16xf32, #tpu.memory_space<hbm>> -> memref<16x16xf32, #tpu.memory_space<hbm>>
        %dma_start3A_135 = arith.constant 9984 : i32
        %dma_start3A_136 = arith.constant 0 : i32
        %dma_start3A_137 = tpu.memref_slice %arg7[%dma_start3A_135, %dma_start3A_136] : memref<10000x16xf32, #tpu.memory_space<vmem_shared>> -> memref<16x16xf32, #tpu.memory_space<vmem_shared>>
        tpu.enqueue_dma source(%dma_start3A_137 : memref<16x16xf32, #tpu.memory_space<vmem_shared>>) target(%dma_start3A_134 : memref<16x16xf32, #tpu.memory_space<hbm>>) target_semaphore(%run_scoped3A : memref<!tpu.dma_semaphore, #tpu.memory_space<semaphore_mem>>)
        %dma_wait3A_138 = arith.constant 0 : i32
        %dma_wait3A_139 = arith.constant 0 : i32
        %dma_wait3A_140 = tpu.memref_slice %arg3[%arg0, %dma_wait3A_138, %dma_wait3A_139] : memref<2x10000x16xf32, #tpu.memory_space<hbm>> -> memref<1x10000x16xf32, #tpu.memory_space<hbm>>
        %dma_wait3A_141 = tpu.memref_squeeze %dma_wait3A_140 : memref<1x10000x16xf32, #tpu.memory_space<hbm>> -> memref<10000x16xf32, #tpu.memory_space<hbm>>
        %dma_wait3A_142 = arith.constant 9984 : i32
        %dma_wait3A_143 = arith.constant 0 : i32
        %dma_wait3A_144 = tpu.memref_slice %dma_wait3A_141[%dma_wait3A_142, %dma_wait3A_143] : memref<10000x16xf32, #tpu.memory_space<hbm>> -> memref<16x16xf32, #tpu.memory_space<hbm>>
        %dma_wait3A_145 = arith.constant 9984 : i32
        %dma_wait3A_146 = arith.constant 0 : i32
        %dma_wait3A_147 = tpu.memref_slice %arg7[%dma_wait3A_145, %dma_wait3A_146] : memref<10000x16xf32, #tpu.memory_space<vmem_shared>> -> memref<16x16xf32, #tpu.memory_space<vmem_shared>>
        tpu.wait_dma2 semaphore(%run_scoped3A : memref<!tpu.dma_semaphore, #tpu.memory_space<semaphore_mem>>) src(%dma_wait3A_147 : memref<16x16xf32, #tpu.memory_space<vmem_shared>>) dst(%dma_wait3A_144 : memref<16x16xf32, #tpu.memory_space<hbm>>)
        tpu.yield
      }) : () -> ()
    } else {
    }
    return
  }
}

module attributes {stable_mosaic.version = 14 : i64} {
  func.func @_hp0_body(%arg0: i32, %arg1: memref<1000x128xf32, #tpu.memory_space<vmem>>, %arg2: memref<2x1000x16xf32, #tpu.memory_space<vmem>>, %arg3: memref<1000x256xf32, #tpu.memory_space<vmem>>) attributes {dimension_semantics = [#tpu.dimension_semantics<arbitrary>], iteration_bounds = array<i64: 10>, scalar_prefetch = 0 : i64, scratch_operands = 0 : i64, tpu.core_type = #tpu.core_type<tc>, window_params = [{transform_indices = @transform_0, window_bounds = array<i64: 1000, 128>}, {transform_indices = @transform_1, window_bounds = array<i64: 2, 1000, 16>}, {transform_indices = @transform_2, window_bounds = array<i64: 1000, 256>}]} {
    %get3A = arith.constant 0 : index
    %get3A_0 = arith.constant 0 : index
    %get3A_1 = arith.constant 0 : index
    %get3A_2 = vector.load %arg2[%get3A, %get3A_0, %get3A_1] : memref<2x1000x16xf32, #tpu.memory_space<vmem>>, vector<2x1000x16xf32>
    %reduce_sum3A = arith.constant dense<0.000000e+00> : vector<1000xf32>
    %reduce_sum3A_3 = vector.multi_reduction <add>, %get3A_2, %reduce_sum3A [0, 2] : vector<2x1000x16xf32> to vector<1000xf32>
    %add3A = arith.constant 1.000000e+00 : f32
    %add3A_4 = vector.broadcast %add3A : f32 to vector<1000xf32>
    %add3A_5 = arith.addf %reduce_sum3A_3, %add3A_4 : vector<1000xf32>
    %sqrt3A = math.sqrt %add3A_5 : vector<1000xf32>
    %reshape3A = vector.shape_cast %sqrt3A : vector<1000xf32> to vector<1000x1xf32>
    %get3A_6 = arith.constant 0 : index
    %get3A_7 = arith.constant 0 : index
    %get3A_8 = vector.load %arg1[%get3A_6, %get3A_7] : memref<1000x128xf32, #tpu.memory_space<vmem>>, vector<1000x128xf32>
    %mul3A = vector.broadcast %reshape3A : vector<1000x1xf32> to vector<1000x128xf32>
    %mul3A_9 = arith.mulf %get3A_8, %mul3A : vector<1000x128xf32>
    %swap3A = arith.constant 0 : index
    %swap3A_10 = arith.constant 0 : index
    %swap3A_11 = vector.load %arg3[%swap3A, %swap3A_10] : memref<1000x256xf32, #tpu.memory_space<vmem>>, vector<1000x128xf32>
    tpu.vector_store %arg3[%swap3A, %swap3A_10], %mul3A_9 {strides = array<i32>} : memref<1000x256xf32, #tpu.memory_space<vmem>>, vector<1000x128xf32>,
    %broadcast_in_dim3A = arith.constant 0.000000e+00 : f32
    %broadcast_in_dim3A_12 = vector.broadcast %broadcast_in_dim3A : f32 to vector<1000x128xf32>
    %swap3A_13 = arith.constant 0 : index
    %swap3A_14 = arith.constant 128 : index
    %swap3A_15 = vector.load %arg3[%swap3A_13, %swap3A_14] : memref<1000x256xf32, #tpu.memory_space<vmem>>, vector<1000x128xf32>
    tpu.vector_store %arg3[%swap3A_13, %swap3A_14], %broadcast_in_dim3A_12 {strides = array<i32>} : memref<1000x256xf32, #tpu.memory_space<vmem>>, vector<1000x128xf32>,
    return
  }
  func.func @transform_0(%arg0: i32) -> (i32, i32) {
    %c0_i32 = arith.constant 0 : i32
    %c0_i32_0 = arith.constant 0 : i32
    return %arg0, %c0_i32 : i32, i32
  }
  func.func @transform_1(%arg0: i32) -> (i32, i32, i32) {
    %c0_i32 = arith.constant 0 : i32
    %c0_i32_0 = arith.constant 0 : i32
    %c0_i32_1 = arith.constant 0 : i32
    return %c0_i32, %arg0, %c0_i32_0 : i32, i32, i32
  }
  func.func @transform_2(%arg0: i32) -> (i32, i32) {
    %c0_i32 = arith.constant 0 : i32
    %c0_i32_0 = arith.constant 0 : i32
    return %arg0, %c0_i32 : i32, i32
  }
}

module attributes {stable_mosaic.version = 14 : i64} {
  func.func @_mm_body(%arg0: i32, %arg1: memref<1000x256xf32, #tpu.memory_space<vmem>>, %arg2: memref<1000x256xf32, #tpu.memory_space<vmem>>, %arg3: memref<2x1000x16xf32, #tpu.memory_space<vmem>>, %arg4: memref<256x256xf32, #tpu.memory_space<vmem>>, %arg5: memref<1x1xf32, #tpu.memory_space<vmem>>, %arg6: memref<1000x256xf32, #tpu.memory_space<vmem>>, %arg7: memref<2x2x1000x64xf32, #tpu.memory_space<vmem>>) attributes {dimension_semantics = [#tpu.dimension_semantics<arbitrary>], iteration_bounds = array<i64: 10>, scalar_prefetch = 0 : i64, scratch_operands = 0 : i64, tpu.core_type = #tpu.core_type<tc>, window_params = [{transform_indices = @transform_0, window_bounds = array<i64: 1000, 256>}, {transform_indices = @transform_1, window_bounds = array<i64: 1000, 256>}, {transform_indices = @transform_2, window_bounds = array<i64: 2, 1000, 16>}, {pipeline_mode = #tpu.pipeline_mode<synchronous>, transform_indices = @transform_3, window_bounds = array<i64: 256, 256>}, {pipeline_mode = #tpu.pipeline_mode<synchronous>, transform_indices = @transform_4, window_bounds = array<i64: 1, 1>}, {transform_indices = @transform_5, window_bounds = array<i64: 1000, 256>}, {transform_indices = @transform_6, window_bounds = array<i64: 2, 2, 1000, 64>}]} {
    %get3A = arith.constant 0 : index
    %get3A_0 = arith.constant 0 : index
    %get3A_1 = arith.constant 0 : index
    %get3A_2 = vector.load %arg3[%get3A, %get3A_0, %get3A_1] : memref<2x1000x16xf32, #tpu.memory_space<vmem>>, vector<2x1000x16xf32>
    %reduce_sum3A = arith.constant dense<0.000000e+00> : vector<1000xf32>
    %reduce_sum3A_3 = vector.multi_reduction <add>, %get3A_2, %reduce_sum3A [0, 2] : vector<2x1000x16xf32> to vector<1000xf32>
    %add3A = arith.constant 1.000000e+00 : f32
    %add3A_4 = vector.broadcast %add3A : f32 to vector<1000xf32>
    %add3A_5 = arith.addf %reduce_sum3A_3, %add3A_4 : vector<1000xf32>
    %rsqrt3A = math.rsqrt %add3A_5 : vector<1000xf32>
    %reshape3A = vector.shape_cast %rsqrt3A : vector<1000xf32> to vector<1000x1xf32>
    %get3A_6 = arith.constant 0 : index
    %get3A_7 = arith.constant 0 : index
    %get3A_8 = vector.load %arg1[%get3A_6, %get3A_7] : memref<1000x256xf32, #tpu.memory_space<vmem>>, vector<1000x256xf32>
    %get3A_9 = arith.constant 0 : index
    %get3A_10 = arith.constant 0 : index
    %get3A_11 = vector.load %arg2[%get3A_9, %get3A_10] : memref<1000x256xf32, #tpu.memory_space<vmem>>, vector<1000x256xf32>
    %add3A_12 = arith.addf %get3A_8, %get3A_11 : vector<1000x256xf32>
    %get3A_13 = arith.constant 0 : index
    %get3A_14 = arith.constant 0 : index
    %get3A_15 = vector.load %arg5[%get3A_13, %get3A_14] : memref<1x1xf32, #tpu.memory_space<vmem>>, vector<1x1xf32>
    %get3A_16 = vector.extract %get3A_15[0, 0] : f32 from vector<1x1xf32>
    %gt3A = arith.constant 0.000000e+00 : f32
    %gt3A_17 = arith.cmpf ogt, %get3A_16, %gt3A : f32
    %max3A = arith.constant 0.000000e+00 : f32
    %max3A_18 = vector.broadcast %max3A : f32 to vector<1000x256xf32>
    %max3A_19 = arith.maximumf %add3A_12, %max3A_18 : vector<1000x256xf32>
    %select_n3A = arith.select %gt3A_17, %add3A_12, %max3A_19 : vector<1000x256xf32>
    %mul3A = vector.broadcast %reshape3A : vector<1000x1xf32> to vector<1000x256xf32>
    %mul3A_20 = arith.mulf %mul3A, %select_n3A : vector<1000x256xf32>
    %get3A_21 = arith.constant 0 : index
    %get3A_22 = arith.constant 0 : index
    %get3A_23 = vector.load %arg4[%get3A_21, %get3A_22] : memref<256x256xf32, #tpu.memory_space<vmem>>, vector<256x256xf32>
    %dot_general3A = arith.constant dense<0.000000e+00> : vector<1000x256xf32>
    %dot_general3A_24 = tpu.matmul %mul3A_20, %get3A_23, %dot_general3A {dimension_numbers = #tpu.dot_dimension_numbers<[1], [1], [0], [0], [0, 0, 1, 0], [], []>, transpose_lhs_hint = false} : vector<1000x256xf32>, vector<256x256xf32>, vector<1000x256xf32> -> vector<1000x256xf32>
    %mul3A_25 = vector.broadcast %reshape3A : vector<1000x1xf32> to vector<1000x256xf32>
    %mul3A_26 = arith.mulf %mul3A_25, %dot_general3A_24 : vector<1000x256xf32>
    %swap3A = arith.constant 0 : index
    %swap3A_27 = arith.constant 0 : index
    %swap3A_28 = vector.load %arg6[%swap3A, %swap3A_27] : memref<1000x256xf32, #tpu.memory_space<vmem>>, vector<1000x256xf32>
    tpu.vector_store %arg6[%swap3A, %swap3A_27], %mul3A_26 {strides = array<i32>} : memref<1000x256xf32, #tpu.memory_space<vmem>>, vector<1000x256xf32>,
    %slice3A = vector.extract_strided_slice %mul3A_26 {offsets = [0, 0], sizes = [1000, 64], strides = [1, 1]} : vector<1000x256xf32> to vector<1000x64xf32>
    %swap3A_29 = arith.constant 0 : index
    %swap3A_30 = arith.constant 0 : index
    %swap3A_31 = arith.constant 0 : index
    %swap3A_32 = arith.constant 0 : index
    %swap3A_33 = vector.load %arg7[%swap3A_29, %swap3A_30, %swap3A_31, %swap3A_32] : memref<2x2x1000x64xf32, #tpu.memory_space<vmem>>, vector<1x1x1000x64xf32>
    %swap3A_34 = vector.shape_cast %swap3A_33 : vector<1x1x1000x64xf32> to vector<1000x64xf32>
    %swap3A_35 = vector.shape_cast %slice3A : vector<1000x64xf32> to vector<1x1x1000x64xf32>
    tpu.vector_store %arg7[%swap3A_29, %swap3A_30, %swap3A_31, %swap3A_32], %swap3A_35 {strides = array<i32>} : memref<2x2x1000x64xf32, #tpu.memory_space<vmem>>, vector<1x1x1000x64xf32>,
    %slice3A_36 = vector.extract_strided_slice %mul3A_26 {offsets = [0, 64], sizes = [1000, 64], strides = [1, 1]} : vector<1000x256xf32> to vector<1000x64xf32>
    %swap3A_37 = arith.constant 0 : index
    %swap3A_38 = arith.constant 1 : index
    %swap3A_39 = arith.constant 0 : index
    %swap3A_40 = arith.constant 0 : index
    %swap3A_41 = vector.load %arg7[%swap3A_37, %swap3A_38, %swap3A_39, %swap3A_40] : memref<2x2x1000x64xf32, #tpu.memory_space<vmem>>, vector<1x1x1000x64xf32>
    %swap3A_42 = vector.shape_cast %swap3A_41 : vector<1x1x1000x64xf32> to vector<1000x64xf32>
    %swap3A_43 = vector.shape_cast %slice3A_36 : vector<1000x64xf32> to vector<1x1x1000x64xf32>
    tpu.vector_store %arg7[%swap3A_37, %swap3A_38, %swap3A_39, %swap3A_40], %swap3A_43 {strides = array<i32>} : memref<2x2x1000x64xf32, #tpu.memory_space<vmem>>, vector<1x1x1000x64xf32>,
    %slice3A_44 = vector.extract_strided_slice %mul3A_26 {offsets = [0, 128], sizes = [1000, 64], strides = [1, 1]} : vector<1000x256xf32> to vector<1000x64xf32>
    %swap3A_45 = arith.constant 1 : index
    %swap3A_46 = arith.constant 0 : index
    %swap3A_47 = arith.constant 0 : index
    %swap3A_48 = arith.constant 0 : index
    %swap3A_49 = vector.load %arg7[%swap3A_45, %swap3A_46, %swap3A_47, %swap3A_48] : memref<2x2x1000x64xf32, #tpu.memory_space<vmem>>, vector<1x1x1000x64xf32>
    %swap3A_50 = vector.shape_cast %swap3A_49 : vector<1x1x1000x64xf32> to vector<1000x64xf32>
    %swap3A_51 = vector.shape_cast %slice3A_44 : vector<1000x64xf32> to vector<1x1x1000x64xf32>
    tpu.vector_store %arg7[%swap3A_45, %swap3A_46, %swap3A_47, %swap3A_48], %swap3A_51 {strides = array<i32>} : memref<2x2x1000x64xf32, #tpu.memory_space<vmem>>, vector<1x1x1000x64xf32>,
    %slice3A_52 = vector.extract_strided_slice %mul3A_26 {offsets = [0, 192], sizes = [1000, 64], strides = [1, 1]} : vector<1000x256xf32> to vector<1000x64xf32>
    %swap3A_53 = arith.constant 1 : index
    %swap3A_54 = arith.constant 1 : index
    %swap3A_55 = arith.constant 0 : index
    %swap3A_56 = arith.constant 0 : index
    %swap3A_57 = vector.load %arg7[%swap3A_53, %swap3A_54, %swap3A_55, %swap3A_56] : memref<2x2x1000x64xf32, #tpu.memory_space<vmem>>, vector<1x1x1000x64xf32>
    %swap3A_58 = vector.shape_cast %swap3A_57 : vector<1x1x1000x64xf32> to vector<1000x64xf32>
    %swap3A_59 = vector.shape_cast %slice3A_52 : vector<1000x64xf32> to vector<1x1x1000x64xf32>
    tpu.vector_store %arg7[%swap3A_53, %swap3A_54, %swap3A_55, %swap3A_56], %swap3A_59 {strides = array<i32>} : memref<2x2x1000x64xf32, #tpu.memory_space<vmem>>, vector<1x1x1000x64xf32>,
    return
  }
  func.func @transform_0(%arg0: i32) -> (i32, i32) {
    %c0_i32 = arith.constant 0 : i32
    %c0_i32_0 = arith.constant 0 : i32
    return %arg0, %c0_i32 : i32, i32
  }
  func.func @transform_1(%arg0: i32) -> (i32, i32) {
    %c0_i32 = arith.constant 0 : i32
    %c0_i32_0 = arith.constant 0 : i32
    return %arg0, %c0_i32 : i32, i32
  }
  func.func @transform_2(%arg0: i32) -> (i32, i32, i32) {
    %c0_i32 = arith.constant 0 : i32
    %c0_i32_0 = arith.constant 0 : i32
    %c0_i32_1 = arith.constant 0 : i32
    return %c0_i32, %arg0, %c0_i32_0 : i32, i32, i32
  }
  func.func @transform_3(%arg0: i32) -> (i32, i32) {
    %c0_i32 = arith.constant 0 : i32
    %c0_i32_0 = arith.constant 0 : i32
    %c0_i32_1 = arith.constant 0 : i32
    return %c0_i32, %c0_i32_0 : i32, i32
  }
  func.func @transform_4(%arg0: i32) -> (i32, i32) {
    %c0_i32 = arith.constant 0 : i32
    %c0_i32_0 = arith.constant 0 : i32
    %c0_i32_1 = arith.constant 0 : i32
    return %c0_i32, %c0_i32_0 : i32, i32
  }
  func.func @transform_5(%arg0: i32) -> (i32, i32) {
    %c0_i32 = arith.constant 0 : i32
    %c0_i32_0 = arith.constant 0 : i32
    return %arg0, %c0_i32 : i32, i32
  }
  func.func @transform_6(%arg0: i32) -> (i32, i32, i32, i32) {
    %c0_i32 = arith.constant 0 : i32
    %c0_i32_0 = arith.constant 0 : i32
    %c0_i32_1 = arith.constant 0 : i32
    %c0_i32_2 = arith.constant 0 : i32
    return %c0_i32, %c0_i32_0, %arg0, %c0_i32_1 : i32, i32, i32, i32
  }
}

module attributes {stable_mosaic.version = 14 : i64} {
  func.func @_final_body(%arg0: i32, %arg1: memref<1000x256xf32, #tpu.memory_space<vmem>>, %arg2: memref<1000x256xf32, #tpu.memory_space<vmem>>, %arg3: memref<2x1000x16xf32, #tpu.memory_space<vmem>>, %arg4: memref<1000x256xf32, #tpu.memory_space<vmem>>) attributes {dimension_semantics = [#tpu.dimension_semantics<arbitrary>], iteration_bounds = array<i64: 10>, scalar_prefetch = 0 : i64, scratch_operands = 0 : i64, tpu.core_type = #tpu.core_type<tc>, window_params = [{transform_indices = @transform_0, window_bounds = array<i64: 1000, 256>}, {transform_indices = @transform_1, window_bounds = array<i64: 1000, 256>}, {transform_indices = @transform_2, window_bounds = array<i64: 2, 1000, 16>}, {transform_indices = @transform_3, window_bounds = array<i64: 1000, 256>}]} {
    %get3A = arith.constant 0 : index
    %get3A_0 = arith.constant 0 : index
    %get3A_1 = arith.constant 0 : index
    %get3A_2 = vector.load %arg3[%get3A, %get3A_0, %get3A_1] : memref<2x1000x16xf32, #tpu.memory_space<vmem>>, vector<2x1000x16xf32>
    %reduce_sum3A = arith.constant dense<0.000000e+00> : vector<1000xf32>
    %reduce_sum3A_3 = vector.multi_reduction <add>, %get3A_2, %reduce_sum3A [0, 2] : vector<2x1000x16xf32> to vector<1000xf32>
    %add3A = arith.constant 1.000000e+00 : f32
    %add3A_4 = vector.broadcast %add3A : f32 to vector<1000xf32>
    %add3A_5 = arith.addf %reduce_sum3A_3, %add3A_4 : vector<1000xf32>
    %rsqrt3A = math.rsqrt %add3A_5 : vector<1000xf32>
    %reshape3A = vector.shape_cast %rsqrt3A : vector<1000xf32> to vector<1000x1xf32>
    %get3A_6 = arith.constant 0 : index
    %get3A_7 = arith.constant 0 : index
    %get3A_8 = vector.load %arg1[%get3A_6, %get3A_7] : memref<1000x256xf32, #tpu.memory_space<vmem>>, vector<1000x256xf32>
    %get3A_9 = arith.constant 0 : index
    %get3A_10 = arith.constant 0 : index
    %get3A_11 = vector.load %arg2[%get3A_9, %get3A_10] : memref<1000x256xf32, #tpu.memory_space<vmem>>, vector<1000x256xf32>
    %add3A_12 = arith.addf %get3A_8, %get3A_11 : vector<1000x256xf32>
    %mul3A = vector.broadcast %reshape3A : vector<1000x1xf32> to vector<1000x256xf32>
    %mul3A_13 = arith.mulf %mul3A, %add3A_12 : vector<1000x256xf32>
    %swap3A = arith.constant 0 : index
    %swap3A_14 = arith.constant 0 : index
    %swap3A_15 = vector.load %arg4[%swap3A, %swap3A_14] : memref<1000x256xf32, #tpu.memory_space<vmem>>, vector<1000x256xf32>
    tpu.vector_store %arg4[%swap3A, %swap3A_14], %mul3A_13 {strides = array<i32>} : memref<1000x256xf32, #tpu.memory_space<vmem>>, vector<1000x256xf32>,
    return
  }
  func.func @transform_0(%arg0: i32) -> (i32, i32) {
    %c0_i32 = arith.constant 0 : i32
    %c0_i32_0 = arith.constant 0 : i32
    return %arg0, %c0_i32 : i32, i32
  }
  func.func @transform_1(%arg0: i32) -> (i32, i32) {
    %c0_i32 = arith.constant 0 : i32
    %c0_i32_0 = arith.constant 0 : i32
    return %arg0, %c0_i32 : i32, i32
  }
  func.func @transform_2(%arg0: i32) -> (i32, i32, i32) {
    %c0_i32 = arith.constant 0 : i32
    %c0_i32_0 = arith.constant 0 : i32
    %c0_i32_1 = arith.constant 0 : i32
    return %c0_i32, %arg0, %c0_i32_0 : i32, i32, i32
  }
  func.func @transform_3(%arg0: i32) -> (i32, i32) {
    %c0_i32 = arith.constant 0 : i32
    %c0_i32_0 = arith.constant 0 : i32
    return %arg0, %c0_i32 : i32, i32
  }
}

</mosaic_0001>

<sc_bundles>
// kernel: closed_call.14.cloned.1.call-start
scs
__scs_entry_jumppad:
0x0: {  	(pc) =	sbr.rel $0x88, $3  }
0x1: {  	(tag) =	ssettag $0x0;
	lr =	simm.s32 $0x1  }
0x2: {  	[smem:$0x3F9C] =	sst lr;
	_ =	strace $0xD0000000  }
0x3: {  	_ = 	snop  }
0x4: {  	_ = 	snop  }
0x5: {  	_ = 	snop  }
0x6: {  	_ = 	snop  }
0x7: {  	_ = 	snop  }
__scs_overlays_trampoline_lowered:
0x8: {  	[smem:$0x3FAB] =	sst s0  }
0x9: {  	[smem:$0x3FAC] =	sst s1  }
0xa: {  	[smem:$0x3FAD] =	sst s2  }
0xb: {  	[smem:$0x3FAE] =	sst s3  }
0xc: {  	[smem:$0x3FAF] =	sst s4  }
0xd: {  	[smem:$0x3FB0] =	sst s5  }
0xe: {  	[smem:$0x3FB1] =	sst s6  }
0xf: {  	[smem:$0x3FB2] =	sst s7  }
0x10: {  	[smem:$0x3FB3] =	sst s8  }
0x11: {  	[smem:$0x3FB4] =	sst s9;
	s0 =	simm.s32 @!p0 $0x0  }
0x12: {  	s1 =	sld [smem:$0x3F9A];
	s0 =	simm.s32 @p0 $0x1  }
0x13: {  	[smem:$0x3FB5] =	sst s0;
	s0 =	simm.s32 @!p1 $0x0  }
0x14: {  	s2 =	sld [smem:$0x3F99];
	s0 =	simm.s32 @p1 $0x1  }
0x15: {  	[smem:$0x3FB6] =	sst s0;
	s0 =	simm.s32 @!p2 $0x0  }
0x16: {  	s3 =	sld [smem:$0x3FDB];
	s0 =	simm.s32 @p2 $0x1  }
0x17: {  	s4 =	simm.s32 $0x1BF5;
	[smem:$0x3FB8] =	sst s0  }
0x18: {  	s0 =	sld [smem:$0x3F9B];
	_ =	swait.ge [sflag:s4], $0x0  }
0x19: {  	s7 =	sld [smem:$0x3F9C]  }
0x1a: {  	s8 =	sadd.s32 $0xFFFFE003, lr  }
0x1b: {  	s9 =	sadd.s32 $0xFFFFFEF7, lr;
	s5 =	simm.s32 $0xFFFFFFFF;
	p2 =	slt.u32 s8, $0xFFFFF086  }
0x1c: {  	p1 =	slt.u32 s9, $0xF7A;
	s5 =	simm.s32 @!p2 $0x0  }
0x1d: {  	s5 =	simm.s32 @p1 $0x1;
	p0 =	seq.s32 s7, s2  }
0x1e: {  	s7 =	smul.u32 @!p0 $0xF7A, s2;
	p2 =	seq.s32 @!p0 s5, $0x0  }
0x1f: {  	s9 =	smul.u32 $0xF7A, s1;
	s8 =	simm.s32 @!p0 $0x1BF5;
	p2 =	por !p2, p0  }
0x20: {  	[sflag:s8] =	ssyncset.s32 @!p0 $0xFFFFF086;
	s6 =	sadd.s32 @!p0 s3, s7;
	s7 =	simm.s32 @!p0 $0x108  }
0x21: {  	s3 =	sadd.s32 s3, s9;
	s6 =	sadd.s32 @!p0 $0x88, s6;
	s7 =	simm.s32 @p2 $0x1082  }
0x22: {  	[simem:s7], [sflag:s8] =	dma.local @!p0 [hbm:s6], $0xF7A  }
0x23: {  	s9 =	sor.u32 $0xD0000000, s2;
	s6 =	simm.s32 $0x108;
	_ =	swait.ge @!p0 [sflag:s8], $0x0  }
0x24: {  	s3 =	sadd.s32 $0x88, s3;
	s6 =	simm.s32 @!p1 $0x1082;
	[sflag:s4] =	ssyncset.s32 $0xFFFFF086  }
0x25: {  	[simem:s6], [sflag:s4] =	dma.local [hbm:s3], $0xF7A  }
0x26: {  	[smem:$0x3F9C] =	sst s1;
	(tag) =	ssettag s2;
	_ =	strace s9  }
0x27: {  	s1 =	sld [smem:$0x3FAC]  }
0x28: {  	s2 =	sld [smem:$0x3FAD]  }
0x29: {  	s4 =	sld [smem:$0x3FAF]  }
0x2a: {  	p0 =	seq.s32 s5, $0x0;
	s5 =	sld [smem:$0x3FB0]  }
0x2b: {  	s6 =	sld [smem:$0x3FB1]  }
0x2c: {  	s7 =	sld [smem:$0x3FB2]  }
0x2d: {  	s3 =	simm.s32 $0x108;
	s8 =	sld [smem:$0x3FB3]  }
0x2e: {  	s3 =	simm.s32 @!p0 $0x1082;
	s9 =	sld [smem:$0x3FB4]  }
0x2f: {  	lr =	sadd.s32 s0, s3;
	s0 =	sld [smem:$0x3FAB]  }
0x30: {  	s3 =	sld [smem:$0x3FAE]  }
0x31: {  	[smem:$0x3FB7] =	sst s10  }
0x32: {  	s10 =	sld [smem:$0x3FB5];
	_ =	sdelay $0x3  }
0x33: {  	p0 =	seq.s32 s10, $0x1;
	s10 =	sld [smem:$0x3FB7];
	_ =	sdelay $0x3  }
0x34: {  	[smem:$0x3FB7] =	sst s10  }
0x35: {  	s10 =	sld [smem:$0x3FB6];
	_ =	sdelay $0x3  }
0x36: {  	p1 =	seq.s32 s10, $0x1;
	s10 =	sld [smem:$0x3FB7];
	_ =	sdelay $0x3  }
0x37: {  	[smem:$0x3FB7] =	sst s10  }
0x38: {  	s10 =	sld [smem:$0x3FB8]  }
0x39: {  	_ = 	snop;
	(pc) =	sbr.ind lr, $3  }
0x3a: {  	_ = 	snop  }
0x3b: {  	_ = 	snop  }
0x3c: {  	p2 =	seq.s32 s10, $0x1;
	s10 =	sld [smem:$0x3FB7]  }
0x3d: {  	_ =	shalt  }
0x3e: {  	_ =	shalt  }
0x3f: {  	_ =	shalt  }
0x40: {  	_ =	shalt  }
0x41: {  	_ =	shalt  }
0x42: {  	_ =	shalt  }
0x43: {  	_ =	shalt  }
0x44: {  	_ =	shalt  }
0x45: {  	_ =	shalt  }
0x46: {  	_ =	shalt  }
0x47: {  	_ =	shalt  }
0x48: {  	_ =	shalt  }
0x49: {  	_ =	shalt  }
0x4a: {  	_ =	shalt  }
0x4b: {  	_ =	shalt  }
0x4c: {  	_ =	shalt  }
0x4d: {  	_ =	shalt  }
0x4e: {  	_ =	shalt  }
0x4f: {  	_ =	shalt  }
0x50: {  	_ =	shalt  }
0x51: {  	_ =	shalt  }
0x52: {  	_ =	shalt  }
0x53: {  	_ =	shalt  }
0x54: {  	_ =	shalt  }
0x55: {  	_ =	shalt  }
0x56: {  	_ =	shalt  }
0x57: {  	_ =	shalt  }
0x58: {  	_ =	shalt  }
0x59: {  	_ =	shalt  }
0x5a: {  	_ =	shalt  }
0x5b: {  	_ =	shalt  }
0x5c: {  	_ =	shalt  }
0x5d: {  	_ =	shalt  }
0x5e: {  	_ =	shalt  }
0x5f: {  	_ =	shalt  }
0x60: {  	_ =	shalt  }
0x61: {  	_ =	shalt  }
0x62: {  	_ =	shalt  }
0x63: {  	_ =	shalt  }
0x64: {  	_ =	shalt  }
0x65: {  	_ =	shalt  }
0x66: {  	_ =	shalt  }
0x67: {  	_ =	shalt  }
0x68: {  	_ =	shalt  }
0x69: {  	_ =	shalt  }
0x6a: {  	_ =	shalt  }
0x6b: {  	_ =	shalt  }
0x6c: {  	_ =	shalt  }
0x6d: {  	_ =	shalt  }
0x6e: {  	_ =	shalt  }
0x6f: {  	_ =	shalt  }
0x70: {  	_ =	shalt  }
0x71: {  	_ =	shalt  }
0x72: {  	_ =	shalt  }
0x73: {  	_ =	shalt  }
0x74: {  	_ =	shalt  }
0x75: {  	_ =	shalt  }
0x76: {  	_ =	shalt  }
0x77: {  	_ =	shalt  }
0x78: {  	_ =	shalt  }
0x79: {  	_ =	shalt  }
0x7a: {  	_ =	shalt  }
0x7b: {  	_ =	shalt  }
0x7c: {  	_ =	shalt  }
0x7d: {  	_ =	shalt  }
0x7e: {  	_ =	shalt  }
0x7f: {  	_ =	shalt  }
0x80: {  	_ =	shalt  }
0x81: {  	_ =	shalt  }
0x82: {  	_ =	shalt  }
0x83: {  	_ =	shalt  }
0x84: {  	_ =	shalt  }
0x85: {  	_ =	shalt  }
0x86: {  	_ =	shalt  }
0x87: {  	_ =	shalt  }
.Lfunc_end0:
.L_simem_size_0:
called_computation_lowered:
.L_overlay_start_0:
0x88: {  	s2 =	sld [smem:$0x3FD9]  }
0x89: {  	s3 =	sld [smem:$0x3FFE];
	_ =	sdelay $0x1  }
0x8a: {  	s1 =	srdreg.scid  }
0x8b: {  	s0 =	sand.u32 $0x1, s1  }
0x8c: {  	s17 =	sshll.u32 s0, $0xA;
	s2 =	sadd.s32 s3, s2  }
0x8d: {  	s2 =	sadd.s32 s2, s17  }
0x8e: {  	[smem:$0x3FC3] =	sst s2  }
0x8f: {  	_ = 	snop  }
0x90: {  	s2 =	sld [smem:$0x3FD0];
	(tm) =	ssettm $0x1  }
0x91: {  	s18 =	sld [smem:$0x3FFB];
	_ =	sdelay $0x3  }
0x92: {  	_ =	strace s18  }
0x93: {  	s3 =	sld [smem:$0x3FFC];
	_ =	sdelay $0x3  }
0x94: {  	_ =	strace s3  }
0x95: {  	s3 =	sld [smem:$0x3FFD];
	_ =	sdelay $0x3  }
0x96: {  	_ =	strace s3  }
0x97: {  	_ =	strace $0x8FFFFFFF  }
0x98: {  	s19 =	sld [smem:$0x3FDB];
	_ =	sdelay $0x1  }
0x99: {  	s4 =	simm.s32 $_scs_section_size  }
0x9a: {  	s5 =	simm.s32 $_size__tile_overlayer_lowered;
	s6 =	simm.s32 $_tile_overlayer_lowered  }
0x9b: {  	s22 =	simm.s32 $0x1BFF;
	s21 =	sshll.u32 s6, $0x1;
	s3 =	sadd.s32 s4, s19  }
0x9c: {  	s7 =	simm.s32 $0x0;
	s20 =	sshll.u32 s5, $0x1;
	s5 =	sadd.s32 s21, s3  }
0x9d: {  	[timem:s7], [sflag:s22] =	dma.local [hbm:s5], s20  }
0x9e: {  	_ =	swait.ge [sflag:s22], s20  }
0x9f: {  	s4 =	ssub.s32 $0x0, s20;
	[sflag:s22] =	ssyncset.done $0x0  }
0xa0: {  	[sflag:s22] =	ssyncadd.s32 s4;
	_ =	sdelay $0x1  }
0xa1: {  	s23 =	simm.s32 $0x1B8B  }
0xa2: {  	_ =	swait.ge [sflag:s23], $0x1  }
0xa3: {  	[sflag:s23] =	ssyncset.done $0x0  }
0xa4: {  	s25 =	simm.s32 $0x1B8E;
	s24 =	sld [smem:$0x3FFE];
	[sflag:s23] =	ssyncadd.s32 $0xFFFFFFFF  }
0xa5: {  	s26 =	simm.s32 $execute0_lowered;
	[smem:$0x3FD2] =	sst s25  }
0xa6: {  	s5 =	sshll.u32 s26, $0x1;
	_ =	strace $0x80000049;
	[dreg:$0x1] =	wrdreg $0xFFFFFFFF  }
0xa7: {  	s28 =	simm.s32 $_size_execute0_lowered;
	s3 =	sadd.s32 s3, s5;
	[dreg:$0x0] =	wrdreg $0x0  }
0xa8: {  	s5 =	sshll.u32 s28, $0x1;
	[dreg:$0x2] =	wrdreg s3  }
0xa9: {  	[dreg:$0x3] =	wrdreg s5  }
0xaa: {  	[dreg:$0x4] =	wrdreg $0xC0  }
0xab: {  	_ =	task [dreg:s7], $0x5FFFF  }
0xac: {  	[dreg:$0x1] =	wrdreg $0xFFFFFFFF  }
0xad: {  	[dreg:$0x0] =	wrdreg $0x60  }
0xae: {  	[dreg:$0x2] =	wrdreg s2  }
0xaf: {  	[dreg:$0x3] =	wrdreg s24  }
0xb0: {  	[dreg:$0x4] =	wrdreg $0x114400  }
0xb1: {  	[dreg:$0x5] =	wrdreg $0x9  }
0xb2: {  	_ =	task.clear_ibuf [dreg:s7], $0x6FFFF;
	_ =	strace $0x90000049  }
0xb3: {  	s29 =	simm.s32 $0x9;
	_ =	strace $0x8000004B  }
0xb4: {  	_ =	swait.ge [sflag:s29], $0x1  }
0xb5: {  	[sflag:s29] =	ssyncadd.s32 $0xFFFFFFFF  }
0xb6: {  	_ =	strace $0x9000004B  }
0xb7: {  	_ =	sfence  }
0xb8: {  	s30 =	sld [smem:$0x0];
	_ =	sdelay $0x2  }
0xb9: {  	s31 =	sshll.u32 s1, $0xD;
	s1 =	sshrl.u32 s1, $0x2  }
0xba: {  	s3 =	sand.u32 $0x4000, s31;
	s1 =	sadd.s32 s1, s30  }
0xbb: {  	s0 =	sor.u32 s3, s0;
	s1 =	sshll.u32 s1, $0x11  }
0xbc: {  	s0 =	sor.u32 s1, s0  }
0xbd: {  	s0 =	sadd.s32 $0x8F2B, s0  }
0xbe: {  	[sflag:s0] =	ssyncadd.remote.s32 $0x1  }
0xbf: {  	_ =	sfence.sel $0xFFFF  }
0xc0: {  	[dreg:$0x0] =	wrdreg $0xFFFFFFFF;
	(pc) =	sbr.abs _section_cstart, $3  }
0xc1: {  	[dreg:$0x1] =	wrdreg $0xFFFFFFFF  }
0xc2: {  	_ =	task.clear_ibuf [dreg:s7], $0x2FFFF;
	_ =	strace $0x9FFFFFFF  }
0xc3: {  	(tm) =	ssettm $0x7FFFFFFF  }
tec
execute0_lowered:
.L_overlay_start_1:
0x0: {  	(tag) =	ssettag $0x1  }
0x1: {  	s0 =	rddreg [dreg:$0x0]  }
0x2: {  	s1 =	rddreg [dreg:$0x1]  }
0x3: {  	s2 =	rddreg [dreg:$0x2]  }
0x4: {  	s4 =	simm.s32 $0x0;
	s9 =	stileid.u32;
	s3 =	srdreg.scid  }
0x5: {  	s29 =	simm.s32 $0xC440;
	s31 =	simm.s32 $0xD840;
	s28 =	simm.s32 $0x6  }
0x6: {  	s30 =	simm.s32 $0x7;
	[smem:$0x7FF] =	sst s4;
	s14 =	smul.u32 $0x9C4, s9  }
0x7: {  	s3 =	sand.u32 $0x1, s3;
	s6 =	smul.u32 $0x27000, s9;
	s23 =	sadd.s32 $0x9C000, s2  }
0x8: {  	p0 =	sne.s32 s9, $0xF;
	_ =	strace $0x8000004A;
	s5 =	ssub.s32 $0x2, s3  }
0x9: {  	s7 =	sshll.u32 s3, $0x4;
	s3 =	smul.u32 $0x27100, s3;
	[dreg:$0xe] =	wrdreg s23  }
0xa: {  	s23 =	simm.s32 $0xB;
	s4 =	sadd.s32 s14, s1;
	s8 =	sshrl.u32 s5, $0x1  }
0xb: {  	s1 =	sadd.s32 s7, s1;
	s6 =	sshrl.u32 s6, $0x2;
	s15 =	sadd.s32 $0x1A00, s4  }
0xc: {  	s14 =	simm.s32 $0xA0;
	s4 =	sadd.s32 $0x2BA00, s4;
	[dreg:$0x4] =	wrdreg s15  }
0xd: {  	s7 =	simm.s32 $0x9;
	s6 =	sadd.s32 s6, s2;
	[dreg:$0x5] =	wrdreg s4  }
0xe: {  	s5 =	ssub.s32 s5, s8;
	s24 =	sadd.s32 $0x83A00, s1;
	[dreg:$0xf] =	wrdreg s6  }
0xf: {  	s25 =	sadd.s32 $0x83A08, s1;
	s1 =	simm.s32 $0x1;
	[dreg:$0xd] =	wrdreg s24  }
0x10: {  	s8 =	simm.s32 $0xA;
	s16 =	sadd.s32 $0x1400, s6;
	[dreg:$0x11] =	wrdreg s25  }
0x11: {  	s17 =	sadd.s32 $0x2800, s6;
	s18 =	sadd.s32 $0x3C00, s6;
	[dreg:$0x6] =	wrdreg s16  }
0x12: {  	s19 =	sadd.s32 $0x5000, s6;
	s20 =	sadd.s32 $0x6400, s6;
	[dreg:$0x7] =	wrdreg s17  }
0x13: {  	s21 =	sadd.s32 $0x7800, s6;
	s22 =	sadd.s32 $0x8C00, s6;
	[dreg:$0x8] =	wrdreg s18  }
0x14: {  	s15 =	sadd.s32 s0, s3;
	s26 =	smax.u32 s5, $0x1;
	[dreg:$0x9] =	wrdreg s19  }
0x15: {  	s24 =	simm.s32 $0x50;
	s25 =	simm.s32 $0x9C40;
	[dreg:$0xa] =	wrdreg s20  }
0x16: {  	s3 =	simm.s32 $0x2;
	s4 =	simm.s32 $0x3;
	[dreg:$0xb] =	wrdreg s21  }
0x17: {  	s5 =	simm.s32 $0x4;
	s0 =	simm.s32 $0x8;
	[dreg:$0xc] =	wrdreg s22  }
0x18: {  	s18 =	smul.u32 $0x4E00, s9;
	[dreg:$0x12] =	wrdreg s26;
	s20 =	simm.s32 $0xC  }
0x19: {  	s22 =	simm.s32 $0x10040;
	s26 =	simm.s32 $0xB040;
	s21 =	simm.s32 $0xEC40  }
0x1a: {  	v0 =	vimm.f32 $0.0e+00;
	s19 =	simm.s32 $0x5;
	s9 =	simm.s32 $0x0;
	[dreg:$0x10] =	wrdreg s18  }
.LBB2_1:
0x1b: {  	s11 =	simm.s32 $0x100;
	s10 =	simm.s32 $0x0  }
.LBB2_2:
0x1c: {  	p1 =	sne.s32 s11, $0x4F00;
	[tilespmem:s10+$0x10070] =	vst v0;
	s12 =	smov.u32 s11;
	s11 =	sadd.s32 $0x100, s11  }
.Ltmp0:
0x1d: {  	[tilespmem:s10+$0x10060] =	vst v0;
	(pc) =	sbr.rel @p1 .LBB2_2-.Ltmp0, $3  }
0x1e: {  	[tilespmem:s10+$0x10040] =	vst v0  }
0x1f: {  	[tilespmem:s10+$0x10050] =	vst v0;
	_ =	sdelay $0x1  }
0x20: {  	s10 =	sshra.s32 s12, $0x2  }
0x21: {  	[tilespmem:s10+$0x10070] =	vst v0  }
0x22: {  	[tilespmem:s10+$0x10060] =	vst v0  }
0x23: {  	[tilespmem:s10+$0x10040] =	vst v0  }
0x24: {  	[tilespmem:s10+$0x10050] =	vst v0;
	s16 =	simm.s32 $0x0;
	s11 =	rddreg [dreg:$0x4]  }
0x25: {  	[tilespmem:s16], [sflag:$0xC] =	stream.linear.gather [hbm4b:s11+s16], $0x4E20, $0x38;
	[tilespmem:$0x1B080] =	vst v63  }
0x26: {  	_ =	swait.ge [sflag:s20], $0x4E20  }
0x27: {  	[sflag:s20] =	ssyncset.done $0x0  }
0x28: {  	s6 =	simm.s32 $0x4E20;
	s17 =	rddreg [dreg:$0x5];
	[sflag:s20] =	ssyncadd.s32 $0xFFFFB1E0  }
0x29: {  	[tilespmem:s6], [sflag:$0xC] =	stream.linear.gather [hbm4b:s17+s16], $0x4E20, $0x38;
	[tilespmem:$0x1B080] =	vst v63  }
0x2a: {  	_ =	swait.ge [sflag:s20], $0x4E20  }
0x2b: {  	[sflag:s20] =	ssyncset.done $0x0  }
0x2c: {  	s10 =	rddreg [dreg:$0xf];
	[sflag:s20] =	ssyncadd.s32 $0xFFFFB1E0  }
0x2d: {  	[spmem:s10] =	stream.linear.scatter [tilespmem:s22], [sflag:$0xB], $0x1400, $0x38;
	[tilespmem:$0x1B080] =	vst v63  }
0x2e: {  	s11 =	rddreg [dreg:$0x6]  }
0x2f: {  	[spmem:s11] =	stream.linear.scatter [tilespmem:s22], [sflag:$0xB], $0x1400, $0x38;
	[tilespmem:$0x1B080] =	vst v63  }
0x30: {  	s12 =	rddreg [dreg:$0x7]  }
0x31: {  	[spmem:s12] =	stream.linear.scatter [tilespmem:s22], [sflag:$0xB], $0x1400, $0x38;
	[tilespmem:$0x1B080] =	vst v63  }
0x32: {  	s13 =	rddreg [dreg:$0x8]  }
0x33: {  	[spmem:s13] =	stream.linear.scatter [tilespmem:s22], [sflag:$0xB], $0x1400, $0x38;
	[tilespmem:$0x1B080] =	vst v63  }
0x34: {  	s16 =	rddreg [dreg:$0x9]  }
0x35: {  	[spmem:s16] =	stream.linear.scatter [tilespmem:s22], [sflag:$0xB], $0x1400, $0x38;
	[tilespmem:$0x1B080] =	vst v63  }
0x36: {  	s17 =	rddreg [dreg:$0xa]  }
0x37: {  	[spmem:s17] =	stream.linear.scatter [tilespmem:s22], [sflag:$0xB], $0x1400, $0x38;
	[tilespmem:$0x1B080] =	vst v63  }
0x38: {  	s6 =	rddreg [dreg:$0xb]  }
0x39: {  	[spmem:s6] =	stream.linear.scatter [tilespmem:s22], [sflag:$0xB], $0x1400, $0x38;
	[tilespmem:$0x1B080] =	vst v63  }
0x3a: {  	s11 =	rddreg [dreg:$0xc]  }
0x3b: {  	[spmem:s11] =	stream.linear.scatter [tilespmem:s22], [sflag:$0xB], $0x1000, $0x38;
	[tilespmem:$0x1B080] =	vst v63  }
0x3c: {  	_ =	swait.ge [sflag:s23], $0x1400  }
0x3d: {  	[sflag:s23] =	ssyncset.done $0x0  }
0x3e: {  	[sflag:s23] =	ssyncadd.s32 $0xFFFFEC00  }
0x3f: {  	_ =	swait.ge [sflag:s23], $0x1400  }
0x40: {  	[sflag:s23] =	ssyncset.done $0x0  }
0x41: {  	[sflag:s23] =	ssyncadd.s32 $0xFFFFEC00  }
0x42: {  	_ =	swait.ge [sflag:s23], $0x1400  }
0x43: {  	[sflag:s23] =	ssyncset.done $0x0  }
0x44: {  	[sflag:s23] =	ssyncadd.s32 $0xFFFFEC00  }
0x45: {  	_ =	swait.ge [sflag:s23], $0x1400  }
0x46: {  	[sflag:s23] =	ssyncset.done $0x0  }
0x47: {  	[sflag:s23] =	ssyncadd.s32 $0xFFFFEC00  }
0x48: {  	_ =	swait.ge [sflag:s23], $0x1400  }
0x49: {  	[sflag:s23] =	ssyncset.done $0x0  }
0x4a: {  	[sflag:s23] =	ssyncadd.s32 $0xFFFFEC00  }
0x4b: {  	_ =	swait.ge [sflag:s23], $0x1400  }
0x4c: {  	[sflag:s23] =	ssyncset.done $0x0  }
0x4d: {  	[sflag:s23] =	ssyncadd.s32 $0xFFFFEC00  }
0x4e: {  	_ =	swait.ge [sflag:s23], $0x1400  }
0x4f: {  	[sflag:s23] =	ssyncset.done $0x0  }
0x50: {  	[sflag:s23] =	ssyncadd.s32 $0xFFFFEC00  }
0x51: {  	_ =	swait.ge [sflag:s23], $0x1000  }
0x52: {  	[sflag:s23] =	ssyncset.done $0x0  }
0x53: {  	s10 =	simm.s32 @!p0 $0x10040;
	s11 =	rddreg [dreg:$0xe];
	[sflag:s23] =	ssyncadd.s32 $0xFFFFF000  }
0x54: {  	[spmem:s11] =	stream.linear.scatter @!p0 [tilespmem:s10], [sflag:$0xB], $0x400, $0x38;
	[tilespmem:$0x1B080] =	vst v63  }
0x55: {  	s10 =	simm.s32 @!p0 $0xB  }
0x56: {  	_ =	swait.ge @!p0 [sflag:s10], $0x400  }
0x57: {  	[sflag:s10] =	ssyncset.done @!p0 $0x0  }
0x58: {  	[sflag:s10] =	ssyncadd.s32 @!p0 $0xFFFFFC00  }
0x59: {  	s12 =	simm.s32 $0x0;
	[bflag:$0x0] =	sbarrier.arrive $0xFFFF  }
0x5a: {  	[tilespmem:s25], [sflag:$0x1] =	stream.indirect.gather [hbm4b:s15+s24], $0x40, s12, s24, $0xb8;
	[tilespmem:$0x1B080] =	vst v63  }
0x5b: {  	_ = 	snop  }
0x5c: {  	[tilespmem:s26], [sflag:$0x2] =	stream.indirect.gather [hbm4b:s15+s24], $0x40, s24, s24, $0xb8;
	[tilespmem:$0x1B080] =	vst v63  }
0x5d: {  	_ = 	snop  }
0x5e: {  	[tilespmem:s29], [sflag:$0x3] =	stream.indirect.gather [hbm4b:s15+s24], $0x40, s14, s24, $0xb8;
	[tilespmem:$0x1B080] =	vst v63  }
0x5f: {  	s13 =	simm.s32 $0xF0  }
0x60: {  	[tilespmem:s31], [sflag:$0x4] =	stream.indirect.gather [hbm4b:s15+s24], $0x40, s13, s24, $0xb8;
	[tilespmem:$0x1B080] =	vst v63  }
0x61: {  	s14 =	simm.s32 $0x140  }
0x62: {  	[tilespmem:s21], [sflag:$0x5] =	stream.indirect.gather [hbm4b:s15+s24], $0x40, s14, s24, $0xb8;
	[tilespmem:$0x1B080] =	vst v63  }
0x63: {  	_ =	swait.ge [sflag:s1], $0x1400  }
0x64: {  	[sflag:s1] =	ssyncset.done $0x0  }
0x65: {  	s16 =	simm.s32 $0x4E20;
	[sflag:s1] =	ssyncadd.s32 $0xFFFFEC00  }
0x66: {  	[spmem:s2] =	stream.indirect.scatter.add.f32 [tilespmem:s25], [sflag:$0x6], $0x40, s16, s24, $0xb8;
	[tilespmem:$0x1B080] =	vst v63  }
0x67: {  	_ =	swait.ge [sflag:s3], $0x1400  }
0x68: {  	[sflag:s3] =	ssyncset.done $0x0  }
0x69: {  	s17 =	simm.s32 $0x4E70;
	[sflag:s3] =	ssyncadd.s32 $0xFFFFEC00  }
0x6a: {  	[spmem:s2] =	stream.indirect.scatter.add.f32 [tilespmem:s26], [sflag:$0x7], $0x40, s17, s24, $0xb8;
	[tilespmem:$0x1B080] =	vst v63  }
0x6b: {  	_ =	swait.ge [sflag:s4], $0x1400  }
0x6c: {  	[sflag:s4] =	ssyncset.done $0x0  }
0x6d: {  	s6 =	simm.s32 $0x4EC0;
	[sflag:s4] =	ssyncadd.s32 $0xFFFFEC00  }
0x6e: {  	[spmem:s2] =	stream.indirect.scatter.add.f32 [tilespmem:s29], [sflag:$0x8], $0x40, s6, s24, $0xb8;
	[tilespmem:$0x1B080] =	vst v63  }
0x6f: {  	_ =	swait.ge [sflag:s5], $0x1400  }
0x70: {  	[sflag:s5] =	ssyncset.done $0x0  }
0x71: {  	s11 =	simm.s32 $0x4F10;
	[sflag:s5] =	ssyncadd.s32 $0xFFFFEC00  }
0x72: {  	[spmem:s2] =	stream.indirect.scatter.add.f32 [tilespmem:s31], [sflag:$0x9], $0x40, s11, s24, $0xb8;
	[tilespmem:$0x1B080] =	vst v63  }
0x73: {  	_ =	swait.ge [sflag:s19], $0x1400  }
0x74: {  	[sflag:s19] =	ssyncset.done $0x0  }
0x75: {  	s12 =	simm.s32 $0x4F60;
	[sflag:s19] =	ssyncadd.s32 $0xFFFFEC00  }
0x76: {  	[spmem:s2] =	stream.indirect.scatter.add.f32 [tilespmem:s21], [sflag:$0xA], $0x40, s12, s24, $0xb8;
	[tilespmem:$0x1B080] =	vst v63  }
0x77: {  	_ =	swait.ge [sflag:s28], $0x1400  }
0x78: {  	[sflag:s28] =	ssyncset.done $0x0  }
0x79: {  	s13 =	simm.s32 $0x190;
	[sflag:s28] =	ssyncadd.s32 $0xFFFFEC00  }
0x7a: {  	[tilespmem:s25], [sflag:$0x1] =	stream.indirect.gather [hbm4b:s15+s24], $0x40, s13, s24, $0xb8;
	[tilespmem:$0x1B080] =	vst v63  }
0x7b: {  	_ =	swait.ge [sflag:s30], $0x1400  }
0x7c: {  	[sflag:s30] =	ssyncset.done $0x0  }
0x7d: {  	s14 =	simm.s32 $0x1E0;
	[sflag:s30] =	ssyncadd.s32 $0xFFFFEC00  }
0x7e: {  	[tilespmem:s26], [sflag:$0x2] =	stream.indirect.gather [hbm4b:s15+s24], $0x40, s14, s24, $0xb8;
	[tilespmem:$0x1B080] =	vst v63  }
0x7f: {  	_ =	swait.ge [sflag:s0], $0x1400  }
0x80: {  	[sflag:s0] =	ssyncset.done $0x0  }
0x81: {  	s16 =	simm.s32 $0x230;
	[sflag:s0] =	ssyncadd.s32 $0xFFFFEC00  }
0x82: {  	[tilespmem:s29], [sflag:$0x3] =	stream.indirect.gather [hbm4b:s15+s24], $0x40, s16, s24, $0xb8;
	[tilespmem:$0x1B080] =	vst v63  }
0x83: {  	_ =	swait.ge [sflag:s7], $0x1400  }
0x84: {  	[sflag:s7] =	ssyncset.done $0x0  }
0x85: {  	s17 =	simm.s32 $0x280;
	[sflag:s7] =	ssyncadd.s32 $0xFFFFEC00  }
0x86: {  	[tilespmem:s31], [sflag:$0x4] =	stream.indirect.gather [hbm4b:s15+s24], $0x40, s17, s24, $0xb8;
	[tilespmem:$0x1B080] =	vst v63  }
0x87: {  	_ =	swait.ge [sflag:s8], $0x1400  }
0x88: {  	[sflag:s8] =	ssyncset.done $0x0  }
0x89: {  	s10 =	simm.s32 $0x640;
	s11 =	simm.s32 $0x2D0;
	[sflag:s8] =	ssyncadd.s32 $0xFFFFEC00  }
.LBB2_4:
0x8a: {  	[tilespmem:s21], [sflag:$0x5] =	stream.indirect.gather [hbm4b:s15+s24], $0x40, s11, s24, $0xb8;
	[tilespmem:$0x1B080] =	vst v63  }
0x8b: {  	s11 =	smov.u32 s10  }
0x8c: {  	p1 =	sne.s32 s10, $0x12C00;
	s10 =	sadd.s32 $0x640, s10;
	_ =	swait.ge [sflag:s1], $0x1400  }
0x8d: {  	s11 =	sshra.s32 s11, $0x2;
	[sflag:s1] =	ssyncset.done $0x0  }
0x8e: {  	s12 =	sadd.s32 $0x4E20, s11;
	[sflag:s1] =	ssyncadd.s32 $0xFFFFEC00  }
0x8f: {  	[spmem:s2] =	stream.indirect.scatter.add.f32 [tilespmem:s25], [sflag:$0x6], $0x40, s12, s24, $0xb8;
	[tilespmem:$0x1B080] =	vst v63  }
0x90: {  	_ =	swait.ge [sflag:s3], $0x1400  }
0x91: {  	[sflag:s3] =	ssyncset.done $0x0  }
0x92: {  	s12 =	sadd.s32 $0x4E70, s11;
	[sflag:s3] =	ssyncadd.s32 $0xFFFFEC00  }
0x93: {  	[spmem:s2] =	stream.indirect.scatter.add.f32 [tilespmem:s26], [sflag:$0x7], $0x40, s12, s24, $0xb8;
	[tilespmem:$0x1B080] =	vst v63  }
0x94: {  	_ =	swait.ge [sflag:s4], $0x1400  }
0x95: {  	[sflag:s4] =	ssyncset.done $0x0  }
0x96: {  	s12 =	sadd.s32 $0x4EC0, s11;
	[sflag:s4] =	ssyncadd.s32 $0xFFFFEC00  }
0x97: {  	[spmem:s2] =	stream.indirect.scatter.add.f32 [tilespmem:s29], [sflag:$0x8], $0x40, s12, s24, $0xb8;
	[tilespmem:$0x1B080] =	vst v63  }
0x98: {  	_ =	swait.ge [sflag:s5], $0x1400  }
0x99: {  	[sflag:s5] =	ssyncset.done $0x0  }
0x9a: {  	s12 =	sadd.s32 $0x4F10, s11;
	[sflag:s5] =	ssyncadd.s32 $0xFFFFEC00  }
0x9b: {  	[spmem:s2] =	stream.indirect.scatter.add.f32 [tilespmem:s31], [sflag:$0x9], $0x40, s12, s24, $0xb8;
	[tilespmem:$0x1B080] =	vst v63  }
0x9c: {  	_ =	swait.ge [sflag:s19], $0x1400  }
0x9d: {  	[sflag:s19] =	ssyncset.done $0x0  }
0x9e: {  	s12 =	sadd.s32 $0x4F60, s11;
	[sflag:s19] =	ssyncadd.s32 $0xFFFFEC00  }
0x9f: {  	[spmem:s2] =	stream.indirect.scatter.add.f32 [tilespmem:s21], [sflag:$0xA], $0x40, s12, s24, $0xb8;
	[tilespmem:$0x1B080] =	vst v63  }
0xa0: {  	_ =	swait.ge [sflag:s28], $0x1400  }
0xa1: {  	[sflag:s28] =	ssyncset.done $0x0  }
0xa2: {  	s12 =	sadd.s32 $0x190, s11;
	[sflag:s28] =	ssyncadd.s32 $0xFFFFEC00  }
0xa3: {  	[tilespmem:s25], [sflag:$0x1] =	stream.indirect.gather [hbm4b:s15+s24], $0x40, s12, s24, $0xb8;
	[tilespmem:$0x1B080] =	vst v63  }
0xa4: {  	_ =	swait.ge [sflag:s30], $0x1400  }
0xa5: {  	[sflag:s30] =	ssyncset.done $0x0  }
0xa6: {  	s12 =	sadd.s32 $0x1E0, s11;
	[sflag:s30] =	ssyncadd.s32 $0xFFFFEC00  }
0xa7: {  	[tilespmem:s26], [sflag:$0x2] =	stream.indirect.gather [hbm4b:s15+s24], $0x40, s12, s24, $0xb8;
	[tilespmem:$0x1B080] =	vst v63  }
0xa8: {  	_ =	swait.ge [sflag:s0], $0x1400  }
0xa9: {  	[sflag:s0] =	ssyncset.done $0x0  }
0xaa: {  	s12 =	sadd.s32 $0x230, s11;
	[sflag:s0] =	ssyncadd.s32 $0xFFFFEC00  }
0xab: {  	[tilespmem:s29], [sflag:$0x3] =	stream.indirect.gather [hbm4b:s15+s24], $0x40, s12, s24, $0xb8;
	[tilespmem:$0x1B080] =	vst v63  }
0xac: {  	_ =	swait.ge [sflag:s7], $0x1400  }
0xad: {  	[sflag:s7] =	ssyncset.done $0x0  }
.Ltmp1:
0xae: {  	s12 =	sadd.s32 $0x280, s11;
	[sflag:s7] =	ssyncadd.s32 $0xFFFFEC00;
	(pc) =	sbr.rel @p1 .LBB2_4-.Ltmp1, $4  }
0xaf: {  	[tilespmem:s31], [sflag:$0x4] =	stream.indirect.gather [hbm4b:s15+s24], $0x40, s12, s24, $0xb8;
	[tilespmem:$0x1B080] =	vst v63  }
0xb0: {  	_ =	swait.ge [sflag:s8], $0x1400  }
0xb1: {  	[sflag:s8] =	ssyncset.done $0x0  }
0xb2: {  	s11 =	sadd.s32 $0x2D0, s11;
	[sflag:s8] =	ssyncadd.s32 $0xFFFFEC00  }
0xb3: {  	[tilespmem:s21], [sflag:$0x5] =	stream.indirect.gather [hbm4b:s15+s24], $0x40, s11, s24, $0xb8;
	[tilespmem:$0x1B080] =	vst v63  }
0xb4: {  	_ =	swait.ge [sflag:s1], $0x1400  }
0xb5: {  	[sflag:s1] =	ssyncset.done $0x0  }
0xb6: {  	s6 =	simm.s32 $0x9AB0;
	[sflag:s1] =	ssyncadd.s32 $0xFFFFEC00  }
0xb7: {  	[spmem:s2] =	stream.indirect.scatter.add.f32 [tilespmem:s25], [sflag:$0x6], $0x40, s6, s24, $0xb8;
	[tilespmem:$0x1B080] =	vst v63  }
0xb8: {  	_ =	swait.ge [sflag:s3], $0x1400  }
0xb9: {  	[sflag:s3] =	ssyncset.done $0x0  }
0xba: {  	s12 =	simm.s32 $0x9B00;
	[sflag:s3] =	ssyncadd.s32 $0xFFFFEC00  }
0xbb: {  	[spmem:s2] =	stream.indirect.scatter.add.f32 [tilespmem:s26], [sflag:$0x7], $0x40, s12, s24, $0xb8;
	[tilespmem:$0x1B080] =	vst v63  }
0xbc: {  	_ =	swait.ge [sflag:s4], $0x1400  }
0xbd: {  	[sflag:s4] =	ssyncset.done $0x0  }
0xbe: {  	s13 =	simm.s32 $0x9B50;
	[sflag:s4] =	ssyncadd.s32 $0xFFFFEC00  }
0xbf: {  	[spmem:s2] =	stream.indirect.scatter.add.f32 [tilespmem:s29], [sflag:$0x8], $0x40, s13, s24, $0xb8;
	[tilespmem:$0x1B080] =	vst v63  }
0xc0: {  	_ =	swait.ge [sflag:s5], $0x1400  }
0xc1: {  	[sflag:s5] =	ssyncset.done $0x0  }
0xc2: {  	s14 =	simm.s32 $0x9BA0;
	[sflag:s5] =	ssyncadd.s32 $0xFFFFEC00  }
0xc3: {  	[spmem:s2] =	stream.indirect.scatter.add.f32 [tilespmem:s31], [sflag:$0x9], $0x40, s14, s24, $0xb8;
	[tilespmem:$0x1B080] =	vst v63  }
0xc4: {  	_ =	swait.ge [sflag:s19], $0x1400  }
0xc5: {  	[sflag:s19] =	ssyncset.done $0x0  }
0xc6: {  	s16 =	simm.s32 $0x9BF0;
	[sflag:s19] =	ssyncadd.s32 $0xFFFFEC00  }
0xc7: {  	[spmem:s2] =	stream.indirect.scatter.add.f32 [tilespmem:s21], [sflag:$0xA], $0x40, s16, s24, $0xb8;
	[tilespmem:$0x1B080] =	vst v63  }
0xc8: {  	_ =	swait.ge [sflag:s28], $0x1400  }
0xc9: {  	[sflag:s28] =	ssyncset.done $0x0  }
0xca: {  	[sflag:s28] =	ssyncadd.s32 $0xFFFFEC00  }
0xcb: {  	_ =	swait.ge [sflag:s30], $0x1400  }
0xcc: {  	[sflag:s30] =	ssyncset.done $0x0  }
0xcd: {  	[sflag:s30] =	ssyncadd.s32 $0xFFFFEC00  }
0xce: {  	_ =	swait.ge [sflag:s0], $0x1400  }
0xcf: {  	[sflag:s0] =	ssyncset.done $0x0  }
0xd0: {  	[sflag:s0] =	ssyncadd.s32 $0xFFFFEC00  }
0xd1: {  	_ =	swait.ge [sflag:s7], $0x1400  }
0xd2: {  	[sflag:s7] =	ssyncset.done $0x0  }
0xd3: {  	[sflag:s7] =	ssyncadd.s32 $0xFFFFEC00  }
0xd4: {  	_ =	swait.ge [sflag:s8], $0x1400  }
0xd5: {  	[sflag:s8] =	ssyncset.done $0x0  }
0xd6: {  	[sflag:s8] =	ssyncadd.s32 $0xFFFFEC00  }
0xd7: {  	s10 =	stileid.u32;
	[bflag:$0x0] =	sbarrier.arrive $0xFFFF  }
0xd8: {  	s10 =	sshll.u32 s10, $0x6;
	s13 =	rddreg [dreg:$0xd]  }
0xd9: {  	s10 =	sor.u32 $0x1C0C, s10;
	s14 =	rddreg [dreg:$0xf]  }
0xda: {  	s17 =	sadd.s32 s18, s13;
	s12 =	sshrl.u32 s14, $0x3;
	s18 =	simm.s32 $0x20  }
0xdb: {  	[hbm:s17@s18], [sflag:s10] =	dma.strided [spmem:s12@s0], $0x1380, s1, $0x8   }
0xdc: {  	s16 =	simm.s32 @!p0 $0x1;
	s13 =	sadd.s32 @!p0 $0x4E000, s13;
	_ =	swait.ge [sflag:s20], $0x1380  }
0xdd: {  	s17 =	simm.s32 @!p0 $0x20;
	[sflag:s20] =	ssyncset.done $0x0;
	s6 =	rddreg [dreg:$0xe]  }
0xde: {  	s18 =	simm.s32 @!p0 $0x8;
	[sflag:s20] =	ssyncadd.s32 $0xFFFFEC80;
	s11 =	sshrl.u32 @!p0 s6, $0x3  }
0xdf: {  	[hbm:s13@s17], [sflag:s10] =	dma.strided @!p0 [spmem:s11@s18], $0x80, s16, $0x8   }
0xe0: {  	s13 =	simm.s32 @!p0 $0xC  }
0xe1: {  	_ =	swait.ge @!p0 [sflag:s13], $0x80  }
0xe2: {  	[sflag:s13] =	ssyncset.done @!p0 $0x0  }
0xe3: {  	[sflag:s13] =	ssyncadd.s32 @!p0 $0xFFFFFF80  }
0xe4: {  	[bflag:$0x0] =	sbarrier.arrive $0xFFFF  }
0xe5: {  	[spmem:s14] =	stream.linear.scatter [tilespmem:s22], [sflag:$0xB], $0x1400, $0x38;
	[tilespmem:$0x1B080] =	vst v63  }
0xe6: {  	s16 =	rddreg [dreg:$0x6]  }
0xe7: {  	[spmem:s16] =	stream.linear.scatter [tilespmem:s22], [sflag:$0xB], $0x1400, $0x38;
	[tilespmem:$0x1B080] =	vst v63  }
0xe8: {  	s17 =	rddreg [dreg:$0x7]  }
0xe9: {  	[spmem:s17] =	stream.linear.scatter [tilespmem:s22], [sflag:$0xB], $0x1400, $0x38;
	[tilespmem:$0x1B080] =	vst v63  }
0xea: {  	s18 =	rddreg [dreg:$0x8]  }
0xeb: {  	[spmem:s18] =	stream.linear.scatter [tilespmem:s22], [sflag:$0xB], $0x1400, $0x38;
	[tilespmem:$0x1B080] =	vst v63  }
0xec: {  	s14 =	rddreg [dreg:$0x9]  }
0xed: {  	[spmem:s14] =	stream.linear.scatter [tilespmem:s22], [sflag:$0xB], $0x1400, $0x38;
	[tilespmem:$0x1B080] =	vst v63  }
0xee: {  	s16 =	rddreg [dreg:$0xa]  }
0xef: {  	[spmem:s16] =	stream.linear.scatter [tilespmem:s22], [sflag:$0xB], $0x1400, $0x38;
	[tilespmem:$0x1B080] =	vst v63  }
0xf0: {  	s17 =	rddreg [dreg:$0xb]  }
0xf1: {  	[spmem:s17] =	stream.linear.scatter [tilespmem:s22], [sflag:$0xB], $0x1400, $0x38;
	[tilespmem:$0x1B080] =	vst v63  }
0xf2: {  	s18 =	rddreg [dreg:$0xc]  }
0xf3: {  	[spmem:s18] =	stream.linear.scatter [tilespmem:s22], [sflag:$0xB], $0x1000, $0x38;
	[tilespmem:$0x1B080] =	vst v63  }
0xf4: {  	_ =	swait.ge [sflag:s23], $0x1400  }
0xf5: {  	[sflag:s23] =	ssyncset.done $0x0  }
0xf6: {  	[sflag:s23] =	ssyncadd.s32 $0xFFFFEC00  }
0xf7: {  	_ =	swait.ge [sflag:s23], $0x1400  }
0xf8: {  	[sflag:s23] =	ssyncset.done $0x0  }
0xf9: {  	[sflag:s23] =	ssyncadd.s32 $0xFFFFEC00  }
0xfa: {  	_ =	swait.ge [sflag:s23], $0x1400  }
0xfb: {  	[sflag:s23] =	ssyncset.done $0x0  }
0xfc: {  	[sflag:s23] =	ssyncadd.s32 $0xFFFFEC00  }
0xfd: {  	_ =	swait.ge [sflag:s23], $0x1400  }
0xfe: {  	[sflag:s23] =	ssyncset.done $0x0  }
0xff: {  	[sflag:s23] =	ssyncadd.s32 $0xFFFFEC00  }
0x100: {  	_ =	swait.ge [sflag:s23], $0x1400  }
0x101: {  	[sflag:s23] =	ssyncset.done $0x0  }
0x102: {  	[sflag:s23] =	ssyncadd.s32 $0xFFFFEC00  }
0x103: {  	_ =	swait.ge [sflag:s23], $0x1400  }
0x104: {  	[sflag:s23] =	ssyncset.done $0x0  }
0x105: {  	[sflag:s23] =	ssyncadd.s32 $0xFFFFEC00  }
0x106: {  	_ =	swait.ge [sflag:s23], $0x1400  }
0x107: {  	[sflag:s23] =	ssyncset.done $0x0  }
0x108: {  	[sflag:s23] =	ssyncadd.s32 $0xFFFFEC00  }
0x109: {  	_ =	swait.ge [sflag:s23], $0x1000  }
0x10a: {  	[sflag:s23] =	ssyncset.done $0x0  }
0x10b: {  	s13 =	simm.s32 @!p0 $0x10040;
	[sflag:s23] =	ssyncadd.s32 $0xFFFFF000  }
0x10c: {  	[spmem:s6] =	stream.linear.scatter @!p0 [tilespmem:s13], [sflag:$0xB], $0x400, $0x38;
	[tilespmem:$0x1B080] =	vst v63  }
0x10d: {  	s13 =	simm.s32 @!p0 $0xB  }
0x10e: {  	_ =	swait.ge @!p0 [sflag:s13], $0x400  }
0x10f: {  	[sflag:s13] =	ssyncset.done @!p0 $0x0  }
0x110: {  	[sflag:s13] =	ssyncadd.s32 @!p0 $0xFFFFFC00  }
0x111: {  	s14 =	simm.s32 $0x0;
	s13 =	sadd.s32 $0x13880, s15;
	[bflag:$0x0] =	sbarrier.arrive $0xFFFF  }
0x112: {  	[tilespmem:s25], [sflag:$0x1] =	stream.indirect.gather [hbm4b:s13+s24], $0x40, s14, s24, $0xb8;
	[tilespmem:$0x1B080] =	vst v63  }
0x113: {  	_ = 	snop  }
0x114: {  	[tilespmem:s26], [sflag:$0x2] =	stream.indirect.gather [hbm4b:s13+s24], $0x40, s24, s24, $0xb8;
	[tilespmem:$0x1B080] =	vst v63  }
0x115: {  	s14 =	simm.s32 $0xA0  }
0x116: {  	[tilespmem:s29], [sflag:$0x3] =	stream.indirect.gather [hbm4b:s13+s24], $0x40, s14, s24, $0xb8;
	[tilespmem:$0x1B080] =	vst v63  }
0x117: {  	s17 =	simm.s32 $0xF0  }
0x118: {  	[tilespmem:s31], [sflag:$0x4] =	stream.indirect.gather [hbm4b:s13+s24], $0x40, s17, s24, $0xb8;
	[tilespmem:$0x1B080] =	vst v63  }
0x119: {  	s18 =	simm.s32 $0x140  }
0x11a: {  	[tilespmem:s21], [sflag:$0x5] =	stream.indirect.gather [hbm4b:s13+s24], $0x40, s18, s24, $0xb8;
	[tilespmem:$0x1B080] =	vst v63  }
0x11b: {  	_ =	swait.ge [sflag:s1], $0x1400  }
0x11c: {  	[sflag:s1] =	ssyncset.done $0x0  }
0x11d: {  	s6 =	simm.s32 $0x4E20;
	[sflag:s1] =	ssyncadd.s32 $0xFFFFEC00  }
0x11e: {  	[spmem:s2] =	stream.indirect.scatter.add.f32 [tilespmem:s25], [sflag:$0x6], $0x40, s6, s24, $0xb8;
	[tilespmem:$0x1B080] =	vst v63  }
0x11f: {  	_ =	swait.ge [sflag:s3], $0x1400  }
0x120: {  	[sflag:s3] =	ssyncset.done $0x0  }
0x121: {  	s17 =	simm.s32 $0x4E70;
	[sflag:s3] =	ssyncadd.s32 $0xFFFFEC00  }
0x122: {  	[spmem:s2] =	stream.indirect.scatter.add.f32 [tilespmem:s26], [sflag:$0x7], $0x40, s17, s24, $0xb8;
	[tilespmem:$0x1B080] =	vst v63  }
0x123: {  	_ =	swait.ge [sflag:s4], $0x1400  }
0x124: {  	[sflag:s4] =	ssyncset.done $0x0  }
0x125: {  	s18 =	simm.s32 $0x4EC0;
	[sflag:s4] =	ssyncadd.s32 $0xFFFFEC00  }
0x126: {  	[spmem:s2] =	stream.indirect.scatter.add.f32 [tilespmem:s29], [sflag:$0x8], $0x40, s18, s24, $0xb8;
	[tilespmem:$0x1B080] =	vst v63  }
0x127: {  	_ =	swait.ge [sflag:s5], $0x1400  }
0x128: {  	[sflag:s5] =	ssyncset.done $0x0  }
0x129: {  	s6 =	simm.s32 $0x4F10;
	[sflag:s5] =	ssyncadd.s32 $0xFFFFEC00  }
0x12a: {  	[spmem:s2] =	stream.indirect.scatter.add.f32 [tilespmem:s31], [sflag:$0x9], $0x40, s6, s24, $0xb8;
	[tilespmem:$0x1B080] =	vst v63  }
0x12b: {  	_ =	swait.ge [sflag:s19], $0x1400  }
0x12c: {  	[sflag:s19] =	ssyncset.done $0x0  }
0x12d: {  	s17 =	simm.s32 $0x4F60;
	[sflag:s19] =	ssyncadd.s32 $0xFFFFEC00  }
0x12e: {  	[spmem:s2] =	stream.indirect.scatter.add.f32 [tilespmem:s21], [sflag:$0xA], $0x40, s17, s24, $0xb8;
	[tilespmem:$0x1B080] =	vst v63  }
0x12f: {  	_ =	swait.ge [sflag:s28], $0x1400  }
0x130: {  	[sflag:s28] =	ssyncset.done $0x0  }
0x131: {  	s18 =	simm.s32 $0x190;
	[sflag:s28] =	ssyncadd.s32 $0xFFFFEC00  }
0x132: {  	[tilespmem:s25], [sflag:$0x1] =	stream.indirect.gather [hbm4b:s13+s24], $0x40, s18, s24, $0xb8;
	[tilespmem:$0x1B080] =	vst v63  }
0x133: {  	_ =	swait.ge [sflag:s30], $0x1400  }
0x134: {  	[sflag:s30] =	ssyncset.done $0x0  }
0x135: {  	s6 =	simm.s32 $0x1E0;
	[sflag:s30] =	ssyncadd.s32 $0xFFFFEC00  }
0x136: {  	[tilespmem:s26], [sflag:$0x2] =	stream.indirect.gather [hbm4b:s13+s24], $0x40, s6, s24, $0xb8;
	[tilespmem:$0x1B080] =	vst v63  }
0x137: {  	_ =	swait.ge [sflag:s0], $0x1400  }
0x138: {  	[sflag:s0] =	ssyncset.done $0x0  }
0x139: {  	s17 =	simm.s32 $0x230;
	[sflag:s0] =	ssyncadd.s32 $0xFFFFEC00  }
0x13a: {  	[tilespmem:s29], [sflag:$0x3] =	stream.indirect.gather [hbm4b:s13+s24], $0x40, s17, s24, $0xb8;
	[tilespmem:$0x1B080] =	vst v63  }
0x13b: {  	_ =	swait.ge [sflag:s7], $0x1400  }
0x13c: {  	[sflag:s7] =	ssyncset.done $0x0  }
0x13d: {  	s18 =	simm.s32 $0x280;
	[sflag:s7] =	ssyncadd.s32 $0xFFFFEC00  }
0x13e: {  	[tilespmem:s31], [sflag:$0x4] =	stream.indirect.gather [hbm4b:s13+s24], $0x40, s18, s24, $0xb8;
	[tilespmem:$0x1B080] =	vst v63  }
0x13f: {  	_ =	swait.ge [sflag:s8], $0x1400  }
0x140: {  	[sflag:s8] =	ssyncset.done $0x0  }
0x141: {  	s16 =	simm.s32 $0x640;
	s17 =	simm.s32 $0x2D0;
	[sflag:s8] =	ssyncadd.s32 $0xFFFFEC00  }
.LBB2_6:
0x142: {  	[tilespmem:s21], [sflag:$0x5] =	stream.indirect.gather [hbm4b:s13+s24], $0x40, s17, s24, $0xb8;
	[tilespmem:$0x1B080] =	vst v63  }
0x143: {  	s17 =	smov.u32 s16  }
0x144: {  	p1 =	sne.s32 s16, $0x12C00;
	s16 =	sadd.s32 $0x640, s16;
	_ =	swait.ge [sflag:s1], $0x1400  }
0x145: {  	s17 =	sshra.s32 s17, $0x2;
	[sflag:s1] =	ssyncset.done $0x0  }
0x146: {  	s18 =	sadd.s32 $0x4E20, s17;
	[sflag:s1] =	ssyncadd.s32 $0xFFFFEC00  }
0x147: {  	[spmem:s2] =	stream.indirect.scatter.add.f32 [tilespmem:s25], [sflag:$0x6], $0x40, s18, s24, $0xb8;
	[tilespmem:$0x1B080] =	vst v63  }
0x148: {  	_ =	swait.ge [sflag:s3], $0x1400  }
0x149: {  	[sflag:s3] =	ssyncset.done $0x0  }
0x14a: {  	s18 =	sadd.s32 $0x4E70, s17;
	[sflag:s3] =	ssyncadd.s32 $0xFFFFEC00  }
0x14b: {  	[spmem:s2] =	stream.indirect.scatter.add.f32 [tilespmem:s26], [sflag:$0x7], $0x40, s18, s24, $0xb8;
	[tilespmem:$0x1B080] =	vst v63  }
0x14c: {  	_ =	swait.ge [sflag:s4], $0x1400  }
0x14d: {  	[sflag:s4] =	ssyncset.done $0x0  }
0x14e: {  	s18 =	sadd.s32 $0x4EC0, s17;
	[sflag:s4] =	ssyncadd.s32 $0xFFFFEC00  }
0x14f: {  	[spmem:s2] =	stream.indirect.scatter.add.f32 [tilespmem:s29], [sflag:$0x8], $0x40, s18, s24, $0xb8;
	[tilespmem:$0x1B080] =	vst v63  }
0x150: {  	_ =	swait.ge [sflag:s5], $0x1400  }
0x151: {  	[sflag:s5] =	ssyncset.done $0x0  }
0x152: {  	s18 =	sadd.s32 $0x4F10, s17;
	[sflag:s5] =	ssyncadd.s32 $0xFFFFEC00  }
0x153: {  	[spmem:s2] =	stream.indirect.scatter.add.f32 [tilespmem:s31], [sflag:$0x9], $0x40, s18, s24, $0xb8;
	[tilespmem:$0x1B080] =	vst v63  }
0x154: {  	_ =	swait.ge [sflag:s19], $0x1400  }
0x155: {  	[sflag:s19] =	ssyncset.done $0x0  }
0x156: {  	s18 =	sadd.s32 $0x4F60, s17;
	[sflag:s19] =	ssyncadd.s32 $0xFFFFEC00  }
0x157: {  	[spmem:s2] =	stream.indirect.scatter.add.f32 [tilespmem:s21], [sflag:$0xA], $0x40, s18, s24, $0xb8;
	[tilespmem:$0x1B080] =	vst v63  }
0x158: {  	_ =	swait.ge [sflag:s28], $0x1400  }
0x159: {  	[sflag:s28] =	ssyncset.done $0x0  }
0x15a: {  	s18 =	sadd.s32 $0x190, s17;
	[sflag:s28] =	ssyncadd.s32 $0xFFFFEC00  }
0x15b: {  	[tilespmem:s25], [sflag:$0x1] =	stream.indirect.gather [hbm4b:s13+s24], $0x40, s18, s24, $0xb8;
	[tilespmem:$0x1B080] =	vst v63  }
0x15c: {  	_ =	swait.ge [sflag:s30], $0x1400  }
0x15d: {  	[sflag:s30] =	ssyncset.done $0x0  }
0x15e: {  	s18 =	sadd.s32 $0x1E0, s17;
	[sflag:s30] =	ssyncadd.s32 $0xFFFFEC00  }
0x15f: {  	[tilespmem:s26], [sflag:$0x2] =	stream.indirect.gather [hbm4b:s13+s24], $0x40, s18, s24, $0xb8;
	[tilespmem:$0x1B080] =	vst v63  }
0x160: {  	_ =	swait.ge [sflag:s0], $0x1400  }
0x161: {  	[sflag:s0] =	ssyncset.done $0x0  }
0x162: {  	s18 =	sadd.s32 $0x230, s17;
	[sflag:s0] =	ssyncadd.s32 $0xFFFFEC00  }
0x163: {  	[tilespmem:s29], [sflag:$0x3] =	stream.indirect.gather [hbm4b:s13+s24], $0x40, s18, s24, $0xb8;
	[tilespmem:$0x1B080] =	vst v63  }
0x164: {  	_ =	swait.ge [sflag:s7], $0x1400  }
0x165: {  	[sflag:s7] =	ssyncset.done $0x0  }
.Ltmp2:
0x166: {  	s18 =	sadd.s32 $0x280, s17;
	[sflag:s7] =	ssyncadd.s32 $0xFFFFEC00;
	(pc) =	sbr.rel @p1 .LBB2_6-.Ltmp2, $4  }
0x167: {  	[tilespmem:s31], [sflag:$0x4] =	stream.indirect.gather [hbm4b:s13+s24], $0x40, s18, s24, $0xb8;
	[tilespmem:$0x1B080] =	vst v63  }
0x168: {  	_ =	swait.ge [sflag:s8], $0x1400  }
0x169: {  	[sflag:s8] =	ssyncset.done $0x0  }
0x16a: {  	s17 =	sadd.s32 $0x2D0, s17;
	[sflag:s8] =	ssyncadd.s32 $0xFFFFEC00  }
0x16b: {  	[tilespmem:s21], [sflag:$0x5] =	stream.indirect.gather [hbm4b:s13+s24], $0x40, s17, s24, $0xb8;
	[tilespmem:$0x1B080] =	vst v63  }
0x16c: {  	_ =	swait.ge [sflag:s1], $0x1400  }
0x16d: {  	[sflag:s1] =	ssyncset.done $0x0  }
0x16e: {  	s6 =	simm.s32 $0x9AB0;
	[sflag:s1] =	ssyncadd.s32 $0xFFFFEC00  }
0x16f: {  	[spmem:s2] =	stream.indirect.scatter.add.f32 [tilespmem:s25], [sflag:$0x6], $0x40, s6, s24, $0xb8;
	[tilespmem:$0x1B080] =	vst v63  }
0x170: {  	_ =	swait.ge [sflag:s3], $0x1400  }
0x171: {  	[sflag:s3] =	ssyncset.done $0x0  }
0x172: {  	s17 =	simm.s32 $0x9B00;
	[sflag:s3] =	ssyncadd.s32 $0xFFFFEC00  }
0x173: {  	[spmem:s2] =	stream.indirect.scatter.add.f32 [tilespmem:s26], [sflag:$0x7], $0x40, s17, s24, $0xb8;
	[tilespmem:$0x1B080] =	vst v63  }
0x174: {  	_ =	swait.ge [sflag:s4], $0x1400  }
0x175: {  	[sflag:s4] =	ssyncset.done $0x0  }
0x176: {  	s18 =	simm.s32 $0x9B50;
	[sflag:s4] =	ssyncadd.s32 $0xFFFFEC00  }
0x177: {  	[spmem:s2] =	stream.indirect.scatter.add.f32 [tilespmem:s29], [sflag:$0x8], $0x40, s18, s24, $0xb8;
	[tilespmem:$0x1B080] =	vst v63  }
0x178: {  	_ =	swait.ge [sflag:s5], $0x1400  }
0x179: {  	[sflag:s5] =	ssyncset.done $0x0  }
0x17a: {  	s13 =	simm.s32 $0x9BA0;
	[sflag:s5] =	ssyncadd.s32 $0xFFFFEC00  }
0x17b: {  	[spmem:s2] =	stream.indirect.scatter.add.f32 [tilespmem:s31], [sflag:$0x9], $0x40, s13, s24, $0xb8;
	[tilespmem:$0x1B080] =	vst v63  }
0x17c: {  	_ =	swait.ge [sflag:s19], $0x1400  }
0x17d: {  	[sflag:s19] =	ssyncset.done $0x0  }
0x17e: {  	s16 =	simm.s32 $0x9BF0;
	[sflag:s19] =	ssyncadd.s32 $0xFFFFEC00  }
0x17f: {  	[spmem:s2] =	stream.indirect.scatter.add.f32 [tilespmem:s21], [sflag:$0xA], $0x40, s16, s24, $0xb8;
	[tilespmem:$0x1B080] =	vst v63  }
0x180: {  	_ =	swait.ge [sflag:s28], $0x1400  }
0x181: {  	[sflag:s28] =	ssyncset.done $0x0  }
0x182: {  	[sflag:s28] =	ssyncadd.s32 $0xFFFFEC00  }
0x183: {  	_ =	swait.ge [sflag:s30], $0x1400  }
0x184: {  	[sflag:s30] =	ssyncset.done $0x0  }
0x185: {  	[sflag:s30] =	ssyncadd.s32 $0xFFFFEC00  }
0x186: {  	_ =	swait.ge [sflag:s0], $0x1400  }
0x187: {  	[sflag:s0] =	ssyncset.done $0x0  }
0x188: {  	[sflag:s0] =	ssyncadd.s32 $0xFFFFEC00  }
0x189: {  	_ =	swait.ge [sflag:s7], $0x1400  }
0x18a: {  	[sflag:s7] =	ssyncset.done $0x0  }
0x18b: {  	[sflag:s7] =	ssyncadd.s32 $0xFFFFEC00  }
0x18c: {  	_ =	swait.ge [sflag:s8], $0x1400  }
0x18d: {  	[sflag:s8] =	ssyncset.done $0x0  }
0x18e: {  	[sflag:s8] =	ssyncadd.s32 $0xFFFFEC00  }
0x18f: {  	[bflag:$0x0] =	sbarrier.arrive $0xFFFF  }
0x190: {  	s18 =	rddreg [dreg:$0x10]  }
0x191: {  	s6 =	rddreg [dreg:$0x11]  }
0x192: {  	s16 =	simm.s32 $0x20;
	s17 =	sadd.s32 s18, s6  }
0x193: {  	[hbm:s17@s16], [sflag:s10] =	dma.strided [spmem:s12@s0], $0x1380, s1, $0x8   }
0x194: {  	_ =	swait.ge [sflag:s20], $0x1380  }
0x195: {  	s13 =	simm.s32 @!p0 $0x1;
	s12 =	sadd.s32 @!p0 $0x4E000, s6;
	[sflag:s20] =	ssyncset.done $0x0  }
0x196: {  	s16 =	simm.s32 @!p0 $0x20;
	s17 =	simm.s32 @!p0 $0x8;
	[sflag:s20] =	ssyncadd.s32 $0xFFFFEC80  }
0x197: {  	[hbm:s12@s16], [sflag:s10] =	dma.strided @!p0 [spmem:s11@s17], $0x80, s13, $0x8   }
0x198: {  	s10 =	simm.s32 @!p0 $0xC  }
0x199: {  	_ =	swait.ge @!p0 [sflag:s10], $0x80  }
0x19a: {  	s9 =	sadd.s32 $0x1, s9;
	s17 =	rddreg [dreg:$0x12]  }
0x19b: {  	p1 =	sne.s32 s9, s17  }
.Ltmp3:
0x19c: {  	_ = 	snop;
	(pc) =	sbr.rel @p1 .LBB2_1-.Ltmp3, $3  }
0x19d: {  	[sflag:s10] =	ssyncset.done @!p0 $0x0  }
0x19e: {  	[sflag:s10] =	ssyncadd.s32 @!p0 $0xFFFFFF80  }
0x19f: {  	[bflag:$0x0] =	sbarrier.arrive $0xFFFF;
	_ =	sdelay $0x1  }
0x1a0: {  	_ =	sfence.sel $0x180000  }
0x1a1: {  	[bflag:$0x0] =	sbarrier.arrive $0xFFFF  }
0x1a2: {  	_ =	strace $0x9000004A  }
0x1a3: {  	s0 =	stileid.u32;
	[bflag:$0x2] =	sbarrier.arrive $0xFFFF  }
0x1a4: {  	p0 =	sne.s32 s0, $0x0;
	s0 =	rddreg [dreg:$0x3]  }
0x1a5: {  	s0 =	sadd.s32 @!p0 $0x100000, s0  }
0x1a6: {  	[sflag:s0] =	ssyncadd.tile.s32 @!p0 $0x1;
	_ =	shalt  }
.Lfunc_end2:
_tile_overlayer_lowered:
.L_overlay_start_2:
0x1a7: {  	(tag) =	ssettag $0x2  }
0x1a8: {  	s0 =	rddreg [dreg:$0x0];
	s2 =	stileid.u32  }
0x1a9: {  	s1 =	rddreg [dreg:$0x1];
	p0 =	sne.s32 s2, $0x0  }
0x1aa: {  	s3 =	rddreg [dreg:$0x2];
	[bflag:$0x3] =	sbarrier.arrive $0xFFFF;
	s2 =	simm.s32 @!p0 $0x1C0C  }
0x1ab: {  	[timem:s3], [sflag:s2] =	dma.local @!p0 [hbm:s0], s1  }
0x1ac: {  	s0 =	simm.s32 @!p0 $0xC  }
0x1ad: {  	_ =	swait.ge @!p0 [sflag:s0], s1  }
0x1ae: {  	s1 =	ssub.s32 @!p0 $0x0, s1;
	[sflag:s0] =	ssyncset.done @!p0 $0x0  }
0x1af: {  	[sflag:s0] =	ssyncadd.s32 @!p0 s1  }
0x1b0: {  	[bflag:$0x3] =	sbarrier.arrive $0xFFFF  }
0x1b1: {  	_ =	shalt  }

// kernel: kernel.5.cloned.1.call-start
scs
__scs_entry_jumppad:
0x0: {  	(pc) =	sbr.rel $0x88, $3  }
0x1: {  	(tag) =	ssettag $0x0;
	lr =	simm.s32 $0x1  }
0x2: {  	[smem:$0x3F9C] =	sst lr;
	_ =	strace $0xD0000000  }
0x3: {  	_ = 	snop  }
0x4: {  	_ = 	snop  }
0x5: {  	_ = 	snop  }
0x6: {  	_ = 	snop  }
0x7: {  	_ = 	snop  }
__scs_overlays_trampoline_lowered:
0x8: {  	[smem:$0x3FAB] =	sst s0  }
0x9: {  	[smem:$0x3FAC] =	sst s1  }
0xa: {  	[smem:$0x3FAD] =	sst s2  }
0xb: {  	[smem:$0x3FAE] =	sst s3  }
0xc: {  	[smem:$0x3FAF] =	sst s4  }
0xd: {  	[smem:$0x3FB0] =	sst s5  }
0xe: {  	[smem:$0x3FB1] =	sst s6  }
0xf: {  	[smem:$0x3FB2] =	sst s7  }
0x10: {  	[smem:$0x3FB3] =	sst s8  }
0x11: {  	[smem:$0x3FB4] =	sst s9;
	s0 =	simm.s32 @!p0 $0x0  }
0x12: {  	s1 =	sld [smem:$0x3F9A];
	s0 =	simm.s32 @p0 $0x1  }
0x13: {  	[smem:$0x3FB5] =	sst s0;
	s0 =	simm.s32 @!p1 $0x0  }
0x14: {  	s2 =	sld [smem:$0x3F99];
	s0 =	simm.s32 @p1 $0x1  }
0x15: {  	[smem:$0x3FB6] =	sst s0;
	s0 =	simm.s32 @!p2 $0x0  }
0x16: {  	s3 =	sld [smem:$0x3FDB];
	s0 =	simm.s32 @p2 $0x1  }
0x17: {  	s4 =	simm.s32 $0x1BF5;
	[smem:$0x3FB8] =	sst s0  }
0x18: {  	s0 =	sld [smem:$0x3F9B];
	_ =	swait.ge [sflag:s4], $0x0  }
0x19: {  	s7 =	sld [smem:$0x3F9C]  }
0x1a: {  	s8 =	sadd.s32 $0xFFFFE003, lr  }
0x1b: {  	s9 =	sadd.s32 $0xFFFFFEF7, lr;
	s5 =	simm.s32 $0xFFFFFFFF;
	p2 =	slt.u32 s8, $0xFFFFF086  }
0x1c: {  	p1 =	slt.u32 s9, $0xF7A;
	s5 =	simm.s32 @!p2 $0x0  }
0x1d: {  	s5 =	simm.s32 @p1 $0x1;
	p0 =	seq.s32 s7, s2  }
0x1e: {  	s7 =	smul.u32 @!p0 $0xF7A, s2;
	p2 =	seq.s32 @!p0 s5, $0x0  }
0x1f: {  	s9 =	smul.u32 $0xF7A, s1;
	s8 =	simm.s32 @!p0 $0x1BF5;
	p2 =	por !p2, p0  }
0x20: {  	[sflag:s8] =	ssyncset.s32 @!p0 $0xFFFFF086;
	s6 =	sadd.s32 @!p0 s3, s7;
	s7 =	simm.s32 @!p0 $0x108  }
0x21: {  	s3 =	sadd.s32 s3, s9;
	s6 =	sadd.s32 @!p0 $0x88, s6;
	s7 =	simm.s32 @p2 $0x1082  }
0x22: {  	[simem:s7], [sflag:s8] =	dma.local @!p0 [hbm:s6], $0xF7A  }
0x23: {  	s9 =	sor.u32 $0xD0000000, s2;
	s6 =	simm.s32 $0x108;
	_ =	swait.ge @!p0 [sflag:s8], $0x0  }
0x24: {  	s3 =	sadd.s32 $0x88, s3;
	s6 =	simm.s32 @!p1 $0x1082;
	[sflag:s4] =	ssyncset.s32 $0xFFFFF086  }
0x25: {  	[simem:s6], [sflag:s4] =	dma.local [hbm:s3], $0xF7A  }
0x26: {  	[smem:$0x3F9C] =	sst s1;
	(tag) =	ssettag s2;
	_ =	strace s9  }
0x27: {  	s1 =	sld [smem:$0x3FAC]  }
0x28: {  	s2 =	sld [smem:$0x3FAD]  }
0x29: {  	s4 =	sld [smem:$0x3FAF]  }
0x2a: {  	p0 =	seq.s32 s5, $0x0;
	s5 =	sld [smem:$0x3FB0]  }
0x2b: {  	s6 =	sld [smem:$0x3FB1]  }
0x2c: {  	s7 =	sld [smem:$0x3FB2]  }
0x2d: {  	s3 =	simm.s32 $0x108;
	s8 =	sld [smem:$0x3FB3]  }
0x2e: {  	s3 =	simm.s32 @!p0 $0x1082;
	s9 =	sld [smem:$0x3FB4]  }
0x2f: {  	lr =	sadd.s32 s0, s3;
	s0 =	sld [smem:$0x3FAB]  }
0x30: {  	s3 =	sld [smem:$0x3FAE]  }
0x31: {  	[smem:$0x3FB7] =	sst s10  }
0x32: {  	s10 =	sld [smem:$0x3FB5];
	_ =	sdelay $0x3  }
0x33: {  	p0 =	seq.s32 s10, $0x1;
	s10 =	sld [smem:$0x3FB7];
	_ =	sdelay $0x3  }
0x34: {  	[smem:$0x3FB7] =	sst s10  }
0x35: {  	s10 =	sld [smem:$0x3FB6];
	_ =	sdelay $0x3  }
0x36: {  	p1 =	seq.s32 s10, $0x1;
	s10 =	sld [smem:$0x3FB7];
	_ =	sdelay $0x3  }
0x37: {  	[smem:$0x3FB7] =	sst s10  }
0x38: {  	s10 =	sld [smem:$0x3FB8]  }
0x39: {  	_ = 	snop;
	(pc) =	sbr.ind lr, $3  }
0x3a: {  	_ = 	snop  }
0x3b: {  	_ = 	snop  }
0x3c: {  	p2 =	seq.s32 s10, $0x1;
	s10 =	sld [smem:$0x3FB7]  }
0x3d: {  	_ =	shalt  }
0x3e: {  	_ =	shalt  }
0x3f: {  	_ =	shalt  }
0x40: {  	_ =	shalt  }
0x41: {  	_ =	shalt  }
0x42: {  	_ =	shalt  }
0x43: {  	_ =	shalt  }
0x44: {  	_ =	shalt  }
0x45: {  	_ =	shalt  }
0x46: {  	_ =	shalt  }
0x47: {  	_ =	shalt  }
0x48: {  	_ =	shalt  }
0x49: {  	_ =	shalt  }
0x4a: {  	_ =	shalt  }
0x4b: {  	_ =	shalt  }
0x4c: {  	_ =	shalt  }
0x4d: {  	_ =	shalt  }
0x4e: {  	_ =	shalt  }
0x4f: {  	_ =	shalt  }
0x50: {  	_ =	shalt  }
0x51: {  	_ =	shalt  }
0x52: {  	_ =	shalt  }
0x53: {  	_ =	shalt  }
0x54: {  	_ =	shalt  }
0x55: {  	_ =	shalt  }
0x56: {  	_ =	shalt  }
0x57: {  	_ =	shalt  }
0x58: {  	_ =	shalt  }
0x59: {  	_ =	shalt  }
0x5a: {  	_ =	shalt  }
0x5b: {  	_ =	shalt  }
0x5c: {  	_ =	shalt  }
0x5d: {  	_ =	shalt  }
0x5e: {  	_ =	shalt  }
0x5f: {  	_ =	shalt  }
0x60: {  	_ =	shalt  }
0x61: {  	_ =	shalt  }
0x62: {  	_ =	shalt  }
0x63: {  	_ =	shalt  }
0x64: {  	_ =	shalt  }
0x65: {  	_ =	shalt  }
0x66: {  	_ =	shalt  }
0x67: {  	_ =	shalt  }
0x68: {  	_ =	shalt  }
0x69: {  	_ =	shalt  }
0x6a: {  	_ =	shalt  }
0x6b: {  	_ =	shalt  }
0x6c: {  	_ =	shalt  }
0x6d: {  	_ =	shalt  }
0x6e: {  	_ =	shalt  }
0x6f: {  	_ =	shalt  }
0x70: {  	_ =	shalt  }
0x71: {  	_ =	shalt  }
0x72: {  	_ =	shalt  }
0x73: {  	_ =	shalt  }
0x74: {  	_ =	shalt  }
0x75: {  	_ =	shalt  }
0x76: {  	_ =	shalt  }
0x77: {  	_ =	shalt  }
0x78: {  	_ =	shalt  }
0x79: {  	_ =	shalt  }
0x7a: {  	_ =	shalt  }
0x7b: {  	_ =	shalt  }
0x7c: {  	_ =	shalt  }
0x7d: {  	_ =	shalt  }
0x7e: {  	_ =	shalt  }
0x7f: {  	_ =	shalt  }
0x80: {  	_ =	shalt  }
0x81: {  	_ =	shalt  }
0x82: {  	_ =	shalt  }
0x83: {  	_ =	shalt  }
0x84: {  	_ =	shalt  }
0x85: {  	_ =	shalt  }
0x86: {  	_ =	shalt  }
0x87: {  	_ =	shalt  }
.Lfunc_end0:
.L_simem_size_0:
called_computation.1_lowered:
.L_overlay_start_0:
0x88: {  	s2 =	sld [smem:$0x3FD9]  }
0x89: {  	s3 =	sld [smem:$0x3FFE];
	_ =	sdelay $0x1  }
0x8a: {  	s1 =	srdreg.scid  }
0x8b: {  	s0 =	sand.u32 $0x1, s1  }
0x8c: {  	s17 =	sshll.u32 s0, $0xA;
	s2 =	sadd.s32 s3, s2  }
0x8d: {  	s2 =	sadd.s32 s2, s17  }
0x8e: {  	[smem:$0x3FC3] =	sst s2  }
0x8f: {  	_ = 	snop  }
0x90: {  	s2 =	sld [smem:$0x3FD0];
	(tm) =	ssettm $0x1  }
0x91: {  	s18 =	sld [smem:$0x3FFB];
	_ =	sdelay $0x3  }
0x92: {  	_ =	strace s18  }
0x93: {  	s3 =	sld [smem:$0x3FFC];
	_ =	sdelay $0x3  }
0x94: {  	_ =	strace s3  }
0x95: {  	s3 =	sld [smem:$0x3FFD];
	_ =	sdelay $0x3  }
0x96: {  	_ =	strace s3  }
0x97: {  	_ =	strace $0x8FFFFFFF  }
0x98: {  	s19 =	sld [smem:$0x3FDB];
	_ =	sdelay $0x1  }
0x99: {  	s4 =	simm.s32 $_scs_section_size  }
0x9a: {  	s5 =	simm.s32 $_size__tile_overlayer_lowered;
	s6 =	simm.s32 $_tile_overlayer_lowered  }
0x9b: {  	s22 =	simm.s32 $0x1BFF;
	s21 =	sshll.u32 s6, $0x1;
	s3 =	sadd.s32 s4, s19  }
0x9c: {  	s7 =	simm.s32 $0x0;
	s20 =	sshll.u32 s5, $0x1;
	s5 =	sadd.s32 s21, s3  }
0x9d: {  	[timem:s7], [sflag:s22] =	dma.local [hbm:s5], s20  }
0x9e: {  	_ =	swait.ge [sflag:s22], s20  }
0x9f: {  	s4 =	ssub.s32 $0x0, s20;
	[sflag:s22] =	ssyncset.done $0x0  }
0xa0: {  	[sflag:s22] =	ssyncadd.s32 s4;
	_ =	sdelay $0x1  }
0xa1: {  	s23 =	simm.s32 $0x1B8B  }
0xa2: {  	_ =	swait.ge [sflag:s23], $0x1  }
0xa3: {  	[sflag:s23] =	ssyncset.done $0x0  }
0xa4: {  	s25 =	simm.s32 $0x1B8E;
	s24 =	sld [smem:$0x3FFE];
	[sflag:s23] =	ssyncadd.s32 $0xFFFFFFFF  }
0xa5: {  	s26 =	simm.s32 $execute0_lowered;
	[smem:$0x3FD2] =	sst s25  }
0xa6: {  	s5 =	sshll.u32 s26, $0x1;
	_ =	strace $0x80000046;
	[dreg:$0x1] =	wrdreg $0xFFFFFFFF  }
0xa7: {  	s28 =	simm.s32 $_size_execute0_lowered;
	s3 =	sadd.s32 s3, s5;
	[dreg:$0x0] =	wrdreg $0x0  }
0xa8: {  	s5 =	sshll.u32 s28, $0x1;
	[dreg:$0x2] =	wrdreg s3  }
0xa9: {  	[dreg:$0x3] =	wrdreg s5  }
0xaa: {  	[dreg:$0x4] =	wrdreg $0xC0  }
0xab: {  	_ =	task [dreg:s7], $0x5FFFF  }
0xac: {  	[dreg:$0x1] =	wrdreg $0xFFFFFFFF  }
0xad: {  	[dreg:$0x0] =	wrdreg $0x60  }
0xae: {  	[dreg:$0x2] =	wrdreg s2  }
0xaf: {  	[dreg:$0x3] =	wrdreg s24  }
0xb0: {  	[dreg:$0x4] =	wrdreg $0x31100  }
0xb1: {  	[dreg:$0x5] =	wrdreg $0x9  }
0xb2: {  	_ =	task.clear_ibuf [dreg:s7], $0x6FFFF;
	_ =	strace $0x90000046  }
0xb3: {  	s29 =	simm.s32 $0x9;
	_ =	strace $0x80000048  }
0xb4: {  	_ =	swait.ge [sflag:s29], $0x1  }
0xb5: {  	[sflag:s29] =	ssyncadd.s32 $0xFFFFFFFF  }
0xb6: {  	_ =	strace $0x90000048  }
0xb7: {  	_ =	sfence  }
0xb8: {  	s30 =	sld [smem:$0x0];
	_ =	sdelay $0x2  }
0xb9: {  	s31 =	sshll.u32 s1, $0xD;
	s1 =	sshrl.u32 s1, $0x2  }
0xba: {  	s3 =	sand.u32 $0x4000, s31;
	s1 =	sadd.s32 s1, s30  }
0xbb: {  	s0 =	sor.u32 s3, s0;
	s1 =	sshll.u32 s1, $0x11  }
0xbc: {  	s0 =	sor.u32 s1, s0  }
0xbd: {  	s0 =	sadd.s32 $0x8F2B, s0  }
0xbe: {  	[sflag:s0] =	ssyncadd.remote.s32 $0x1  }
0xbf: {  	_ =	sfence.sel $0xFFFF  }
0xc0: {  	[dreg:$0x0] =	wrdreg $0xFFFFFFFF;
	(pc) =	sbr.abs _section_cstart, $3  }
0xc1: {  	[dreg:$0x1] =	wrdreg $0xFFFFFFFF  }
0xc2: {  	_ =	task.clear_ibuf [dreg:s7], $0x2FFFF;
	_ =	strace $0x9FFFFFFF  }
0xc3: {  	(tm) =	ssettm $0x7FFFFFFF  }
tec
execute0_lowered:
.L_overlay_start_1:
0x0: {  	(tag) =	ssettag $0x1  }
0x1: {  	s13 =	rddreg [dreg:$0x0]  }
0x2: {  	s4 =	rddreg [dreg:$0x1]  }
0x3: {  	s1 =	rddreg [dreg:$0x2]  }
0x4: {  	s2 =	srdreg.scid;
	s0 =	rddreg [dreg:$0x3];
	s3 =	simm.s32 $0x0  }
0x5: {  	s18 =	simm.s32 $0x2;
	s19 =	simm.s32 $0x50;
	s20 =	simm.s32 $0x2710  }
0x6: {  	s5 =	sand.u32 $0x1, s2;
	s2 =	stileid.u32;
	[smem:$0x7FF] =	sst s3  }
0x7: {  	s12 =	sadd.s32 $0x27000, s1;
	s6 =	smul.u32 $0x4E20, s5;
	s7 =	ssub.s32 $0x2, s5  }
0x8: {  	s8 =	smul.u32 $0x9C00, s2;
	_ =	strace $0x80000047;
	s31 =	sshll.u32 s2, $0x1  }
0x9: {  	s15 =	smul.u32 $0x2700, s2;
	p0 =	sne.s32 s2, $0xF;
	s30 =	sshrl.u32 s7, $0x1  }
0xa: {  	s9 =	sor.u32 s5, s31;
	s14 =	sadd.s32 s6, s4;
	s8 =	sshrl.u32 s8, $0x2  }
0xb: {  	s16 =	ssub.s32 s7, s30;
	s4 =	sadd.s32 s15, s1;
	s17 =	smul.u32 $0x4E2, s9  }
0xc: {  	s21 =	sshrl.u32 s15, $0x3;
	s11 =	sadd.s32 s8, s1;
	s14 =	sadd.s32 $0x1A00, s14  }
0xd: {  	s15 =	smax.u32 s16, $0x1;
	s16 =	simm.s32 $0x2C10;
	s5 =	sadd.s32 $0x500, s11  }
0xe: {  	s6 =	sadd.s32 $0xA00, s11;
	s7 =	sadd.s32 $0xF00, s11;
	s8 =	sadd.s32 $0x1400, s11  }
0xf: {  	vm0 =	vcmask $0x300;
	v0 =	vimm.f32 $0.0e+00;
	s9 =	sadd.s32 $0x1900, s11;
	s10 =	sadd.s32 $0x1E00, s11;
	s11 =	sadd.s32 $0x2300, s11  }
0x10: {  	v1 =	vsel vm0, $0x3F800000, v0;
	s13 =	sadd.s32 s13, s17;
	s17 =	simm.s32 $0x1;
	s21 =	sadd.s32 s21, s14  }
.LBB2_1:
0x11: {  	s22 =	simm.s32 $0x40;
	s23 =	simm.s32 $0x0  }
.LBB2_2:
0x12: {  	p1 =	sne.s32 s22, $0x13C0;
	[tilespmem:s23+$0x2710] =	vst v1;
	s24 =	smov.u32 s22;
	s22 =	sadd.s32 $0x40, s22  }
.Ltmp0:
0x13: {  	[tilespmem:s23+$0x2C10] =	vst v0;
	(pc) =	sbr.rel @p1 .LBB2_2-.Ltmp0, $2  }
0x14: {  	_ =	sdelay $0x2  }
0x15: {  	s23 =	sshra.s32 s24, $0x2  }
0x16: {  	[tilespmem:s23+$0x2710] =	vst v1  }
0x17: {  	[tilespmem:s23+$0x2C10] =	vst v0  }
0x18: {  	[spmem:s4] =	stream.linear.scatter [tilespmem:s16], [sflag:$0x1], $0x500, $0x38;
	[tilespmem:$0x5820] =	vst v63  }
0x19: {  	_ = 	snop  }
0x1a: {  	[spmem:s5] =	stream.linear.scatter [tilespmem:s16], [sflag:$0x1], $0x500, $0x38;
	[tilespmem:$0x5820] =	vst v63  }
0x1b: {  	_ = 	snop  }
0x1c: {  	[spmem:s6] =	stream.linear.scatter [tilespmem:s16], [sflag:$0x1], $0x500, $0x38;
	[tilespmem:$0x5820] =	vst v63  }
0x1d: {  	_ = 	snop  }
0x1e: {  	[spmem:s7] =	stream.linear.scatter [tilespmem:s16], [sflag:$0x1], $0x500, $0x38;
	[tilespmem:$0x5820] =	vst v63  }
0x1f: {  	_ = 	snop  }
0x20: {  	[spmem:s8] =	stream.linear.scatter [tilespmem:s16], [sflag:$0x1], $0x500, $0x38;
	[tilespmem:$0x5820] =	vst v63  }
0x21: {  	_ = 	snop  }
0x22: {  	[spmem:s9] =	stream.linear.scatter [tilespmem:s16], [sflag:$0x1], $0x500, $0x38;
	[tilespmem:$0x5820] =	vst v63  }
0x23: {  	_ = 	snop  }
0x24: {  	[spmem:s10] =	stream.linear.scatter [tilespmem:s16], [sflag:$0x1], $0x500, $0x38;
	[tilespmem:$0x5820] =	vst v63  }
0x25: {  	_ = 	snop  }
0x26: {  	[spmem:s11] =	stream.linear.scatter [tilespmem:s16], [sflag:$0x1], $0x400, $0x38;
	[tilespmem:$0x5820] =	vst v63  }
0x27: {  	_ =	swait.ge [sflag:s17], $0x500  }
0x28: {  	[sflag:s17] =	ssyncset.done $0x0  }
0x29: {  	[sflag:s17] =	ssyncadd.s32 $0xFFFFFB00  }
0x2a: {  	_ =	swait.ge [sflag:s17], $0x500  }
0x2b: {  	[sflag:s17] =	ssyncset.done $0x0  }
0x2c: {  	[sflag:s17] =	ssyncadd.s32 $0xFFFFFB00  }
0x2d: {  	_ =	swait.ge [sflag:s17], $0x500  }
0x2e: {  	[sflag:s17] =	ssyncset.done $0x0  }
0x2f: {  	[sflag:s17] =	ssyncadd.s32 $0xFFFFFB00  }
0x30: {  	_ =	swait.ge [sflag:s17], $0x500  }
0x31: {  	[sflag:s17] =	ssyncset.done $0x0  }
0x32: {  	[sflag:s17] =	ssyncadd.s32 $0xFFFFFB00  }
0x33: {  	_ =	swait.ge [sflag:s17], $0x500  }
0x34: {  	[sflag:s17] =	ssyncset.done $0x0  }
0x35: {  	[sflag:s17] =	ssyncadd.s32 $0xFFFFFB00  }
0x36: {  	_ =	swait.ge [sflag:s17], $0x500  }
0x37: {  	[sflag:s17] =	ssyncset.done $0x0  }
0x38: {  	[sflag:s17] =	ssyncadd.s32 $0xFFFFFB00  }
0x39: {  	_ =	swait.ge [sflag:s17], $0x500  }
0x3a: {  	[sflag:s17] =	ssyncset.done $0x0  }
0x3b: {  	[sflag:s17] =	ssyncadd.s32 $0xFFFFFB00  }
0x3c: {  	_ =	swait.ge [sflag:s17], $0x400  }
0x3d: {  	[sflag:s17] =	ssyncset.done $0x0  }
0x3e: {  	s22 =	simm.s32 @!p0 $0x2C10;
	[sflag:s17] =	ssyncadd.s32 $0xFFFFFC00  }
0x3f: {  	[spmem:s12] =	stream.linear.scatter @!p0 [tilespmem:s22], [sflag:$0x1], $0x100, $0x38;
	[tilespmem:$0x5820] =	vst v63  }
0x40: {  	s22 =	simm.s32 @!p0 $0x1  }
0x41: {  	_ =	swait.ge @!p0 [sflag:s22], $0x100  }
0x42: {  	[sflag:s22] =	ssyncset.done @!p0 $0x0  }
0x43: {  	[sflag:s22] =	ssyncadd.s32 @!p0 $0xFFFFFF00  }
0x44: {  	s22 =	simm.s32 $0x0;
	[bflag:$0x0] =	sbarrier.arrive $0xFFFF  }
0x45: {  	[tilespmem:s22], [sflag:$0x2] =	stream.linear.gather [hbm4b:s13+s22], $0x2710, $0x38;
	[tilespmem:$0x5820] =	vst v63  }
0x46: {  	_ =	swait.ge [sflag:s18], $0x2710  }
0x47: {  	[sflag:s18] =	ssyncset.done $0x0  }
0x48: {  	[sflag:s18] =	ssyncadd.s32 $0xFFFFD8F0  }
.LBB2_4:
0x49: {  	p1 =	sne.s32 s22, $0x9B00  }
.Ltmp1:
0x4a: {  	_ = 	snop;
	(pc) =	sbr.rel @p1 .LBB2_4-.Ltmp1, $3  }
0x4b: {  	_ =	sdelay $0x1  }
0x4c: {  	s23 =	sshra.s32 s22, $0x2;
	s22 =	sadd.s32 $0x140, s22  }
0x4d: {  	[spmem:s1] =	stream.indirect.scatter.add.f32 [tilespmem:s20], [sflag:$0x1], $0x10, s23, s19, $0xb8;
	[tilespmem:$0x5820] =	vst v63  }
0x4e: {  	_ =	swait.ge [sflag:s17], $0x500  }
0x4f: {  	s22 =	simm.s32 $0x7C;
	[sflag:s17] =	ssyncset.done $0x0  }
.LBB2_6:
0x50: {  	p1 =	sne.s32 s22, $0x1;
	s22 =	sadd.s32 $0xFFFFFFFF, s22;
	[sflag:s17] =	ssyncadd.s32 $0xFFFFFB00  }
.Ltmp2:
0x51: {  	(pc) =	sbr.rel @p1 .LBB2_6-.Ltmp2, $3  }
0x52: {  	_ =	sdelay $0x1  }
0x53: {  	_ =	swait.ge [sflag:s17], $0x500  }
0x54: {  	[sflag:s17] =	ssyncset.done $0x0  }
0x55: {  	[sflag:s17] =	ssyncadd.s32 $0xFFFFFB00;
	s22 =	sshll.u32 s2, $0x6  }
0x56: {  	s23 =	sshrl.u32 s4, $0x3;
	[bflag:$0x0] =	sbarrier.arrive $0xFFFF;
	s22 =	sor.u32 $0x1C02, s22  }
0x57: {  	[hbm:s21], [sflag:s22] =	dma.local [spmem:s23], $0x4E0  }
0x58: {  	_ =	swait.ge [sflag:s18], $0x4E0  }
0x59: {  	s24 =	sshrl.u32 @!p0 s12, $0x3;
	s3 =	sadd.s32 $0x1, s3;
	[sflag:s18] =	ssyncset.done $0x0  }
0x5a: {  	p1 =	sne.s32 s3, s15;
	s23 =	sadd.s32 @!p0 $0x4E00, s14;
	[sflag:s18] =	ssyncadd.s32 $0xFFFFFB20  }
0x5b: {  	[hbm:s23], [sflag:s22] =	dma.local @!p0 [spmem:s24], $0x20  }
.Ltmp3:
0x5c: {  	_ = 	snop;
	(pc) =	sbr.rel @p1 .LBB2_1-.Ltmp3, $4  }
0x5d: {  	s22 =	simm.s32 @!p0 $0x2  }
0x5e: {  	_ =	swait.ge @!p0 [sflag:s22], $0x20  }
0x5f: {  	[sflag:s22] =	ssyncset.done @!p0 $0x0  }
0x60: {  	[sflag:s22] =	ssyncadd.s32 @!p0 $0xFFFFFFE0  }
0x61: {  	_ =	sfence.sel $0x180000  }
0x62: {  	[bflag:$0x0] =	sbarrier.arrive $0xFFFF  }
0x63: {  	p0 =	sne.s32 s2, $0x0;
	_ =	strace $0x90000047  }
0x64: {  	s0 =	sadd.s32 @!p0 $0x100000, s0;
	[bflag:$0x2] =	sbarrier.arrive $0xFFFF  }
0x65: {  	[sflag:s0] =	ssyncadd.tile.s32 @!p0 $0x1;
	_ =	shalt  }
.Lfunc_end2:
_tile_overlayer_lowered:
.L_overlay_start_2:
0x66: {  	(tag) =	ssettag $0x2  }
0x67: {  	s0 =	rddreg [dreg:$0x0];
	s2 =	stileid.u32  }
0x68: {  	s1 =	rddreg [dreg:$0x1];
	p0 =	sne.s32 s2, $0x0  }
0x69: {  	s3 =	rddreg [dreg:$0x2];
	[bflag:$0x3] =	sbarrier.arrive $0xFFFF;
	s2 =	simm.s32 @!p0 $0x1C02  }
0x6a: {  	[timem:s3], [sflag:s2] =	dma.local @!p0 [hbm:s0], s1  }
0x6b: {  	s0 =	simm.s32 @!p0 $0x2  }
0x6c: {  	_ =	swait.ge @!p0 [sflag:s0], s1  }
0x6d: {  	s1 =	ssub.s32 @!p0 $0x0, s1;
	[sflag:s0] =	ssyncset.done @!p0 $0x0  }
0x6e: {  	[sflag:s0] =	ssyncadd.s32 @!p0 s1  }
0x6f: {  	[bflag:$0x3] =	sbarrier.arrive $0xFFFF  }
0x70: {  	_ =	shalt  }

</sc_bundles>
